<compile_context>
chip_gen: v7x
topology: tpu7x:2x2x1
jax: 0.10.2.dev20260603
libtpu: 0.0.44.dev20260713+nightly
codegen_flags: <defaults>
</compile_context>

<pallas_src>
import functools

import jax
import jax.numpy as jnp
from jax import lax
from jax.experimental import pallas as pl
from jax.experimental.pallas import tpu as pltpu
from jax.experimental.pallas import tpu_sc as plsc

_R = 50
_CUTOFF = 10.0


def _silu(v):
    return v * jax.nn.sigmoid(v)


def _prep_body(x_ref, wa_ref, wb_ref, b0_ref, xa_ref, xb_ref):
    xv = x_ref[...].astype(jnp.bfloat16)
    xa_ref[...] = jnp.dot(xv, wa_ref[...], preferred_element_type=jnp.float32) + b0_ref[...]
    xb_ref[...] = jnp.dot(xv, wb_ref[...], preferred_element_type=jnp.float32)


def _prep(x, waT, wbT, b0row, bn):
    n, h = x.shape
    grid = (n // bn,)
    full = lambda shape: pl.BlockSpec(shape, lambda i: (0, 0))
    return pl.pallas_call(
        _prep_body,
        grid=grid,
        in_specs=[
            pl.BlockSpec((bn, h), lambda i: (i, 0)),
            full(waT.shape),
            full(wbT.shape),
            full(b0row.shape),
        ],
        out_specs=[
            pl.BlockSpec((bn, h), lambda i: (i, 0)),
            pl.BlockSpec((bn, h), lambda i: (i, 0)),
        ],
        out_shape=[
            jax.ShapeDtypeStruct((n, h), jnp.float32),
            jax.ShapeDtypeStruct((n, h), jnp.float32),
        ],
    )(x, waT.astype(jnp.bfloat16), wbT.astype(jnp.bfloat16), b0row)


def _sc_gather_fused(xa, xb, row1d, col1d, w, wpw):
    n, h = xa.shape
    hw = h
    odt = jnp.float32
    e = row1d.shape[0]
    mesh = plsc.VectorSubcoreMesh(core_axis_name="core", subcore_axis_name="subcore")

    @functools.partial(
        pl.kernel,
        out_type=jax.ShapeDtypeStruct((e, hw), odt),
        mesh=mesh,
        cost_estimate=pl.CostEstimate(
            flops=2 * e * h,
            bytes_accessed=e * (2 * h * 4 + hw * 4 + 8),
            transcendentals=0,
        ),
        scratch_types=[
            pltpu.VMEM((w,), jnp.int32), pltpu.VMEM((w,), jnp.int32),
            pltpu.VMEM((w,), jnp.int32), pltpu.VMEM((w,), jnp.int32),
            pltpu.VMEM((w, h), jnp.float32), pltpu.VMEM((w, h), jnp.float32),
            pltpu.VMEM((w, h), jnp.float32), pltpu.VMEM((w, h), jnp.float32),
            pltpu.VMEM((w, hw), odt), pltpu.VMEM((w, hw), odt),
            pltpu.SemaphoreType.DMA, pltpu.SemaphoreType.DMA,
            pltpu.SemaphoreType.DMA, pltpu.SemaphoreType.DMA,
            pltpu.SemaphoreType.DMA, pltpu.SemaphoreType.DMA,
            pltpu.SemaphoreType.DMA,
        ],
    )
    def k(xa_hbm, xb_hbm, row_hbm, col_hbm, g_hbm,
          r0, r1, c0, c1, a0, a1, b0, b1, o0, o1,
          sa0, sa1, sb0, sb1, so0, so1, si):
        cid = lax.axis_index("core")
        sid = lax.axis_index("subcore")
        wid = sid * 2 + cid
        base = wid * wpw
        slots = ((r0, c0, a0, b0, o0, sa0, sb0, so0),
                 (r1, c1, a1, b1, o1, sa1, sb1, so1))

        def fire(slot, widx):
            r, c, a, b, _, sa, sb, _ = slots[slot]
            pltpu.async_copy(row_hbm.at[pl.ds(widx * w, w)], r, si).wait()
            pltpu.async_copy(col_hbm.at[pl.ds(widx * w, w)], c, si).wait()
            pltpu.async_copy(xa_hbm.at[r], a, sa)
            pltpu.async_copy(xb_hbm.at[c], b, sb)

        fire(0, base)

        def process(slot, g):
            r, c, a, b, o, sa, sb, so = slots[slot]

            @pl.when(g + 1 < wpw)
            def _():
                fire(1 - slot, base + g + 1)

            pltpu.make_async_copy(xa_hbm.at[r], a, sa).wait()
            pltpu.make_async_copy(xb_hbm.at[c], b, sb).wait()

            @pl.when(g >= 2)
            def _():
                pltpu.make_async_copy(o, g_hbm.at[pl.ds(0, w)], so).wait()

            @pl.loop(0, w)
            def _(i):
                for j in range(h // 16):
                    o[i, pl.ds(16 * j, 16)] = (a[i, pl.ds(16 * j, 16)]
                                               + b[i, pl.ds(16 * j, 16)])

            pltpu.async_copy(o, g_hbm.at[pl.ds((base + g) * w, w)], so)

        @pl.loop(0, wpw)
        def _(g):
            for slot in (0, 1):
                @pl.when((g & 1) == slot)
                def _():
                    process(slot, g)

        pltpu.make_async_copy(o0, g_hbm.at[pl.ds(0, w)], so0).wait()
        pltpu.make_async_copy(o1, g_hbm.at[pl.ds(0, w)], so1).wait()

    return k(xa, xb, row1d, col1d)


def _edge_body(g_ref, d_ref, w0cT_ref, w1T_ref, b1_ref, w2T_ref,
               b2_ref, m_ref):
    d = d_ref[...]
    step = _CUTOFF / (_R - 1)
    coeff = -0.5 / (step * step)
    offs = lax.broadcasted_iota(jnp.int32, (1, _R), 1).astype(jnp.float32) * step
    rf = jnp.exp(coeff * (d - offs) ** 2)
    pre = (g_ref[...]
           + jnp.dot(rf.astype(jnp.bfloat16), w0cT_ref[...],
                     preferred_element_type=jnp.float32))
    m0 = _silu(pre)
    m1 = _silu(jnp.dot(m0.astype(jnp.bfloat16), w1T_ref[...],
                       preferred_element_type=jnp.float32) + b1_ref[...])
    m_ref[...] = jnp.dot(m1.astype(jnp.bfloat16), w2T_ref[...],
                         preferred_element_type=jnp.float32) + b2_ref[...]


def _edge_mlp(g, dcol, w0cT, w1T, b1row, w2T, b2row, be):
    e, h = g.shape
    hp = h
    grid = (e // be,)
    full = lambda a: pl.BlockSpec(a.shape, lambda i: tuple(0 for _ in a.shape))
    return pl.pallas_call(
        _edge_body,
        grid=grid,
        in_specs=[
            pl.BlockSpec((be, hp), lambda i: (i, 0)),
            pl.BlockSpec((be, 1), lambda i: (i, 0)),
            full(w0cT),
            full(w1T),
            full(b1row),
            full(w2T),
            full(b2row),
        ],
        out_specs=pl.BlockSpec((be, h), lambda i: (i, 0)),
        out_shape=jax.ShapeDtypeStruct((e, h), jnp.float32),
    )(g, dcol, w0cT, w1T, b1row, w2T, b2row)


def _sc_scatter(ms, colgs, n, window):
    nchunk = len(ms)
    e, h = ms[0].shape
    nsub = 16
    npad = (n + 16 * 8 * 5 - 1) // (16 * 8 * 5) * (16 * 8 * 5)
    nps = npad // nsub
    zr = nps // 10
    mesh = plsc.VectorSubcoreMesh(core_axis_name="core", subcore_axis_name="subcore")

    @functools.partial(
        pl.kernel,
        out_type=jax.ShapeDtypeStruct((2, npad, h), jnp.float32),
        mesh=mesh,
        scratch_types=[
            pltpu.VMEM_SHARED((npad, h), jnp.float32),
            pltpu.VMEM((zr, h), jnp.float32),
        ],
    )
    def k(*refs):
        m_hbms = refs[:nchunk]
        col_hbms = refs[nchunk:2 * nchunk]
        out_hbm = refs[2 * nchunk]
        acc = refs[2 * nchunk + 1]
        zbuf = refs[2 * nchunk + 2]
        cid = lax.axis_index("core")
        sid = lax.axis_index("subcore")

        @pl.loop(0, zr)
        def _(i):
            @pl.loop(0, h, step=16)
            def _(j):
                zbuf.at[i, pl.ds(j, 16)][...] = jnp.zeros((16,), jnp.float32)

        @pl.loop(0, nps, step=zr)
        def _(r):
            pltpu.sync_copy(zbuf, acc.at[pl.ds(sid * nps + r, zr)])

        plsc.subcore_barrier()

        def body(m_vmem, i_vmem):
            pltpu.sync_copy(m_vmem, acc.at[i_vmem.at[0]], add=True)

        for j in range(nchunk):
            ej = m_hbms[j].shape[0]
            pltpu.emit_pipeline(
                body,
                grid=(ej // window,),
                in_specs=[
                    pl.BlockSpec((window, h), lambda i: (i, 0)),
                    pl.BlockSpec((1, window), lambda i: (i, 0)),
                ],
                out_specs=[],
                core_axis_name=("core", "subcore"),
                dimension_semantics=(pltpu.PARALLEL,),
            )(m_hbms[j], col_hbms[j])

        plsc.subcore_barrier()

        @pl.loop(0, nps, step=zr)
        def _(r):
            pltpu.sync_copy(acc.at[pl.ds(sid * nps + r, zr)],
                            out_hbm.at[cid, pl.ds(sid * nps + r, zr)])

    return k(*ms, *colgs)


def _node_body(x_ref, a0_ref, a1_ref, uwaT_ref, uwbT_ref, ub0_ref, uw1T_ref,
               ub1_ref, iw0T_ref, ib0_ref, iw1T_ref, ib1_ref, v_ref):
    bf = jnp.bfloat16
    agg = (a0_ref[0] + a1_ref[0]).astype(bf)
    u = _silu(jnp.dot(x_ref[...].astype(bf), uwaT_ref[...], preferred_element_type=jnp.float32)
              + jnp.dot(agg, uwbT_ref[...], preferred_element_type=jnp.float32)
              + ub0_ref[...])
    u = jnp.dot(u.astype(bf), uw1T_ref[...], preferred_element_type=jnp.float32) + ub1_ref[...]
    v = _silu(jnp.dot(u.astype(bf), iw0T_ref[...], preferred_element_type=jnp.float32) + ib0_ref[...])
    v_ref[...] = jnp.dot(v.astype(bf), iw1T_ref[...], preferred_element_type=jnp.float32) + ib1_ref[...]


def _node_mlp(x, agg2, uwaT, uwbT, ub0row, uw1T, ub1row, iw0T, ib0row, iw1T,
              ib1row, bn):
    n, h = x.shape
    grid = (n // bn,)
    full = lambda a: pl.BlockSpec(a.shape, lambda i: tuple(0 for _ in a.shape))
    return pl.pallas_call(
        _node_body,
        grid=grid,
        in_specs=[
            pl.BlockSpec((bn, h), lambda i: (i, 0)),
            pl.BlockSpec((1, bn, h), lambda i: (0, i, 0)),
            pl.BlockSpec((1, bn, h), lambda i: (1, i, 0)),
            full(uwaT), full(uwbT), full(ub0row), full(uw1T), full(ub1row),
            full(iw0T), full(ib0row), full(iw1T), full(ib1row),
        ],
        out_specs=pl.BlockSpec((bn, h), lambda i: (i, 0)),
        out_shape=jax.ShapeDtypeStruct((n, h), jnp.float32),
    )(x, agg2, agg2, uwaT, uwbT, ub0row, uw1T, ub1row, iw0T, ib0row, iw1T, ib1row)


def kernel(x, edge_index, edge_attr, distances, msg_W0, msg_b0, msg_W1,
           msg_b1, msg_W2, msg_b2, upd_W0, upd_b0, upd_W1, upd_b1, int_W0,
           int_b0, int_W1, int_b1):
    n, h = x.shape
    e = edge_index.shape[1]

    waT = msg_W0[:, :h].T
    wbT = msg_W0[:, h:2 * h].T
    w0cT = msg_W0[:, 2 * h:].T
    b0row = msg_b0.reshape(1, -1)
    w1T, b1row = msg_W1.T, msg_b1.reshape(1, -1)
    w2T, b2row = msg_W2.T, msg_b2.reshape(1, -1)
    uwaT = upd_W0[:, :h].T
    uwbT = upd_W0[:, h:].T
    ub0row = upd_b0.reshape(1, -1)
    uw1T, ub1row = upd_W1.T, upd_b1.reshape(1, -1)
    iw0T, ib0row = int_W0.T, int_b0.reshape(1, -1)
    iw1T, ib1row = int_W1.T, int_b1.reshape(1, -1)

    row2d = edge_index[0].reshape(1, e).astype(jnp.int32)
    col2d = edge_index[1].reshape(1, e).astype(jnp.int32)
    dcol = distances.reshape(e, 1)

    bf = jnp.bfloat16
    xa, xb = _prep(x, waT, wbT, b0row, bn=2000)

    gw = 80
    sw = 128
    wpw = e // (32 * gw)
    g = _sc_gather_fused(xa, xb, row2d[0], col2d[0], gw, wpw)
    m = _edge_mlp(g, dcol, w0cT.astype(bf), w1T.astype(bf),
                  b1row, w2T.astype(bf), b2row, be=1280)
    agg2 = _sc_scatter([m], [col2d[0].reshape(e // sw, sw)], n, window=sw)
    return _node_mlp(x, agg2, uwaT.astype(bf), uwbT.astype(bf), ub0row,
                     uw1T.astype(bf), ub1row, iw0T.astype(bf), ib0row,
                     iw1T.astype(bf), ib1row, bn=2000)

# --- scband reference (transcript-rebuilt; emitter-appended) ---
"""Pipeline reference for scband-directional-message-passing-27041114095748 (READ-ONLY COPY).

The authoritative reference and input builder live on the scoring server;
editing this copy changes nothing except your own understanding.
"""

import jax, jax.numpy as jnp
import numpy as np

N = 10000
E = 320000
H = 128
NF = 128
R = 50
DE = 16
CUTOFF = 10.0


def _lin_params(key, fan_in, fan_out):
    lim = 1.0 / np.sqrt(fan_in)
    kw, kb = jax.random.split(key)
    W = jax.random.uniform(kw, (fan_out, fan_in), jnp.float32, -lim, lim)
    b = jax.random.uniform(kb, (fan_out,), jnp.float32, -lim, lim)
    return W, b


def setup_inputs(seed: int = 0):
    key = jax.random.key(seed)
    ks = jax.random.split(key, 12)
    inp = {}
    inp['x'] = jax.random.normal(ks[0], (N, H), jnp.float32)
    inp['edge_index'] = jax.random.randint(ks[1], (2, E), 0, N)
    inp['edge_attr'] = jax.random.normal(ks[2], (E, DE), jnp.float32)
    inp['distances'] = jax.random.uniform(ks[3], (E,), jnp.float32) * CUTOFF
    inp['msg_W0'], inp['msg_b0'] = _lin_params(ks[4], 2 * H + R, NF)
    inp['msg_W1'], inp['msg_b1'] = _lin_params(ks[5], NF, NF)
    inp['msg_W2'], inp['msg_b2'] = _lin_params(ks[6], NF, H)
    inp['upd_W0'], inp['upd_b0'] = _lin_params(ks[7], 2 * H, H)
    inp['upd_W1'], inp['upd_b1'] = _lin_params(ks[8], H, H)
    inp['int_W0'], inp['int_b0'] = _lin_params(ks[9], H, H)
    inp['int_W1'], inp['int_b1'] = _lin_params(ks[10], H, H)
    return inp


def _silu(v):
    return v * jax.nn.sigmoid(v)


def _gaussian_smearing(d):
    offset = jnp.linspace(0.0, CUTOFF, R)
    coeff = -0.5 / (offset[1] - offset[0]) ** 2
    return jnp.exp(coeff * (d[:, None] - offset[None, :]) ** 2)


def reference(x, edge_index, edge_attr, distances, msg_W0, msg_b0, msg_W1, msg_b1, msg_W2, msg_b2, upd_W0, upd_b0, upd_W1, upd_b1, int_W0, int_b0, int_W1, int_b1):
    rf = _gaussian_smearing(distances)
    row = edge_index[0]
    col = edge_index[1]
    ef = jnp.concatenate([x[row], x[col], rf], axis=-1)
    m = _silu(ef @ msg_W0.T + msg_b0)
    m = _silu(m @ msg_W1.T + msg_b1)
    m = m @ msg_W2.T + msg_b2
    agg = jnp.zeros_like(x).at[col].add(m)
    u = _silu(jnp.concatenate([x, agg], axis=-1) @ upd_W0.T + upd_b0)
    u = u @ upd_W1.T + upd_b1
    v = _silu(u @ int_W0.T + int_b0)
    v = v @ int_W1.T + int_b1
    return v

if __name__ == "__main__":
    import jax
    _d = setup_inputs()
    print(jax.jit(kernel)(*tuple(_d.values())))

</pallas_src>

<mosaic_0001>
#map = affine_map<(d0, d1) -> (0, 0)>
#map1 = affine_map<(d0, d1) -> (0, 0, 0)>
module attributes {stable_mosaic.version = 14 : i64} {
  func.func @k(%arg0: i32, %arg1: i32, %arg2: memref<320000x128xf32, #tpu.memory_space<hbm>>, %arg3: memref<2500x128xi32, #tpu.memory_space<hbm>>, %arg4: memref<2x10240x128xf32, #tpu.memory_space<hbm>>, %arg5: memref<10240x128xf32, #tpu.memory_space<vmem_shared>>, %arg6: memref<64x128xf32, #tpu.memory_space<vmem>>) attributes {dimension_semantics = [#tpu.dimension_semantics<core_parallel>, #tpu.dimension_semantics<subcore_parallel>], iteration_bounds = array<i64: 2, 16>, scalar_prefetch = 0 : i64, scratch_operands = 2 : i64, tpu.core_type = #tpu.core_type<sc_vector_subcore>, window_params = [{transform_indices = #map}, {transform_indices = #map}, {transform_indices = #map1}]} {
    %scan3A = arith.constant 0 : i32
    %scan3A_0 = arith.constant 64 : i32
    %scan3A_1 = arith.addi %scan3A, %scan3A_0 : i32
    %scan3A_2 = arith.constant 1 : i32
    scf.for %scan3A_32 = %scan3A to %scan3A_1 step %scan3A_2  : i32 {
      %mul3A_33 = arith.constant 1 : i32
      %mul3A_34 = arith.muli %scan3A_32, %mul3A_33 : i32
      %add3A_35 = arith.constant 0 : i32
      %add3A_36 = arith.addi %add3A_35, %mul3A_34 : i32
      %scan3A_37 = arith.constant 0 : i32
      %scan3A_38 = arith.constant 8 : i32
      %scan3A_39 = arith.addi %scan3A_37, %scan3A_38 : i32
      %scan3A_40 = arith.constant 1 : i32
      scf.for %scan3A_42 = %scan3A_37 to %scan3A_39 step %scan3A_40  : i32 {
        %mul3A_43 = arith.constant 16 : i32
        %mul3A_44 = arith.muli %scan3A_42, %mul3A_43 : i32
        %add3A_45 = arith.constant 0 : i32
        %add3A_46 = arith.addi %add3A_45, %mul3A_44 : i32
        %broadcast_in_dim3A = arith.constant 0.000000e+00 : f32
        %broadcast_in_dim3A_47 = vector.broadcast %broadcast_in_dim3A : f32 to vector<16xf32>
        %swap3A = arith.index_cast %add3A_36 : i32 to index
        %swap3A_48 = arith.index_cast %add3A_46 : i32 to index
        %swap3A_49 = tpu.vector_load %arg6[%swap3A, %swap3A_48] {strides = array<i32>} : memref<64x128xf32, #tpu.memory_space<vmem>>, vector<1x16xf32>,
        %swap3A_50 = vector.shape_cast %swap3A_49 : vector<1x16xf32> to vector<16xf32>
        %swap3A_51 = vector.shape_cast %broadcast_in_dim3A_47 : vector<16xf32> to vector<1x16xf32>
        tpu.vector_store %arg6[%swap3A, %swap3A_48], %swap3A_51 {strides = array<i32>} : memref<64x128xf32, #tpu.memory_space<vmem>>, vector<1x16xf32>,
      }
      %scan3A_41 = arith.constant 8 : i32
    }
    %scan3A_3 = arith.constant 64 : i32
    %scan3A_4 = arith.constant 0 : i32
    %scan3A_5 = arith.constant 10 : i32
    %scan3A_6 = arith.addi %scan3A_4, %scan3A_5 : i32
    %scan3A_7 = arith.constant 1 : i32
    scf.for %scan3A_32 = %scan3A_4 to %scan3A_6 step %scan3A_7  : i32 {
      %mul3A_33 = arith.constant 64 : i32
      %mul3A_34 = arith.muli %scan3A_32, %mul3A_33 : i32
      %add3A_35 = arith.constant 0 : i32
      %add3A_36 = arith.addi %add3A_35, %mul3A_34 : i32
      %mul3A_37 = arith.constant 640 : i32
      %mul3A_38 = arith.muli %arg1, %mul3A_37 : i32
      %add3A_39 = arith.addi %mul3A_38, %add3A_36 : i32
      "tpu.region"() ({
        %run_scoped3A = tpu.sem_alloc : memref<!tpu.dma_semaphore, #tpu.memory_space<semaphore_mem>>
        %dma_start3A = arith.constant 0 : i32
        %dma_start3A_40 = tpu.memref_slice %arg5[%add3A_39, %dma_start3A] : memref<10240x128xf32, #tpu.memory_space<vmem_shared>> -> memref<64x128xf32, #tpu.memory_space<vmem_shared>>
        %dma_start3A_41 = arith.constant 0 : i32
        %dma_start3A_42 = tpu.memref_slice %arg5[%add3A_39, %dma_start3A_41] : memref<10240x128xf32, #tpu.memory_space<vmem_shared>> -> memref<64x128xf32, #tpu.memory_space<vmem_shared>>
        tpu.enqueue_dma source(%arg6 : memref<64x128xf32, #tpu.memory_space<vmem>>) target(%dma_start3A_42 : memref<64x128xf32, #tpu.memory_space<vmem_shared>>) target_semaphore(%run_scoped3A : memref<!tpu.dma_semaphore, #tpu.memory_space<semaphore_mem>>)
        %dma_wait3A = arith.constant 0 : i32
        %dma_wait3A_43 = tpu.memref_slice %arg5[%add3A_39, %dma_wait3A] : memref<10240x128xf32, #tpu.memory_space<vmem_shared>> -> memref<64x128xf32, #tpu.memory_space<vmem_shared>>
        %dma_wait3A_44 = arith.constant 0 : i32
        %dma_wait3A_45 = tpu.memref_slice %arg5[%add3A_39, %dma_wait3A_44] : memref<10240x128xf32, #tpu.memory_space<vmem_shared>> -> memref<64x128xf32, #tpu.memory_space<vmem_shared>>
        tpu.wait_dma2 semaphore(%run_scoped3A : memref<!tpu.dma_semaphore, #tpu.memory_space<semaphore_mem>>) src(%arg6 : memref<64x128xf32, #tpu.memory_space<vmem>>) dst(%dma_wait3A_45 : memref<64x128xf32, #tpu.memory_space<vmem_shared>>)
        tpu.yield
      }) : () -> ()
    }
    %scan3A_8 = arith.constant 10 : i32
    %barrier3A = arith.constant 0 : index
    tpu.barrier barrier_id(%barrier3A)
    %mul3A = arith.constant 1 : i32
    %mul3A_9 = arith.muli %arg1, %mul3A : i32
    %add3A = arith.constant 0 : i32
    %add3A_10 = arith.addi %add3A, %mul3A_9 : i32
    %mul3A_11 = arith.constant 16 : i32
    %mul3A_12 = arith.muli %arg0, %mul3A_11 : i32
    %add3A_13 = arith.addi %add3A_10, %mul3A_12 : i32
    %lt3A = arith.constant 4 : i32
    %lt3A_14 = arith.cmpi slt, %add3A_13, %lt3A : i32
    %jit3A = arith.constant 79 : i32
    %jit3A_15 = arith.constant 78 : i32
    %select_n3A = arith.select %lt3A_14, %jit3A, %jit3A_15 : i32
    %lt3A_16 = arith.constant 4 : i32
    %lt3A_17 = arith.cmpi slt, %add3A_13, %lt3A_16 : i32
    %mul3A_18 = arith.muli %add3A_13, %select_n3A : i32
    %mul3A_19 = arith.constant 78 : i32
    %mul3A_20 = arith.muli %add3A_13, %mul3A_19 : i32
    %add3A_21 = arith.constant 4 : i32
    %add3A_22 = arith.addi %mul3A_20, %add3A_21 : i32
    %select_n3A_23 = arith.select %lt3A_17, %mul3A_18, %add3A_22 : i32
    %mul3A_24 = arith.constant 1 : i32
    %mul3A_25 = arith.muli %mul3A_24, %select_n3A : i32
    "tpu.region"() ({
      %run_scoped3A = memref.alloca() : memref<2x128x128xf32, #tpu.memory_space<vmem>>
      %run_scoped3A_32 = tpu.sem_alloc : memref<2x!tpu.dma_semaphore, #tpu.memory_space<semaphore_mem>>
      %run_scoped3A_33 = memref.alloca() : memref<2x1x128xi32, #tpu.memory_space<vmem>>
      %run_scoped3A_34 = tpu.sem_alloc : memref<2x!tpu.dma_semaphore, #tpu.memory_space<semaphore_mem>>
      %gt3A = arith.constant 0 : i32
      %gt3A_35 = arith.cmpi sgt, %mul3A_25, %gt3A : i32
      %convert_element_type3A = arith.extui %gt3A_35 : i1 to i32
      %cond3A = arith.constant 0 : i32
      %cond3A_36 = arith.cmpi ne, %convert_element_type3A, %cond3A : i32
      scf.if %cond3A_36 {
        %mul3A_37 = arith.constant 1 : i32
        %mul3A_38 = arith.muli %mul3A_37, %select_n3A : i32
        %sub3A = arith.constant 1 : i32
        %sub3A_39 = arith.subi %mul3A_38, %sub3A : i32
        %eq3A = arith.constant 0 : i32
        %eq3A_40 = arith.cmpi eq, %sub3A_39, %eq3A : i32
        %add3A_41 = arith.constant 0 : i32
        %add3A_42 = arith.addi %add3A_41, %select_n3A_23 : i32
        %select_n3A_43 = arith.constant true
        %select_n3A_44 = arith.constant 0 : i32
        %select_n3A_45 = arith.constant -1 : i32
        %select_n3A_46 = arith.select %select_n3A_43, %select_n3A_45, %select_n3A_44 : i32
        %eq3A_47 = arith.constant -1 : i32
        %eq3A_48 = arith.cmpi eq, %select_n3A_46, %eq3A_47 : i32
        %sub3A_49 = arith.constant 1 : i32
        %sub3A_50 = arith.subi %select_n3A, %sub3A_49 : i32
        %select_n3A_51 = arith.select %eq3A_48, %sub3A_50, %select_n3A_46 : i32
        %add3A_52 = arith.addi %select_n3A_51, %select_n3A_23 : i32
        %select_n3A_53 = arith.constant true
        %select_n3A_54 = arith.constant 0 : i32
        %select_n3A_55 = arith.constant 1 : i32
        %select_n3A_56 = arith.select %select_n3A_53, %select_n3A_55, %select_n3A_54 : i32
        %eq3A_57 = arith.cmpi eq, %select_n3A_56, %select_n3A : i32
        %select_n3A_58 = arith.constant 0 : i32
        %select_n3A_59 = arith.select %eq3A_57, %select_n3A_58, %select_n3A_56 : i32
        %add3A_60 = arith.addi %select_n3A_59, %select_n3A_23 : i32
        %add3A_61 = arith.constant 1 : i32
        %add3A_62 = arith.addi %select_n3A_59, %add3A_61 : i32
        %select_n3A_63 = arith.constant true
        %select_n3A_64 = arith.select %select_n3A_63, %add3A_62, %select_n3A_59 : i32
        %eq3A_65 = arith.cmpi eq, %select_n3A_64, %select_n3A : i32
        %select_n3A_66 = arith.constant 0 : i32
        %select_n3A_67 = arith.select %eq3A_65, %select_n3A_66, %select_n3A_64 : i32
        %add3A_68 = arith.addi %select_n3A_67, %select_n3A_23 : i32
        "tpu.trace_start"() <{level = 10 : i32, message = "ep_initialize_0"}> : () -> ()
        %rem3A = arith.constant 0 : i32
        %rem3A_69 = arith.constant 2 : i32
        %rem3A_70 = arith.remui %rem3A, %rem3A_69 : i32
        %mul3A_71 = arith.constant 128 : i32
        %mul3A_72 = arith.muli %mul3A_71, %add3A_42 : i32
        %dma_start3A = arith.constant 0 : i32
        %dma_start3A_73 = arith.constant 0 : i32
        %dma_start3A_74 = tpu.memref_slice %run_scoped3A[%rem3A_70, %dma_start3A, %dma_start3A_73] : memref<2x128x128xf32, #tpu.memory_space<vmem>> -> memref<1x128x128xf32, #tpu.memory_space<vmem>>
        %dma_start3A_75 = tpu.memref_squeeze %dma_start3A_74 : memref<1x128x128xf32, #tpu.memory_space<vmem>> -> memref<128x128xf32, #tpu.memory_space<vmem>>
        %dma_start3A_76 = arith.constant 0 : i32
        %dma_start3A_77 = tpu.memref_slice %arg2[%mul3A_72, %dma_start3A_76] : memref<320000x128xf32, #tpu.memory_space<hbm>> -> memref<128x128xf32, #tpu.memory_space<hbm>>
        %dma_start3A_78 = tpu.memref_slice %run_scoped3A_32[%rem3A_70] : memref<2x!tpu.dma_semaphore, #tpu.memory_space<semaphore_mem>> -> memref<1x!tpu.dma_semaphore, #tpu.memory_space<semaphore_mem>>
        %dma_start3A_79 = tpu.memref_squeeze %dma_start3A_78 : memref<1x!tpu.dma_semaphore, #tpu.memory_space<semaphore_mem>> -> memref<!tpu.dma_semaphore, #tpu.memory_space<semaphore_mem>>
        %dma_start3A_80 = arith.constant 0 : i32
        %dma_start3A_81 = arith.constant 0 : i32
        %dma_start3A_82 = tpu.memref_slice %run_scoped3A[%rem3A_70, %dma_start3A_80, %dma_start3A_81] : memref<2x128x128xf32, #tpu.memory_space<vmem>> -> memref<1x128x128xf32, #tpu.memory_space<vmem>>
        %dma_start3A_83 = tpu.memref_squeeze %dma_start3A_82 : memref<1x128x128xf32, #tpu.memory_space<vmem>> -> memref<128x128xf32, #tpu.memory_space<vmem>>
        %dma_start3A_84 = arith.constant 0 : i32
        %dma_start3A_85 = tpu.memref_slice %arg2[%mul3A_72, %dma_start3A_84] : memref<320000x128xf32, #tpu.memory_space<hbm>> -> memref<128x128xf32, #tpu.memory_space<hbm>>
        tpu.enqueue_dma source(%dma_start3A_85 : memref<128x128xf32, #tpu.memory_space<hbm>>) target(%dma_start3A_83 : memref<128x128xf32, #tpu.memory_space<vmem>>) target_semaphore(%dma_start3A_79 : memref<!tpu.dma_semaphore, #tpu.memory_space<semaphore_mem>>)
        %add3A_86 = arith.constant 0 : i32
        %add3A_87 = arith.constant 1 : i32
        %add3A_88 = arith.addi %add3A_86, %add3A_87 : i32
        %select_n3A_89 = arith.constant true
        %select_n3A_90 = arith.constant 0 : i32
        %select_n3A_91 = arith.select %select_n3A_89, %add3A_88, %select_n3A_90 : i32
        %rem3A_92 = arith.constant 0 : i32
        %rem3A_93 = arith.constant 2 : i32
        %rem3A_94 = arith.remui %rem3A_92, %rem3A_93 : i32
        %mul3A_95 = arith.constant 1 : i32
        %mul3A_96 = arith.muli %mul3A_95, %add3A_42 : i32
        %dma_start3A_97 = arith.constant 0 : i32
        %dma_start3A_98 = arith.constant 0 : i32
        %dma_start3A_99 = tpu.memref_slice %run_scoped3A_33[%rem3A_94, %dma_start3A_97, %dma_start3A_98] : memref<2x1x128xi32, #tpu.memory_space<vmem>> -> memref<1x1x128xi32, #tpu.memory_space<vmem>>
        %dma_start3A_100 = tpu.memref_squeeze %dma_start3A_99 : memref<1x1x128xi32, #tpu.memory_space<vmem>> -> memref<1x128xi32, #tpu.memory_space<vmem>>
        %dma_start3A_101 = arith.constant 0 : i32
        %dma_start3A_102 = tpu.memref_slice %arg3[%mul3A_96, %dma_start3A_101] : memref<2500x128xi32, #tpu.memory_space<hbm>> -> memref<1x128xi32, #tpu.memory_space<hbm>>
        %dma_start3A_103 = tpu.memref_slice %run_scoped3A_34[%rem3A_94] : memref<2x!tpu.dma_semaphore, #tpu.memory_space<semaphore_mem>> -> memref<1x!tpu.dma_semaphore, #tpu.memory_space<semaphore_mem>>
        %dma_start3A_104 = tpu.memref_squeeze %dma_start3A_103 : memref<1x!tpu.dma_semaphore, #tpu.memory_space<semaphore_mem>> -> memref<!tpu.dma_semaphore, #tpu.memory_space<semaphore_mem>>
        %dma_start3A_105 = arith.constant 0 : i32
        %dma_start3A_106 = arith.constant 0 : i32
        %dma_start3A_107 = tpu.memref_slice %run_scoped3A_33[%rem3A_94, %dma_start3A_105, %dma_start3A_106] : memref<2x1x128xi32, #tpu.memory_space<vmem>> -> memref<1x1x128xi32, #tpu.memory_space<vmem>>
        %dma_start3A_108 = tpu.memref_squeeze %dma_start3A_107 : memref<1x1x128xi32, #tpu.memory_space<vmem>> -> memref<1x128xi32, #tpu.memory_space<vmem>>
        %dma_start3A_109 = arith.constant 0 : i32
        %dma_start3A_110 = tpu.memref_slice %arg3[%mul3A_96, %dma_start3A_109] : memref<2500x128xi32, #tpu.memory_space<hbm>> -> memref<1x128xi32, #tpu.memory_space<hbm>>
        tpu.enqueue_dma source(%dma_start3A_110 : memref<1x128xi32, #tpu.memory_space<hbm>>) target(%dma_start3A_108 : memref<1x128xi32, #tpu.memory_space<vmem>>) target_semaphore(%dma_start3A_104 : memref<!tpu.dma_semaphore, #tpu.memory_space<semaphore_mem>>)
        %add3A_111 = arith.constant 0 : i32
        %add3A_112 = arith.constant 1 : i32
        %add3A_113 = arith.addi %add3A_111, %add3A_112 : i32
        %select_n3A_114 = arith.constant true
        %select_n3A_115 = arith.constant 0 : i32
        %select_n3A_116 = arith.select %select_n3A_114, %add3A_113, %select_n3A_115 : i32
        %while3A = arith.constant 0 : i32
        %while3A_117 = arith.constant 0 : i32
        %while3A_118 = arith.constant 0 : i32
        %while3A_119 = arith.constant 0 : i32
        "tpu.trace_stop"() : () -> ()
        %while3A_120 = arith.subi %mul3A_25, %while3A : i32
        %while3A_121 = arith.addi %while3A, %while3A_120 : i32
        %while3A_122 = arith.constant 1 : i32
        %while3A_123 = arith.divsi %while3A_120, %while3A_122 : i32
        %while3A_124 = arith.muli %while3A_123, %while3A_122 : i32
        %while3A_125 = arith.addi %while3A, %while3A_124 : i32
        %while3A_126 = arith.constant 1 : i32
        %while3A_127:5 = scf.for %while3A_181 = %while3A to %while3A_125 step %while3A_126 iter_args(%while3A_182 = %select_n3A_91, %while3A_183 = %while3A_117, %while3A_184 = %select_n3A_116, %while3A_185 = %while3A_118, %while3A_186 = %while3A_119) -> (i32, i32, i32, i32, i32)  : i32 {
          %mul3A_187 = arith.constant 1 : i32
          %mul3A_188 = arith.muli %mul3A_187, %select_n3A : i32
          %eq3A_189 = arith.constant 0 : i32
          %eq3A_190 = arith.cmpi eq, %while3A_181, %eq3A_189 : i32
          %sub3A_191 = arith.constant 1 : i32
          %sub3A_192 = arith.subi %mul3A_188, %sub3A_191 : i32
          %eq3A_193 = arith.cmpi eq, %while3A_181, %sub3A_192 : i32
          %add3A_194 = arith.addi %while3A_186, %select_n3A_23 : i32
          %sub3A_195 = arith.constant 1 : i32
          %sub3A_196 = arith.subi %while3A_186, %sub3A_195 : i32
          %select_n3A_197 = arith.constant true
          %select_n3A_198 = arith.select %select_n3A_197, %sub3A_196, %while3A_186 : i32
          %eq3A_199 = arith.constant -1 : i32
          %eq3A_200 = arith.cmpi eq, %select_n3A_198, %eq3A_199 : i32
          %sub3A_201 = arith.constant 1 : i32
          %sub3A_202 = arith.subi %select_n3A, %sub3A_201 : i32
          %select_n3A_203 = arith.select %eq3A_200, %sub3A_202, %select_n3A_198 : i32
          %add3A_204 = arith.addi %select_n3A_203, %select_n3A_23 : i32
          %add3A_205 = arith.constant 1 : i32
          %add3A_206 = arith.addi %while3A_186, %add3A_205 : i32
          %select_n3A_207 = arith.constant true
          %select_n3A_208 = arith.select %select_n3A_207, %add3A_206, %while3A_186 : i32
          %eq3A_209 = arith.cmpi eq, %select_n3A_208, %select_n3A : i32
          %select_n3A_210 = arith.constant 0 : i32
          %select_n3A_211 = arith.select %eq3A_209, %select_n3A_210, %select_n3A_208 : i32
          %add3A_212 = arith.addi %select_n3A_211, %select_n3A_23 : i32
          %add3A_213 = arith.constant 1 : i32
          %add3A_214 = arith.addi %select_n3A_211, %add3A_213 : i32
          %select_n3A_215 = arith.constant true
          %select_n3A_216 = arith.select %select_n3A_215, %add3A_214, %select_n3A_211 : i32
          %eq3A_217 = arith.cmpi eq, %select_n3A_216, %select_n3A : i32
          %select_n3A_218 = arith.constant 0 : i32
          %select_n3A_219 = arith.select %eq3A_217, %select_n3A_218, %select_n3A_216 : i32
          %add3A_220 = arith.addi %select_n3A_219, %select_n3A_23 : i32
          %ne3A = arith.cmpi ne, %add3A_194, %add3A_212 : i32
          %or3A = arith.constant false
          %or3A_221 = arith.ori %or3A, %ne3A : i1
          %or3A_222 = arith.constant false
          %or3A_223 = arith.ori %or3A_221, %or3A_222 : i1
          %sub3A_224 = arith.constant 2 : i32
          %sub3A_225 = arith.subi %mul3A_188, %sub3A_224 : i32
          %add3A_226 = arith.constant 1 : i32
          %add3A_227 = arith.addi %sub3A_225, %add3A_226 : i32
          %ge3A = arith.cmpi sge, %while3A_181, %add3A_227 : i32
          %not3A = arith.constant true
          %not3A_228 = arith.xori %ge3A, %not3A : i1
          %and3A = arith.andi %or3A_223, %not3A_228 : i1
          %convert_element_type3A_229 = arith.extui %and3A : i1 to i32
          %cond3A_230 = arith.constant 0 : i32
          %cond3A_231 = arith.cmpi ne, %convert_element_type3A_229, %cond3A_230 : i32
          scf.if %cond3A_231 {
            "tpu.trace_start"() <{level = 10 : i32, message = "ep_copy_in"}> : () -> ()
            %rem3A_354 = arith.constant 2 : i32
            %rem3A_355 = arith.remui %while3A_182, %rem3A_354 : i32
            %mul3A_356 = arith.constant 128 : i32
            %mul3A_357 = arith.muli %mul3A_356, %add3A_212 : i32
            %dma_start3A_358 = arith.constant 0 : i32
            %dma_start3A_359 = arith.constant 0 : i32
            %dma_start3A_360 = tpu.memref_slice %run_scoped3A[%rem3A_355, %dma_start3A_358, %dma_start3A_359] : memref<2x128x128xf32, #tpu.memory_space<vmem>> -> memref<1x128x128xf32, #tpu.memory_space<vmem>>
            %dma_start3A_361 = tpu.memref_squeeze %dma_start3A_360 : memref<1x128x128xf32, #tpu.memory_space<vmem>> -> memref<128x128xf32, #tpu.memory_space<vmem>>
            %dma_start3A_362 = arith.constant 0 : i32
            %dma_start3A_363 = tpu.memref_slice %arg2[%mul3A_357, %dma_start3A_362] : memref<320000x128xf32, #tpu.memory_space<hbm>> -> memref<128x128xf32, #tpu.memory_space<hbm>>
            %dma_start3A_364 = tpu.memref_slice %run_scoped3A_32[%rem3A_355] : memref<2x!tpu.dma_semaphore, #tpu.memory_space<semaphore_mem>> -> memref<1x!tpu.dma_semaphore, #tpu.memory_space<semaphore_mem>>
            %dma_start3A_365 = tpu.memref_squeeze %dma_start3A_364 : memref<1x!tpu.dma_semaphore, #tpu.memory_space<semaphore_mem>> -> memref<!tpu.dma_semaphore, #tpu.memory_space<semaphore_mem>>
            %dma_start3A_366 = arith.constant 0 : i32
            %dma_start3A_367 = arith.constant 0 : i32
            %dma_start3A_368 = tpu.memref_slice %run_scoped3A[%rem3A_355, %dma_start3A_366, %dma_start3A_367] : memref<2x128x128xf32, #tpu.memory_space<vmem>> -> memref<1x128x128xf32, #tpu.memory_space<vmem>>
            %dma_start3A_369 = tpu.memref_squeeze %dma_start3A_368 : memref<1x128x128xf32, #tpu.memory_space<vmem>> -> memref<128x128xf32, #tpu.memory_space<vmem>>
            %dma_start3A_370 = arith.constant 0 : i32
            %dma_start3A_371 = tpu.memref_slice %arg2[%mul3A_357, %dma_start3A_370] : memref<320000x128xf32, #tpu.memory_space<hbm>> -> memref<128x128xf32, #tpu.memory_space<hbm>>
            tpu.enqueue_dma source(%dma_start3A_371 : memref<128x128xf32, #tpu.memory_space<hbm>>) target(%dma_start3A_369 : memref<128x128xf32, #tpu.memory_space<vmem>>) target_semaphore(%dma_start3A_365 : memref<!tpu.dma_semaphore, #tpu.memory_space<semaphore_mem>>)
            "tpu.trace_stop"() : () -> ()
          } else {
          }
          %and3A_232 = arith.constant true
          %and3A_233 = arith.andi %and3A, %and3A_232 : i1
          %add3A_234 = arith.constant 1 : i32
          %add3A_235 = arith.addi %while3A_182, %add3A_234 : i32
          %select_n3A_236 = arith.select %and3A_233, %add3A_235, %while3A_182 : i32
          %ne3A_237 = arith.cmpi ne, %add3A_194, %add3A_212 : i32
          %or3A_238 = arith.constant false
          %or3A_239 = arith.ori %or3A_238, %ne3A_237 : i1
          %or3A_240 = arith.constant false
          %or3A_241 = arith.ori %or3A_239, %or3A_240 : i1
          %sub3A_242 = arith.constant 2 : i32
          %sub3A_243 = arith.subi %mul3A_188, %sub3A_242 : i32
          %add3A_244 = arith.constant 1 : i32
          %add3A_245 = arith.addi %sub3A_243, %add3A_244 : i32
          %ge3A_246 = arith.cmpi sge, %while3A_181, %add3A_245 : i32
          %not3A_247 = arith.constant true
          %not3A_248 = arith.xori %ge3A_246, %not3A_247 : i1
          %and3A_249 = arith.andi %or3A_241, %not3A_248 : i1
          %convert_element_type3A_250 = arith.extui %and3A_249 : i1 to i32
          %cond3A_251 = arith.constant 0 : i32
          %cond3A_252 = arith.cmpi ne, %convert_element_type3A_250, %cond3A_251 : i32
          scf.if %cond3A_252 {
            "tpu.trace_start"() <{level = 10 : i32, message = "ep_copy_in"}> : () -> ()
            %rem3A_354 = arith.constant 2 : i32
            %rem3A_355 = arith.remui %while3A_184, %rem3A_354 : i32
            %mul3A_356 = arith.constant 1 : i32
            %mul3A_357 = arith.muli %mul3A_356, %add3A_212 : i32
            %dma_start3A_358 = arith.constant 0 : i32
            %dma_start3A_359 = arith.constant 0 : i32
            %dma_start3A_360 = tpu.memref_slice %run_scoped3A_33[%rem3A_355, %dma_start3A_358, %dma_start3A_359] : memref<2x1x128xi32, #tpu.memory_space<vmem>> -> memref<1x1x128xi32, #tpu.memory_space<vmem>>
            %dma_start3A_361 = tpu.memref_squeeze %dma_start3A_360 : memref<1x1x128xi32, #tpu.memory_space<vmem>> -> memref<1x128xi32, #tpu.memory_space<vmem>>
            %dma_start3A_362 = arith.constant 0 : i32
            %dma_start3A_363 = tpu.memref_slice %arg3[%mul3A_357, %dma_start3A_362] : memref<2500x128xi32, #tpu.memory_space<hbm>> -> memref<1x128xi32, #tpu.memory_space<hbm>>
            %dma_start3A_364 = tpu.memref_slice %run_scoped3A_34[%rem3A_355] : memref<2x!tpu.dma_semaphore, #tpu.memory_space<semaphore_mem>> -> memref<1x!tpu.dma_semaphore, #tpu.memory_space<semaphore_mem>>
            %dma_start3A_365 = tpu.memref_squeeze %dma_start3A_364 : memref<1x!tpu.dma_semaphore, #tpu.memory_space<semaphore_mem>> -> memref<!tpu.dma_semaphore, #tpu.memory_space<semaphore_mem>>
            %dma_start3A_366 = arith.constant 0 : i32
            %dma_start3A_367 = arith.constant 0 : i32
            %dma_start3A_368 = tpu.memref_slice %run_scoped3A_33[%rem3A_355, %dma_start3A_366, %dma_start3A_367] : memref<2x1x128xi32, #tpu.memory_space<vmem>> -> memref<1x1x128xi32, #tpu.memory_space<vmem>>
            %dma_start3A_369 = tpu.memref_squeeze %dma_start3A_368 : memref<1x1x128xi32, #tpu.memory_space<vmem>> -> memref<1x128xi32, #tpu.memory_space<vmem>>
            %dma_start3A_370 = arith.constant 0 : i32
            %dma_start3A_371 = tpu.memref_slice %arg3[%mul3A_357, %dma_start3A_370] : memref<2500x128xi32, #tpu.memory_space<hbm>> -> memref<1x128xi32, #tpu.memory_space<hbm>>
            tpu.enqueue_dma source(%dma_start3A_371 : memref<1x128xi32, #tpu.memory_space<hbm>>) target(%dma_start3A_369 : memref<1x128xi32, #tpu.memory_space<vmem>>) target_semaphore(%dma_start3A_365 : memref<!tpu.dma_semaphore, #tpu.memory_space<semaphore_mem>>)
            "tpu.trace_stop"() : () -> ()
          } else {
          }
          %and3A_253 = arith.constant true
          %and3A_254 = arith.andi %and3A_249, %and3A_253 : i1
          %add3A_255 = arith.constant 1 : i32
          %add3A_256 = arith.addi %while3A_184, %add3A_255 : i32
          %select_n3A_257 = arith.select %and3A_254, %add3A_256, %while3A_184 : i32
          %ne3A_258 = arith.cmpi ne, %add3A_194, %add3A_204 : i32
          %or3A_259 = arith.constant false
          %or3A_260 = arith.ori %or3A_259, %ne3A_258 : i1
          %or3A_261 = arith.constant false
          %or3A_262 = arith.ori %or3A_260, %or3A_261 : i1
          %or3A_263 = arith.ori %or3A_262, %eq3A_190 : i1
          %convert_element_type3A_264 = arith.extui %or3A_263 : i1 to i32
          %cond3A_265 = arith.constant 0 : i32
          %cond3A_266 = arith.cmpi ne, %convert_element_type3A_264, %cond3A_265 : i32
          scf.if %cond3A_266 {
            "tpu.trace_start"() <{level = 10 : i32, message = "ep_wait_in"}> : () -> ()
            %mul3A_354 = arith.constant 128 : i32
            %mul3A_355 = arith.muli %mul3A_354, %add3A_194 : i32
            %rem3A_356 = arith.constant 2 : i32
            %rem3A_357 = arith.remui %while3A_183, %rem3A_356 : i32
            %dma_wait3A = arith.constant 0 : i32
            %dma_wait3A_358 = arith.constant 0 : i32
            %dma_wait3A_359 = tpu.memref_slice %run_scoped3A[%rem3A_357, %dma_wait3A, %dma_wait3A_358] : memref<2x128x128xf32, #tpu.memory_space<vmem>> -> memref<1x128x128xf32, #tpu.memory_space<vmem>>
            %dma_wait3A_360 = tpu.memref_squeeze %dma_wait3A_359 : memref<1x128x128xf32, #tpu.memory_space<vmem>> -> memref<128x128xf32, #tpu.memory_space<vmem>>
            %dma_wait3A_361 = arith.constant 0 : i32
            %dma_wait3A_362 = tpu.memref_slice %arg2[%mul3A_355, %dma_wait3A_361] : memref<320000x128xf32, #tpu.memory_space<hbm>> -> memref<128x128xf32, #tpu.memory_space<hbm>>
            %dma_wait3A_363 = tpu.memref_slice %run_scoped3A_32[%rem3A_357] : memref<2x!tpu.dma_semaphore, #tpu.memory_space<semaphore_mem>> -> memref<1x!tpu.dma_semaphore, #tpu.memory_space<semaphore_mem>>
            %dma_wait3A_364 = tpu.memref_squeeze %dma_wait3A_363 : memref<1x!tpu.dma_semaphore, #tpu.memory_space<semaphore_mem>> -> memref<!tpu.dma_semaphore, #tpu.memory_space<semaphore_mem>>
            %dma_wait3A_365 = arith.constant 0 : i32
            %dma_wait3A_366 = arith.constant 0 : i32
            %dma_wait3A_367 = tpu.memref_slice %run_scoped3A[%rem3A_357, %dma_wait3A_365, %dma_wait3A_366] : memref<2x128x128xf32, #tpu.memory_space<vmem>> -> memref<1x128x128xf32, #tpu.memory_space<vmem>>
            %dma_wait3A_368 = tpu.memref_squeeze %dma_wait3A_367 : memref<1x128x128xf32, #tpu.memory_space<vmem>> -> memref<128x128xf32, #tpu.memory_space<vmem>>
            %dma_wait3A_369 = arith.constant 0 : i32
            %dma_wait3A_370 = tpu.memref_slice %arg2[%mul3A_355, %dma_wait3A_369] : memref<320000x128xf32, #tpu.memory_space<hbm>> -> memref<128x128xf32, #tpu.memory_space<hbm>>
            tpu.wait_dma2 semaphore(%dma_wait3A_364 : memref<!tpu.dma_semaphore, #tpu.memory_space<semaphore_mem>>) src(%dma_wait3A_370 : memref<128x128xf32, #tpu.memory_space<hbm>>) dst(%dma_wait3A_368 : memref<128x128xf32, #tpu.memory_space<vmem>>)
            "tpu.trace_stop"() : () -> ()
          } else {
          }
          %ne3A_267 = arith.cmpi ne, %add3A_194, %add3A_204 : i32
          %or3A_268 = arith.constant false
          %or3A_269 = arith.ori %or3A_268, %ne3A_267 : i1
          %or3A_270 = arith.constant false
          %or3A_271 = arith.ori %or3A_269, %or3A_270 : i1
          %or3A_272 = arith.ori %or3A_271, %eq3A_190 : i1
          %convert_element_type3A_273 = arith.extui %or3A_272 : i1 to i32
          %cond3A_274 = arith.constant 0 : i32
          %cond3A_275 = arith.cmpi ne, %convert_element_type3A_273, %cond3A_274 : i32
          scf.if %cond3A_275 {
            "tpu.trace_start"() <{level = 10 : i32, message = "ep_wait_in"}> : () -> ()
            %mul3A_354 = arith.constant 1 : i32
            %mul3A_355 = arith.muli %mul3A_354, %add3A_194 : i32
            %rem3A_356 = arith.constant 2 : i32
            %rem3A_357 = arith.remui %while3A_185, %rem3A_356 : i32
            %dma_wait3A = arith.constant 0 : i32
            %dma_wait3A_358 = arith.constant 0 : i32
            %dma_wait3A_359 = tpu.memref_slice %run_scoped3A_33[%rem3A_357, %dma_wait3A, %dma_wait3A_358] : memref<2x1x128xi32, #tpu.memory_space<vmem>> -> memref<1x1x128xi32, #tpu.memory_space<vmem>>
            %dma_wait3A_360 = tpu.memref_squeeze %dma_wait3A_359 : memref<1x1x128xi32, #tpu.memory_space<vmem>> -> memref<1x128xi32, #tpu.memory_space<vmem>>
            %dma_wait3A_361 = arith.constant 0 : i32
            %dma_wait3A_362 = tpu.memref_slice %arg3[%mul3A_355, %dma_wait3A_361] : memref<2500x128xi32, #tpu.memory_space<hbm>> -> memref<1x128xi32, #tpu.memory_space<hbm>>
            %dma_wait3A_363 = tpu.memref_slice %run_scoped3A_34[%rem3A_357] : memref<2x!tpu.dma_semaphore, #tpu.memory_space<semaphore_mem>> -> memref<1x!tpu.dma_semaphore, #tpu.memory_space<semaphore_mem>>
            %dma_wait3A_364 = tpu.memref_squeeze %dma_wait3A_363 : memref<1x!tpu.dma_semaphore, #tpu.memory_space<semaphore_mem>> -> memref<!tpu.dma_semaphore, #tpu.memory_space<semaphore_mem>>
            %dma_wait3A_365 = arith.constant 0 : i32
            %dma_wait3A_366 = arith.constant 0 : i32
            %dma_wait3A_367 = tpu.memref_slice %run_scoped3A_33[%rem3A_357, %dma_wait3A_365, %dma_wait3A_366] : memref<2x1x128xi32, #tpu.memory_space<vmem>> -> memref<1x1x128xi32, #tpu.memory_space<vmem>>
            %dma_wait3A_368 = tpu.memref_squeeze %dma_wait3A_367 : memref<1x1x128xi32, #tpu.memory_space<vmem>> -> memref<1x128xi32, #tpu.memory_space<vmem>>
            %dma_wait3A_369 = arith.constant 0 : i32
            %dma_wait3A_370 = tpu.memref_slice %arg3[%mul3A_355, %dma_wait3A_369] : memref<2500x128xi32, #tpu.memory_space<hbm>> -> memref<1x128xi32, #tpu.memory_space<hbm>>
            tpu.wait_dma2 semaphore(%dma_wait3A_364 : memref<!tpu.dma_semaphore, #tpu.memory_space<semaphore_mem>>) src(%dma_wait3A_370 : memref<1x128xi32, #tpu.memory_space<hbm>>) dst(%dma_wait3A_368 : memref<1x128xi32, #tpu.memory_space<vmem>>)
            "tpu.trace_stop"() : () -> ()
          } else {
          }
          %rem3A_276 = arith.constant 2 : i32
          %rem3A_277 = arith.remui %while3A_183, %rem3A_276 : i32
          %rem3A_278 = arith.constant 2 : i32
          %rem3A_279 = arith.remui %while3A_185, %rem3A_278 : i32
          %run_scoped3A_280 = arith.constant 0 : i32
          "tpu.trace_start"() <{level = 10 : i32, message = "ep_run_kernel"}> : () -> ()
          "tpu.region"() ({
            %run_scoped3A_354 = tpu.sem_alloc : memref<!tpu.dma_semaphore, #tpu.memory_space<semaphore_mem>>
            %dma_start3A_355 = arith.constant 0 : i32
            %dma_start3A_356 = arith.constant 0 : i32
            %dma_start3A_357 = tpu.memref_slice %run_scoped3A[%rem3A_277, %dma_start3A_355, %dma_start3A_356] : memref<2x128x128xf32, #tpu.memory_space<vmem>> -> memref<1x128x128xf32, #tpu.memory_space<vmem>>
            %dma_start3A_358 = tpu.memref_squeeze %dma_start3A_357 : memref<1x128x128xf32, #tpu.memory_space<vmem>> -> memref<128x128xf32, #tpu.memory_space<vmem>>
            %dma_start3A_359 = arith.constant 0 : i32
            %dma_start3A_360 = arith.constant 0 : i32
            %dma_start3A_361 = tpu.memref_slice %run_scoped3A_33[%rem3A_279, %dma_start3A_359, %dma_start3A_360] : memref<2x1x128xi32, #tpu.memory_space<vmem>> -> memref<1x1x128xi32, #tpu.memory_space<vmem>>
            %dma_start3A_362 = tpu.memref_squeeze %dma_start3A_361 : memref<1x1x128xi32, #tpu.memory_space<vmem>> -> memref<1x128xi32, #tpu.memory_space<vmem>>
            %dma_start3A_363 = arith.constant 0 : i32
            %dma_start3A_364 = tpu.memref_slice %dma_start3A_362[%run_scoped3A_280, %dma_start3A_363] : memref<1x128xi32, #tpu.memory_space<vmem>> -> memref<1x128xi32, #tpu.memory_space<vmem>>
            %dma_start3A_365 = tpu.memref_squeeze %dma_start3A_364 : memref<1x128xi32, #tpu.memory_space<vmem>> -> memref<128xi32, #tpu.memory_space<vmem>>
            %dma_start3A_366 = arith.constant 0 : i32
            %dma_start3A_367 = arith.constant 0 : i32
            %dma_start3A_368 = tpu.memref_slice %arg5[%dma_start3A_366, %dma_start3A_367] : memref<10240x128xf32, #tpu.memory_space<vmem_shared>> -> memref<10240x128xf32, #tpu.memory_space<vmem_shared>>
            tpu.enqueue_indirect_dma source(%dma_start3A_358 : memref<128x128xf32, #tpu.memory_space<vmem>>) target(%dma_start3A_368 : memref<10240x128xf32, #tpu.memory_space<vmem_shared>>) offsets(%dma_start3A_365 : memref<128xi32, #tpu.memory_space<vmem>>) semaphore(%run_scoped3A_354 : memref<!tpu.dma_semaphore, #tpu.memory_space<semaphore_mem>>) {add = true}
            %dma_wait3A = arith.constant 0 : i32
            %dma_wait3A_369 = arith.constant 0 : i32
            %dma_wait3A_370 = tpu.memref_slice %run_scoped3A[%rem3A_277, %dma_wait3A, %dma_wait3A_369] : memref<2x128x128xf32, #tpu.memory_space<vmem>> -> memref<1x128x128xf32, #tpu.memory_space<vmem>>
            %dma_wait3A_371 = tpu.memref_squeeze %dma_wait3A_370 : memref<1x128x128xf32, #tpu.memory_space<vmem>> -> memref<128x128xf32, #tpu.memory_space<vmem>>
            %dma_wait3A_372 = arith.constant 0 : i32
            %dma_wait3A_373 = arith.constant 0 : i32
            %dma_wait3A_374 = tpu.memref_slice %run_scoped3A_33[%rem3A_279, %dma_wait3A_372, %dma_wait3A_373] : memref<2x1x128xi32, #tpu.memory_space<vmem>> -> memref<1x1x128xi32, #tpu.memory_space<vmem>>
            %dma_wait3A_375 = tpu.memref_squeeze %dma_wait3A_374 : memref<1x1x128xi32, #tpu.memory_space<vmem>> -> memref<1x128xi32, #tpu.memory_space<vmem>>
            %dma_wait3A_376 = arith.constant 0 : i32
            %dma_wait3A_377 = tpu.memref_slice %dma_wait3A_375[%run_scoped3A_280, %dma_wait3A_376] : memref<1x128xi32, #tpu.memory_space<vmem>> -> memref<1x128xi32, #tpu.memory_space<vmem>>
            %dma_wait3A_378 = tpu.memref_squeeze %dma_wait3A_377 : memref<1x128xi32, #tpu.memory_space<vmem>> -> memref<128xi32, #tpu.memory_space<vmem>>
            %dma_wait3A_379 = arith.constant 0 : i32
            %dma_wait3A_380 = arith.constant 0 : i32
            %dma_wait3A_381 = tpu.memref_slice %arg5[%dma_wait3A_379, %dma_wait3A_380] : memref<10240x128xf32, #tpu.memory_space<vmem_shared>> -> memref<10240x128xf32, #tpu.memory_space<vmem_shared>>
            tpu.wait_indirect_dma semaphore(%run_scoped3A_354 : memref<!tpu.dma_semaphore, #tpu.memory_space<semaphore_mem>>) src(%dma_wait3A_371 : memref<128x128xf32, #tpu.memory_space<vmem>>) dst(%dma_wait3A_381 : memref<10240x128xf32, #tpu.memory_space<vmem_shared>>)
            tpu.yield
          }) : () -> ()
          "tpu.trace_stop"() : () -> ()
          %ne3A_281 = arith.cmpi ne, %add3A_194, %add3A_212 : i32
          %or3A_282 = arith.constant false
          %or3A_283 = arith.ori %or3A_282, %ne3A_281 : i1
          %or3A_284 = arith.constant false
          %or3A_285 = arith.ori %or3A_283, %or3A_284 : i1
          %or3A_286 = arith.ori %or3A_285, %eq3A_193 : i1
          %convert_element_type3A_287 = arith.extui %or3A_286 : i1 to i32
          %cond3A_288 = arith.constant 0 : i32
          %cond3A_289 = arith.cmpi ne, %convert_element_type3A_287, %cond3A_288 : i32
          scf.if %cond3A_289 {
          } else {
          }
          %and3A_290 = arith.constant false
          %and3A_291 = arith.andi %or3A_286, %and3A_290 : i1
          %ne3A_292 = arith.cmpi ne, %add3A_194, %add3A_212 : i32
          %or3A_293 = arith.constant false
          %or3A_294 = arith.ori %or3A_293, %ne3A_292 : i1
          %or3A_295 = arith.constant false
          %or3A_296 = arith.ori %or3A_294, %or3A_295 : i1
          %or3A_297 = arith.ori %or3A_296, %eq3A_193 : i1
          %convert_element_type3A_298 = arith.extui %or3A_297 : i1 to i32
          %cond3A_299 = arith.constant 0 : i32
          %cond3A_300 = arith.cmpi ne, %convert_element_type3A_298, %cond3A_299 : i32
          scf.if %cond3A_300 {
          } else {
          }
          %and3A_301 = arith.constant false
          %and3A_302 = arith.andi %or3A_297, %and3A_301 : i1
          %ne3A_303 = arith.cmpi ne, %add3A_194, %add3A_204 : i32
          %or3A_304 = arith.constant false
          %or3A_305 = arith.ori %or3A_304, %ne3A_303 : i1
          %or3A_306 = arith.constant false
          %or3A_307 = arith.ori %or3A_305, %or3A_306 : i1
          %not3A_308 = arith.constant true
          %not3A_309 = arith.xori %eq3A_190, %not3A_308 : i1
          %and3A_310 = arith.andi %or3A_307, %not3A_309 : i1
          %convert_element_type3A_311 = arith.extui %and3A_310 : i1 to i32
          %cond3A_312 = arith.constant 0 : i32
          %cond3A_313 = arith.cmpi ne, %convert_element_type3A_311, %cond3A_312 : i32
          scf.if %cond3A_313 {
          } else {
          }
          %and3A_314 = arith.constant false
          %and3A_315 = arith.andi %and3A_310, %and3A_314 : i1
          %ne3A_316 = arith.cmpi ne, %add3A_194, %add3A_204 : i32
          %or3A_317 = arith.constant false
          %or3A_318 = arith.ori %or3A_317, %ne3A_316 : i1
          %or3A_319 = arith.constant false
          %or3A_320 = arith.ori %or3A_318, %or3A_319 : i1
          %not3A_321 = arith.constant true
          %not3A_322 = arith.xori %eq3A_190, %not3A_321 : i1
          %and3A_323 = arith.andi %or3A_320, %not3A_322 : i1
          %convert_element_type3A_324 = arith.extui %and3A_323 : i1 to i32
          %cond3A_325 = arith.constant 0 : i32
          %cond3A_326 = arith.cmpi ne, %convert_element_type3A_324, %cond3A_325 : i32
          scf.if %cond3A_326 {
          } else {
          }
          %and3A_327 = arith.constant false
          %and3A_328 = arith.andi %and3A_323, %and3A_327 : i1
          %ne3A_329 = arith.cmpi ne, %add3A_194, %add3A_212 : i32
          %or3A_330 = arith.constant false
          %or3A_331 = arith.ori %or3A_330, %ne3A_329 : i1
          %or3A_332 = arith.constant false
          %or3A_333 = arith.ori %or3A_331, %or3A_332 : i1
          %or3A_334 = arith.ori %or3A_333, %eq3A_193 : i1
          %add3A_335 = arith.constant 1 : i32
          %add3A_336 = arith.addi %while3A_183, %add3A_335 : i32
          %select_n3A_337 = arith.select %or3A_334, %add3A_336, %while3A_183 : i32
          %ne3A_338 = arith.cmpi ne, %add3A_194, %add3A_212 : i32
          %or3A_339 = arith.constant false
          %or3A_340 = arith.ori %or3A_339, %ne3A_338 : i1
          %or3A_341 = arith.constant false
          %or3A_342 = arith.ori %or3A_340, %or3A_341 : i1
          %or3A_343 = arith.ori %or3A_342, %eq3A_193 : i1
          %add3A_344 = arith.constant 1 : i32
          %add3A_345 = arith.addi %while3A_185, %add3A_344 : i32
          %select_n3A_346 = arith.select %or3A_343, %add3A_345, %while3A_185 : i32
          %add3A_347 = arith.constant 1 : i32
          %add3A_348 = arith.addi %while3A_186, %add3A_347 : i32
          %select_n3A_349 = arith.constant true
          %select_n3A_350 = arith.select %select_n3A_349, %add3A_348, %while3A_186 : i32
          %eq3A_351 = arith.cmpi eq, %select_n3A_350, %select_n3A : i32
          %select_n3A_352 = arith.constant 0 : i32
          %select_n3A_353 = arith.select %eq3A_351, %select_n3A_352, %select_n3A_350 : i32
          scf.yield %select_n3A_236, %select_n3A_337, %select_n3A_257, %select_n3A_346, %select_n3A_353 : i32, i32, i32, i32, i32
        }
        %while3A_128 = arith.constant 1 : i32
        %while3A_129:5 = scf.for %while3A_181 = %while3A_125 to %while3A_121 step %while3A_128 iter_args(%while3A_182 = %while3A_127#0, %while3A_183 = %while3A_127#1, %while3A_184 = %while3A_127#2, %while3A_185 = %while3A_127#3, %while3A_186 = %while3A_127#4) -> (i32, i32, i32, i32, i32)  : i32 {
          %mul3A_187 = arith.constant 1 : i32
          %mul3A_188 = arith.muli %mul3A_187, %select_n3A : i32
          %eq3A_189 = arith.constant 0 : i32
          %eq3A_190 = arith.cmpi eq, %while3A_181, %eq3A_189 : i32
          %sub3A_191 = arith.constant 1 : i32
          %sub3A_192 = arith.subi %mul3A_188, %sub3A_191 : i32
          %eq3A_193 = arith.cmpi eq, %while3A_181, %sub3A_192 : i32
          %add3A_194 = arith.addi %while3A_186, %select_n3A_23 : i32
          %sub3A_195 = arith.constant 1 : i32
          %sub3A_196 = arith.subi %while3A_186, %sub3A_195 : i32
          %select_n3A_197 = arith.constant true
          %select_n3A_198 = arith.select %select_n3A_197, %sub3A_196, %while3A_186 : i32
          %eq3A_199 = arith.constant -1 : i32
          %eq3A_200 = arith.cmpi eq, %select_n3A_198, %eq3A_199 : i32
          %sub3A_201 = arith.constant 1 : i32
          %sub3A_202 = arith.subi %select_n3A, %sub3A_201 : i32
          %select_n3A_203 = arith.select %eq3A_200, %sub3A_202, %select_n3A_198 : i32
          %add3A_204 = arith.addi %select_n3A_203, %select_n3A_23 : i32
          %add3A_205 = arith.constant 1 : i32
          %add3A_206 = arith.addi %while3A_186, %add3A_205 : i32
          %select_n3A_207 = arith.constant true
          %select_n3A_208 = arith.select %select_n3A_207, %add3A_206, %while3A_186 : i32
          %eq3A_209 = arith.cmpi eq, %select_n3A_208, %select_n3A : i32
          %select_n3A_210 = arith.constant 0 : i32
          %select_n3A_211 = arith.select %eq3A_209, %select_n3A_210, %select_n3A_208 : i32
          %add3A_212 = arith.addi %select_n3A_211, %select_n3A_23 : i32
          %add3A_213 = arith.constant 1 : i32
          %add3A_214 = arith.addi %select_n3A_211, %add3A_213 : i32
          %select_n3A_215 = arith.constant true
          %select_n3A_216 = arith.select %select_n3A_215, %add3A_214, %select_n3A_211 : i32
          %eq3A_217 = arith.cmpi eq, %select_n3A_216, %select_n3A : i32
          %select_n3A_218 = arith.constant 0 : i32
          %select_n3A_219 = arith.select %eq3A_217, %select_n3A_218, %select_n3A_216 : i32
          %add3A_220 = arith.addi %select_n3A_219, %select_n3A_23 : i32
          %ne3A = arith.cmpi ne, %add3A_194, %add3A_212 : i32
          %or3A = arith.constant false
          %or3A_221 = arith.ori %or3A, %ne3A : i1
          %or3A_222 = arith.constant false
          %or3A_223 = arith.ori %or3A_221, %or3A_222 : i1
          %sub3A_224 = arith.constant 2 : i32
          %sub3A_225 = arith.subi %mul3A_188, %sub3A_224 : i32
          %add3A_226 = arith.constant 1 : i32
          %add3A_227 = arith.addi %sub3A_225, %add3A_226 : i32
          %ge3A = arith.cmpi sge, %while3A_181, %add3A_227 : i32
          %not3A = arith.constant true
          %not3A_228 = arith.xori %ge3A, %not3A : i1
          %and3A = arith.andi %or3A_223, %not3A_228 : i1
          %convert_element_type3A_229 = arith.extui %and3A : i1 to i32
          %cond3A_230 = arith.constant 0 : i32
          %cond3A_231 = arith.cmpi ne, %convert_element_type3A_229, %cond3A_230 : i32
          scf.if %cond3A_231 {
            "tpu.trace_start"() <{level = 10 : i32, message = "ep_copy_in"}> : () -> ()
            %rem3A_354 = arith.constant 2 : i32
            %rem3A_355 = arith.remui %while3A_182, %rem3A_354 : i32
            %mul3A_356 = arith.constant 128 : i32
            %mul3A_357 = arith.muli %mul3A_356, %add3A_212 : i32
            %dma_start3A_358 = arith.constant 0 : i32
            %dma_start3A_359 = arith.constant 0 : i32
            %dma_start3A_360 = tpu.memref_slice %run_scoped3A[%rem3A_355, %dma_start3A_358, %dma_start3A_359] : memref<2x128x128xf32, #tpu.memory_space<vmem>> -> memref<1x128x128xf32, #tpu.memory_space<vmem>>
            %dma_start3A_361 = tpu.memref_squeeze %dma_start3A_360 : memref<1x128x128xf32, #tpu.memory_space<vmem>> -> memref<128x128xf32, #tpu.memory_space<vmem>>
            %dma_start3A_362 = arith.constant 0 : i32
            %dma_start3A_363 = tpu.memref_slice %arg2[%mul3A_357, %dma_start3A_362] : memref<320000x128xf32, #tpu.memory_space<hbm>> -> memref<128x128xf32, #tpu.memory_space<hbm>>
            %dma_start3A_364 = tpu.memref_slice %run_scoped3A_32[%rem3A_355] : memref<2x!tpu.dma_semaphore, #tpu.memory_space<semaphore_mem>> -> memref<1x!tpu.dma_semaphore, #tpu.memory_space<semaphore_mem>>
            %dma_start3A_365 = tpu.memref_squeeze %dma_start3A_364 : memref<1x!tpu.dma_semaphore, #tpu.memory_space<semaphore_mem>> -> memref<!tpu.dma_semaphore, #tpu.memory_space<semaphore_mem>>
            %dma_start3A_366 = arith.constant 0 : i32
            %dma_start3A_367 = arith.constant 0 : i32
            %dma_start3A_368 = tpu.memref_slice %run_scoped3A[%rem3A_355, %dma_start3A_366, %dma_start3A_367] : memref<2x128x128xf32, #tpu.memory_space<vmem>> -> memref<1x128x128xf32, #tpu.memory_space<vmem>>
            %dma_start3A_369 = tpu.memref_squeeze %dma_start3A_368 : memref<1x128x128xf32, #tpu.memory_space<vmem>> -> memref<128x128xf32, #tpu.memory_space<vmem>>
            %dma_start3A_370 = arith.constant 0 : i32
            %dma_start3A_371 = tpu.memref_slice %arg2[%mul3A_357, %dma_start3A_370] : memref<320000x128xf32, #tpu.memory_space<hbm>> -> memref<128x128xf32, #tpu.memory_space<hbm>>
            tpu.enqueue_dma source(%dma_start3A_371 : memref<128x128xf32, #tpu.memory_space<hbm>>) target(%dma_start3A_369 : memref<128x128xf32, #tpu.memory_space<vmem>>) target_semaphore(%dma_start3A_365 : memref<!tpu.dma_semaphore, #tpu.memory_space<semaphore_mem>>)
            "tpu.trace_stop"() : () -> ()
          } else {
          }
          %and3A_232 = arith.constant true
          %and3A_233 = arith.andi %and3A, %and3A_232 : i1
          %add3A_234 = arith.constant 1 : i32
          %add3A_235 = arith.addi %while3A_182, %add3A_234 : i32
          %select_n3A_236 = arith.select %and3A_233, %add3A_235, %while3A_182 : i32
          %ne3A_237 = arith.cmpi ne, %add3A_194, %add3A_212 : i32
          %or3A_238 = arith.constant false
          %or3A_239 = arith.ori %or3A_238, %ne3A_237 : i1
          %or3A_240 = arith.constant false
          %or3A_241 = arith.ori %or3A_239, %or3A_240 : i1
          %sub3A_242 = arith.constant 2 : i32
          %sub3A_243 = arith.subi %mul3A_188, %sub3A_242 : i32
          %add3A_244 = arith.constant 1 : i32
          %add3A_245 = arith.addi %sub3A_243, %add3A_244 : i32
          %ge3A_246 = arith.cmpi sge, %while3A_181, %add3A_245 : i32
          %not3A_247 = arith.constant true
          %not3A_248 = arith.xori %ge3A_246, %not3A_247 : i1
          %and3A_249 = arith.andi %or3A_241, %not3A_248 : i1
          %convert_element_type3A_250 = arith.extui %and3A_249 : i1 to i32
          %cond3A_251 = arith.constant 0 : i32
          %cond3A_252 = arith.cmpi ne, %convert_element_type3A_250, %cond3A_251 : i32
          scf.if %cond3A_252 {
            "tpu.trace_start"() <{level = 10 : i32, message = "ep_copy_in"}> : () -> ()
            %rem3A_354 = arith.constant 2 : i32
            %rem3A_355 = arith.remui %while3A_184, %rem3A_354 : i32
            %mul3A_356 = arith.constant 1 : i32
            %mul3A_357 = arith.muli %mul3A_356, %add3A_212 : i32
            %dma_start3A_358 = arith.constant 0 : i32
            %dma_start3A_359 = arith.constant 0 : i32
            %dma_start3A_360 = tpu.memref_slice %run_scoped3A_33[%rem3A_355, %dma_start3A_358, %dma_start3A_359] : memref<2x1x128xi32, #tpu.memory_space<vmem>> -> memref<1x1x128xi32, #tpu.memory_space<vmem>>
            %dma_start3A_361 = tpu.memref_squeeze %dma_start3A_360 : memref<1x1x128xi32, #tpu.memory_space<vmem>> -> memref<1x128xi32, #tpu.memory_space<vmem>>
            %dma_start3A_362 = arith.constant 0 : i32
            %dma_start3A_363 = tpu.memref_slice %arg3[%mul3A_357, %dma_start3A_362] : memref<2500x128xi32, #tpu.memory_space<hbm>> -> memref<1x128xi32, #tpu.memory_space<hbm>>
            %dma_start3A_364 = tpu.memref_slice %run_scoped3A_34[%rem3A_355] : memref<2x!tpu.dma_semaphore, #tpu.memory_space<semaphore_mem>> -> memref<1x!tpu.dma_semaphore, #tpu.memory_space<semaphore_mem>>
            %dma_start3A_365 = tpu.memref_squeeze %dma_start3A_364 : memref<1x!tpu.dma_semaphore, #tpu.memory_space<semaphore_mem>> -> memref<!tpu.dma_semaphore, #tpu.memory_space<semaphore_mem>>
            %dma_start3A_366 = arith.constant 0 : i32
            %dma_start3A_367 = arith.constant 0 : i32
            %dma_start3A_368 = tpu.memref_slice %run_scoped3A_33[%rem3A_355, %dma_start3A_366, %dma_start3A_367] : memref<2x1x128xi32, #tpu.memory_space<vmem>> -> memref<1x1x128xi32, #tpu.memory_space<vmem>>
            %dma_start3A_369 = tpu.memref_squeeze %dma_start3A_368 : memref<1x1x128xi32, #tpu.memory_space<vmem>> -> memref<1x128xi32, #tpu.memory_space<vmem>>
            %dma_start3A_370 = arith.constant 0 : i32
            %dma_start3A_371 = tpu.memref_slice %arg3[%mul3A_357, %dma_start3A_370] : memref<2500x128xi32, #tpu.memory_space<hbm>> -> memref<1x128xi32, #tpu.memory_space<hbm>>
            tpu.enqueue_dma source(%dma_start3A_371 : memref<1x128xi32, #tpu.memory_space<hbm>>) target(%dma_start3A_369 : memref<1x128xi32, #tpu.memory_space<vmem>>) target_semaphore(%dma_start3A_365 : memref<!tpu.dma_semaphore, #tpu.memory_space<semaphore_mem>>)
            "tpu.trace_stop"() : () -> ()
          } else {
          }
          %and3A_253 = arith.constant true
          %and3A_254 = arith.andi %and3A_249, %and3A_253 : i1
          %add3A_255 = arith.constant 1 : i32
          %add3A_256 = arith.addi %while3A_184, %add3A_255 : i32
          %select_n3A_257 = arith.select %and3A_254, %add3A_256, %while3A_184 : i32
          %ne3A_258 = arith.cmpi ne, %add3A_194, %add3A_204 : i32
          %or3A_259 = arith.constant false
          %or3A_260 = arith.ori %or3A_259, %ne3A_258 : i1
          %or3A_261 = arith.constant false
          %or3A_262 = arith.ori %or3A_260, %or3A_261 : i1
          %or3A_263 = arith.ori %or3A_262, %eq3A_190 : i1
          %convert_element_type3A_264 = arith.extui %or3A_263 : i1 to i32
          %cond3A_265 = arith.constant 0 : i32
          %cond3A_266 = arith.cmpi ne, %convert_element_type3A_264, %cond3A_265 : i32
          scf.if %cond3A_266 {
            "tpu.trace_start"() <{level = 10 : i32, message = "ep_wait_in"}> : () -> ()
            %mul3A_354 = arith.constant 128 : i32
            %mul3A_355 = arith.muli %mul3A_354, %add3A_194 : i32
            %rem3A_356 = arith.constant 2 : i32
            %rem3A_357 = arith.remui %while3A_183, %rem3A_356 : i32
            %dma_wait3A = arith.constant 0 : i32
            %dma_wait3A_358 = arith.constant 0 : i32
            %dma_wait3A_359 = tpu.memref_slice %run_scoped3A[%rem3A_357, %dma_wait3A, %dma_wait3A_358] : memref<2x128x128xf32, #tpu.memory_space<vmem>> -> memref<1x128x128xf32, #tpu.memory_space<vmem>>
            %dma_wait3A_360 = tpu.memref_squeeze %dma_wait3A_359 : memref<1x128x128xf32, #tpu.memory_space<vmem>> -> memref<128x128xf32, #tpu.memory_space<vmem>>
            %dma_wait3A_361 = arith.constant 0 : i32
            %dma_wait3A_362 = tpu.memref_slice %arg2[%mul3A_355, %dma_wait3A_361] : memref<320000x128xf32, #tpu.memory_space<hbm>> -> memref<128x128xf32, #tpu.memory_space<hbm>>
            %dma_wait3A_363 = tpu.memref_slice %run_scoped3A_32[%rem3A_357] : memref<2x!tpu.dma_semaphore, #tpu.memory_space<semaphore_mem>> -> memref<1x!tpu.dma_semaphore, #tpu.memory_space<semaphore_mem>>
            %dma_wait3A_364 = tpu.memref_squeeze %dma_wait3A_363 : memref<1x!tpu.dma_semaphore, #tpu.memory_space<semaphore_mem>> -> memref<!tpu.dma_semaphore, #tpu.memory_space<semaphore_mem>>
            %dma_wait3A_365 = arith.constant 0 : i32
            %dma_wait3A_366 = arith.constant 0 : i32
            %dma_wait3A_367 = tpu.memref_slice %run_scoped3A[%rem3A_357, %dma_wait3A_365, %dma_wait3A_366] : memref<2x128x128xf32, #tpu.memory_space<vmem>> -> memref<1x128x128xf32, #tpu.memory_space<vmem>>
            %dma_wait3A_368 = tpu.memref_squeeze %dma_wait3A_367 : memref<1x128x128xf32, #tpu.memory_space<vmem>> -> memref<128x128xf32, #tpu.memory_space<vmem>>
            %dma_wait3A_369 = arith.constant 0 : i32
            %dma_wait3A_370 = tpu.memref_slice %arg2[%mul3A_355, %dma_wait3A_369] : memref<320000x128xf32, #tpu.memory_space<hbm>> -> memref<128x128xf32, #tpu.memory_space<hbm>>
            tpu.wait_dma2 semaphore(%dma_wait3A_364 : memref<!tpu.dma_semaphore, #tpu.memory_space<semaphore_mem>>) src(%dma_wait3A_370 : memref<128x128xf32, #tpu.memory_space<hbm>>) dst(%dma_wait3A_368 : memref<128x128xf32, #tpu.memory_space<vmem>>)
            "tpu.trace_stop"() : () -> ()
          } else {
          }
          %ne3A_267 = arith.cmpi ne, %add3A_194, %add3A_204 : i32
          %or3A_268 = arith.constant false
          %or3A_269 = arith.ori %or3A_268, %ne3A_267 : i1
          %or3A_270 = arith.constant false
          %or3A_271 = arith.ori %or3A_269, %or3A_270 : i1
          %or3A_272 = arith.ori %or3A_271, %eq3A_190 : i1
          %convert_element_type3A_273 = arith.extui %or3A_272 : i1 to i32
          %cond3A_274 = arith.constant 0 : i32
          %cond3A_275 = arith.cmpi ne, %convert_element_type3A_273, %cond3A_274 : i32
          scf.if %cond3A_275 {
            "tpu.trace_start"() <{level = 10 : i32, message = "ep_wait_in"}> : () -> ()
            %mul3A_354 = arith.constant 1 : i32
            %mul3A_355 = arith.muli %mul3A_354, %add3A_194 : i32
            %rem3A_356 = arith.constant 2 : i32
            %rem3A_357 = arith.remui %while3A_185, %rem3A_356 : i32
            %dma_wait3A = arith.constant 0 : i32
            %dma_wait3A_358 = arith.constant 0 : i32
            %dma_wait3A_359 = tpu.memref_slice %run_scoped3A_33[%rem3A_357, %dma_wait3A, %dma_wait3A_358] : memref<2x1x128xi32, #tpu.memory_space<vmem>> -> memref<1x1x128xi32, #tpu.memory_space<vmem>>
            %dma_wait3A_360 = tpu.memref_squeeze %dma_wait3A_359 : memref<1x1x128xi32, #tpu.memory_space<vmem>> -> memref<1x128xi32, #tpu.memory_space<vmem>>
            %dma_wait3A_361 = arith.constant 0 : i32
            %dma_wait3A_362 = tpu.memref_slice %arg3[%mul3A_355, %dma_wait3A_361] : memref<2500x128xi32, #tpu.memory_space<hbm>> -> memref<1x128xi32, #tpu.memory_space<hbm>>
            %dma_wait3A_363 = tpu.memref_slice %run_scoped3A_34[%rem3A_357] : memref<2x!tpu.dma_semaphore, #tpu.memory_space<semaphore_mem>> -> memref<1x!tpu.dma_semaphore, #tpu.memory_space<semaphore_mem>>
            %dma_wait3A_364 = tpu.memref_squeeze %dma_wait3A_363 : memref<1x!tpu.dma_semaphore, #tpu.memory_space<semaphore_mem>> -> memref<!tpu.dma_semaphore, #tpu.memory_space<semaphore_mem>>
            %dma_wait3A_365 = arith.constant 0 : i32
            %dma_wait3A_366 = arith.constant 0 : i32
            %dma_wait3A_367 = tpu.memref_slice %run_scoped3A_33[%rem3A_357, %dma_wait3A_365, %dma_wait3A_366] : memref<2x1x128xi32, #tpu.memory_space<vmem>> -> memref<1x1x128xi32, #tpu.memory_space<vmem>>
            %dma_wait3A_368 = tpu.memref_squeeze %dma_wait3A_367 : memref<1x1x128xi32, #tpu.memory_space<vmem>> -> memref<1x128xi32, #tpu.memory_space<vmem>>
            %dma_wait3A_369 = arith.constant 0 : i32
            %dma_wait3A_370 = tpu.memref_slice %arg3[%mul3A_355, %dma_wait3A_369] : memref<2500x128xi32, #tpu.memory_space<hbm>> -> memref<1x128xi32, #tpu.memory_space<hbm>>
            tpu.wait_dma2 semaphore(%dma_wait3A_364 : memref<!tpu.dma_semaphore, #tpu.memory_space<semaphore_mem>>) src(%dma_wait3A_370 : memref<1x128xi32, #tpu.memory_space<hbm>>) dst(%dma_wait3A_368 : memref<1x128xi32, #tpu.memory_space<vmem>>)
            "tpu.trace_stop"() : () -> ()
          } else {
          }
          %rem3A_276 = arith.constant 2 : i32
          %rem3A_277 = arith.remui %while3A_183, %rem3A_276 : i32
          %rem3A_278 = arith.constant 2 : i32
          %rem3A_279 = arith.remui %while3A_185, %rem3A_278 : i32
          %run_scoped3A_280 = arith.constant 0 : i32
          "tpu.trace_start"() <{level = 10 : i32, message = "ep_run_kernel"}> : () -> ()
          "tpu.region"() ({
            %run_scoped3A_354 = tpu.sem_alloc : memref<!tpu.dma_semaphore, #tpu.memory_space<semaphore_mem>>
            %dma_start3A_355 = arith.constant 0 : i32
            %dma_start3A_356 = arith.constant 0 : i32
            %dma_start3A_357 = tpu.memref_slice %run_scoped3A[%rem3A_277, %dma_start3A_355, %dma_start3A_356] : memref<2x128x128xf32, #tpu.memory_space<vmem>> -> memref<1x128x128xf32, #tpu.memory_space<vmem>>
            %dma_start3A_358 = tpu.memref_squeeze %dma_start3A_357 : memref<1x128x128xf32, #tpu.memory_space<vmem>> -> memref<128x128xf32, #tpu.memory_space<vmem>>
            %dma_start3A_359 = arith.constant 0 : i32
            %dma_start3A_360 = arith.constant 0 : i32
            %dma_start3A_361 = tpu.memref_slice %run_scoped3A_33[%rem3A_279, %dma_start3A_359, %dma_start3A_360] : memref<2x1x128xi32, #tpu.memory_space<vmem>> -> memref<1x1x128xi32, #tpu.memory_space<vmem>>
            %dma_start3A_362 = tpu.memref_squeeze %dma_start3A_361 : memref<1x1x128xi32, #tpu.memory_space<vmem>> -> memref<1x128xi32, #tpu.memory_space<vmem>>
            %dma_start3A_363 = arith.constant 0 : i32
            %dma_start3A_364 = tpu.memref_slice %dma_start3A_362[%run_scoped3A_280, %dma_start3A_363] : memref<1x128xi32, #tpu.memory_space<vmem>> -> memref<1x128xi32, #tpu.memory_space<vmem>>
            %dma_start3A_365 = tpu.memref_squeeze %dma_start3A_364 : memref<1x128xi32, #tpu.memory_space<vmem>> -> memref<128xi32, #tpu.memory_space<vmem>>
            %dma_start3A_366 = arith.constant 0 : i32
            %dma_start3A_367 = arith.constant 0 : i32
            %dma_start3A_368 = tpu.memref_slice %arg5[%dma_start3A_366, %dma_start3A_367] : memref<10240x128xf32, #tpu.memory_space<vmem_shared>> -> memref<10240x128xf32, #tpu.memory_space<vmem_shared>>
            tpu.enqueue_indirect_dma source(%dma_start3A_358 : memref<128x128xf32, #tpu.memory_space<vmem>>) target(%dma_start3A_368 : memref<10240x128xf32, #tpu.memory_space<vmem_shared>>) offsets(%dma_start3A_365 : memref<128xi32, #tpu.memory_space<vmem>>) semaphore(%run_scoped3A_354 : memref<!tpu.dma_semaphore, #tpu.memory_space<semaphore_mem>>) {add = true}
            %dma_wait3A = arith.constant 0 : i32
            %dma_wait3A_369 = arith.constant 0 : i32
            %dma_wait3A_370 = tpu.memref_slice %run_scoped3A[%rem3A_277, %dma_wait3A, %dma_wait3A_369] : memref<2x128x128xf32, #tpu.memory_space<vmem>> -> memref<1x128x128xf32, #tpu.memory_space<vmem>>
            %dma_wait3A_371 = tpu.memref_squeeze %dma_wait3A_370 : memref<1x128x128xf32, #tpu.memory_space<vmem>> -> memref<128x128xf32, #tpu.memory_space<vmem>>
            %dma_wait3A_372 = arith.constant 0 : i32
            %dma_wait3A_373 = arith.constant 0 : i32
            %dma_wait3A_374 = tpu.memref_slice %run_scoped3A_33[%rem3A_279, %dma_wait3A_372, %dma_wait3A_373] : memref<2x1x128xi32, #tpu.memory_space<vmem>> -> memref<1x1x128xi32, #tpu.memory_space<vmem>>
            %dma_wait3A_375 = tpu.memref_squeeze %dma_wait3A_374 : memref<1x1x128xi32, #tpu.memory_space<vmem>> -> memref<1x128xi32, #tpu.memory_space<vmem>>
            %dma_wait3A_376 = arith.constant 0 : i32
            %dma_wait3A_377 = tpu.memref_slice %dma_wait3A_375[%run_scoped3A_280, %dma_wait3A_376] : memref<1x128xi32, #tpu.memory_space<vmem>> -> memref<1x128xi32, #tpu.memory_space<vmem>>
            %dma_wait3A_378 = tpu.memref_squeeze %dma_wait3A_377 : memref<1x128xi32, #tpu.memory_space<vmem>> -> memref<128xi32, #tpu.memory_space<vmem>>
            %dma_wait3A_379 = arith.constant 0 : i32
            %dma_wait3A_380 = arith.constant 0 : i32
            %dma_wait3A_381 = tpu.memref_slice %arg5[%dma_wait3A_379, %dma_wait3A_380] : memref<10240x128xf32, #tpu.memory_space<vmem_shared>> -> memref<10240x128xf32, #tpu.memory_space<vmem_shared>>
            tpu.wait_indirect_dma semaphore(%run_scoped3A_354 : memref<!tpu.dma_semaphore, #tpu.memory_space<semaphore_mem>>) src(%dma_wait3A_371 : memref<128x128xf32, #tpu.memory_space<vmem>>) dst(%dma_wait3A_381 : memref<10240x128xf32, #tpu.memory_space<vmem_shared>>)
            tpu.yield
          }) : () -> ()
          "tpu.trace_stop"() : () -> ()
          %ne3A_281 = arith.cmpi ne, %add3A_194, %add3A_212 : i32
          %or3A_282 = arith.constant false
          %or3A_283 = arith.ori %or3A_282, %ne3A_281 : i1
          %or3A_284 = arith.constant false
          %or3A_285 = arith.ori %or3A_283, %or3A_284 : i1
          %or3A_286 = arith.ori %or3A_285, %eq3A_193 : i1
          %convert_element_type3A_287 = arith.extui %or3A_286 : i1 to i32
          %cond3A_288 = arith.constant 0 : i32
          %cond3A_289 = arith.cmpi ne, %convert_element_type3A_287, %cond3A_288 : i32
          scf.if %cond3A_289 {
          } else {
          }
          %and3A_290 = arith.constant false
          %and3A_291 = arith.andi %or3A_286, %and3A_290 : i1
          %ne3A_292 = arith.cmpi ne, %add3A_194, %add3A_212 : i32
          %or3A_293 = arith.constant false
          %or3A_294 = arith.ori %or3A_293, %ne3A_292 : i1
          %or3A_295 = arith.constant false
          %or3A_296 = arith.ori %or3A_294, %or3A_295 : i1
          %or3A_297 = arith.ori %or3A_296, %eq3A_193 : i1
          %convert_element_type3A_298 = arith.extui %or3A_297 : i1 to i32
          %cond3A_299 = arith.constant 0 : i32
          %cond3A_300 = arith.cmpi ne, %convert_element_type3A_298, %cond3A_299 : i32
          scf.if %cond3A_300 {
          } else {
          }
          %and3A_301 = arith.constant false
          %and3A_302 = arith.andi %or3A_297, %and3A_301 : i1
          %ne3A_303 = arith.cmpi ne, %add3A_194, %add3A_204 : i32
          %or3A_304 = arith.constant false
          %or3A_305 = arith.ori %or3A_304, %ne3A_303 : i1
          %or3A_306 = arith.constant false
          %or3A_307 = arith.ori %or3A_305, %or3A_306 : i1
          %not3A_308 = arith.constant true
          %not3A_309 = arith.xori %eq3A_190, %not3A_308 : i1
          %and3A_310 = arith.andi %or3A_307, %not3A_309 : i1
          %convert_element_type3A_311 = arith.extui %and3A_310 : i1 to i32
          %cond3A_312 = arith.constant 0 : i32
          %cond3A_313 = arith.cmpi ne, %convert_element_type3A_311, %cond3A_312 : i32
          scf.if %cond3A_313 {
          } else {
          }
          %and3A_314 = arith.constant false
          %and3A_315 = arith.andi %and3A_310, %and3A_314 : i1
          %ne3A_316 = arith.cmpi ne, %add3A_194, %add3A_204 : i32
          %or3A_317 = arith.constant false
          %or3A_318 = arith.ori %or3A_317, %ne3A_316 : i1
          %or3A_319 = arith.constant false
          %or3A_320 = arith.ori %or3A_318, %or3A_319 : i1
          %not3A_321 = arith.constant true
          %not3A_322 = arith.xori %eq3A_190, %not3A_321 : i1
          %and3A_323 = arith.andi %or3A_320, %not3A_322 : i1
          %convert_element_type3A_324 = arith.extui %and3A_323 : i1 to i32
          %cond3A_325 = arith.constant 0 : i32
          %cond3A_326 = arith.cmpi ne, %convert_element_type3A_324, %cond3A_325 : i32
          scf.if %cond3A_326 {
          } else {
          }
          %and3A_327 = arith.constant false
          %and3A_328 = arith.andi %and3A_323, %and3A_327 : i1
          %ne3A_329 = arith.cmpi ne, %add3A_194, %add3A_212 : i32
          %or3A_330 = arith.constant false
          %or3A_331 = arith.ori %or3A_330, %ne3A_329 : i1
          %or3A_332 = arith.constant false
          %or3A_333 = arith.ori %or3A_331, %or3A_332 : i1
          %or3A_334 = arith.ori %or3A_333, %eq3A_193 : i1
          %add3A_335 = arith.constant 1 : i32
          %add3A_336 = arith.addi %while3A_183, %add3A_335 : i32
          %select_n3A_337 = arith.select %or3A_334, %add3A_336, %while3A_183 : i32
          %ne3A_338 = arith.cmpi ne, %add3A_194, %add3A_212 : i32
          %or3A_339 = arith.constant false
          %or3A_340 = arith.ori %or3A_339, %ne3A_338 : i1
          %or3A_341 = arith.constant false
          %or3A_342 = arith.ori %or3A_340, %or3A_341 : i1
          %or3A_343 = arith.ori %or3A_342, %eq3A_193 : i1
          %add3A_344 = arith.constant 1 : i32
          %add3A_345 = arith.addi %while3A_185, %add3A_344 : i32
          %select_n3A_346 = arith.select %or3A_343, %add3A_345, %while3A_185 : i32
          %add3A_347 = arith.constant 1 : i32
          %add3A_348 = arith.addi %while3A_186, %add3A_347 : i32
          %select_n3A_349 = arith.constant true
          %select_n3A_350 = arith.select %select_n3A_349, %add3A_348, %while3A_186 : i32
          %eq3A_351 = arith.cmpi eq, %select_n3A_350, %select_n3A : i32
          %select_n3A_352 = arith.constant 0 : i32
          %select_n3A_353 = arith.select %eq3A_351, %select_n3A_352, %select_n3A_350 : i32
          scf.yield %select_n3A_236, %select_n3A_337, %select_n3A_257, %select_n3A_346, %select_n3A_353 : i32, i32, i32, i32, i32
        }
        %sub3A_130 = arith.constant 1 : i32
        %sub3A_131 = arith.subi %while3A_129#4, %sub3A_130 : i32
        %select_n3A_132 = arith.constant true
        %select_n3A_133 = arith.select %select_n3A_132, %sub3A_131, %while3A_129#4 : i32
        %eq3A_134 = arith.constant -1 : i32
        %eq3A_135 = arith.cmpi eq, %select_n3A_133, %eq3A_134 : i32
        %sub3A_136 = arith.constant 1 : i32
        %sub3A_137 = arith.subi %select_n3A, %sub3A_136 : i32
        %select_n3A_138 = arith.select %eq3A_135, %sub3A_137, %select_n3A_133 : i32
        %sub3A_139 = arith.constant 1 : i32
        %sub3A_140 = arith.subi %mul3A_25, %sub3A_139 : i32
        %mul3A_141 = arith.constant 1 : i32
        %mul3A_142 = arith.muli %mul3A_141, %select_n3A : i32
        %eq3A_143 = arith.constant 0 : i32
        %eq3A_144 = arith.cmpi eq, %sub3A_140, %eq3A_143 : i32
        %sub3A_145 = arith.constant 1 : i32
        %sub3A_146 = arith.subi %mul3A_142, %sub3A_145 : i32
        %eq3A_147 = arith.cmpi eq, %sub3A_140, %sub3A_146 : i32
        %add3A_148 = arith.addi %select_n3A_138, %select_n3A_23 : i32
        %sub3A_149 = arith.constant 1 : i32
        %sub3A_150 = arith.subi %select_n3A_138, %sub3A_149 : i32
        %select_n3A_151 = arith.constant true
        %select_n3A_152 = arith.select %select_n3A_151, %sub3A_150, %select_n3A_138 : i32
        %eq3A_153 = arith.constant -1 : i32
        %eq3A_154 = arith.cmpi eq, %select_n3A_152, %eq3A_153 : i32
        %sub3A_155 = arith.constant 1 : i32
        %sub3A_156 = arith.subi %select_n3A, %sub3A_155 : i32
        %select_n3A_157 = arith.select %eq3A_154, %sub3A_156, %select_n3A_152 : i32
        %add3A_158 = arith.addi %select_n3A_157, %select_n3A_23 : i32
        %add3A_159 = arith.constant 1 : i32
        %add3A_160 = arith.addi %select_n3A_138, %add3A_159 : i32
        %select_n3A_161 = arith.constant true
        %select_n3A_162 = arith.select %select_n3A_161, %add3A_160, %select_n3A_138 : i32
        %eq3A_163 = arith.cmpi eq, %select_n3A_162, %select_n3A : i32
        %select_n3A_164 = arith.constant 0 : i32
        %select_n3A_165 = arith.select %eq3A_163, %select_n3A_164, %select_n3A_162 : i32
        %add3A_166 = arith.addi %select_n3A_165, %select_n3A_23 : i32
        %add3A_167 = arith.constant 1 : i32
        %add3A_168 = arith.addi %select_n3A_165, %add3A_167 : i32
        %select_n3A_169 = arith.constant true
        %select_n3A_170 = arith.select %select_n3A_169, %add3A_168, %select_n3A_165 : i32
        %eq3A_171 = arith.cmpi eq, %select_n3A_170, %select_n3A : i32
        %select_n3A_172 = arith.constant 0 : i32
        %select_n3A_173 = arith.select %eq3A_171, %select_n3A_172, %select_n3A_170 : i32
        %add3A_174 = arith.addi %select_n3A_173, %select_n3A_23 : i32
        %convert_element_type3A_175 = arith.extui %eq3A_147 : i1 to i32
        %cond3A_176 = arith.constant 0 : i32
        %cond3A_177 = arith.cmpi ne, %convert_element_type3A_175, %cond3A_176 : i32
        scf.if %cond3A_177 {
        } else {
        }
        %convert_element_type3A_178 = arith.extui %eq3A_147 : i1 to i32
        %cond3A_179 = arith.constant 0 : i32
        %cond3A_180 = arith.cmpi ne, %convert_element_type3A_178, %cond3A_179 : i32
        scf.if %cond3A_180 {
        } else {
        }
      } else {
      }
      tpu.yield
    }) : () -> ()
    %barrier3A_26 = arith.constant 0 : index
    tpu.barrier barrier_id(%barrier3A_26)
    %scan3A_27 = arith.constant 0 : i32
    %scan3A_28 = arith.constant 10 : i32
    %scan3A_29 = arith.addi %scan3A_27, %scan3A_28 : i32
    %scan3A_30 = arith.constant 1 : i32
    scf.for %scan3A_32 = %scan3A_27 to %scan3A_29 step %scan3A_30  : i32 {
      %mul3A_33 = arith.constant 64 : i32
      %mul3A_34 = arith.muli %scan3A_32, %mul3A_33 : i32
      %add3A_35 = arith.constant 0 : i32
      %add3A_36 = arith.addi %add3A_35, %mul3A_34 : i32
      %mul3A_37 = arith.constant 640 : i32
      %mul3A_38 = arith.muli %arg1, %mul3A_37 : i32
      %add3A_39 = arith.addi %mul3A_38, %add3A_36 : i32
      %mul3A_40 = arith.constant 640 : i32
      %mul3A_41 = arith.muli %arg1, %mul3A_40 : i32
      %add3A_42 = arith.addi %mul3A_41, %add3A_36 : i32
      "tpu.region"() ({
        %run_scoped3A = tpu.sem_alloc : memref<!tpu.dma_semaphore, #tpu.memory_space<semaphore_mem>>
        %dma_start3A = arith.constant 0 : i32
        %dma_start3A_43 = tpu.memref_slice %arg4[%arg0, %add3A_42, %dma_start3A] : memref<2x10240x128xf32, #tpu.memory_space<hbm>> -> memref<1x64x128xf32, #tpu.memory_space<hbm>>
        %dma_start3A_44 = tpu.memref_squeeze %dma_start3A_43 : memref<1x64x128xf32, #tpu.memory_space<hbm>> -> memref<64x128xf32, #tpu.memory_space<hbm>>
        %dma_start3A_45 = arith.constant 0 : i32
        %dma_start3A_46 = tpu.memref_slice %arg5[%add3A_39, %dma_start3A_45] : memref<10240x128xf32, #tpu.memory_space<vmem_shared>> -> memref<64x128xf32, #tpu.memory_space<vmem_shared>>
        tpu.enqueue_dma source(%dma_start3A_46 : memref<64x128xf32, #tpu.memory_space<vmem_shared>>) target(%dma_start3A_44 : memref<64x128xf32, #tpu.memory_space<hbm>>) target_semaphore(%run_scoped3A : memref<!tpu.dma_semaphore, #tpu.memory_space<semaphore_mem>>)
        %dma_wait3A = arith.constant 0 : i32
        %dma_wait3A_47 = tpu.memref_slice %arg4[%arg0, %add3A_42, %dma_wait3A] : memref<2x10240x128xf32, #tpu.memory_space<hbm>> -> memref<1x64x128xf32, #tpu.memory_space<hbm>>
        %dma_wait3A_48 = tpu.memref_squeeze %dma_wait3A_47 : memref<1x64x128xf32, #tpu.memory_space<hbm>> -> memref<64x128xf32, #tpu.memory_space<hbm>>
        %dma_wait3A_49 = arith.constant 0 : i32
        %dma_wait3A_50 = tpu.memref_slice %arg5[%add3A_39, %dma_wait3A_49] : memref<10240x128xf32, #tpu.memory_space<vmem_shared>> -> memref<64x128xf32, #tpu.memory_space<vmem_shared>>
        tpu.wait_dma2 semaphore(%run_scoped3A : memref<!tpu.dma_semaphore, #tpu.memory_space<semaphore_mem>>) src(%dma_wait3A_50 : memref<64x128xf32, #tpu.memory_space<vmem_shared>>) dst(%dma_wait3A_48 : memref<64x128xf32, #tpu.memory_space<hbm>>)
        tpu.yield
      }) : () -> ()
    }
    %scan3A_31 = arith.constant 10 : i32
    return
  }
}

#map = affine_map<(d0, d1) -> (0, 0)>
#map1 = affine_map<(d0, d1) -> (0)>
module attributes {stable_mosaic.version = 14 : i64} {
  func.func @k(%arg0: i32, %arg1: i32, %arg2: memref<10000x128xf32, #tpu.memory_space<hbm>>, %arg3: memref<10000x128xf32, #tpu.memory_space<hbm>>, %arg4: memref<320000xi32, #tpu.memory_space<hbm>>, %arg5: memref<320000xi32, #tpu.memory_space<hbm>>, %arg6: memref<320000x128xf32, #tpu.memory_space<hbm>>, %arg7: memref<80xi32, #tpu.memory_space<vmem>>, %arg8: memref<80xi32, #tpu.memory_space<vmem>>, %arg9: memref<80xi32, #tpu.memory_space<vmem>>, %arg10: memref<80xi32, #tpu.memory_space<vmem>>, %arg11: memref<80x128xf32, #tpu.memory_space<vmem>>, %arg12: memref<80x128xf32, #tpu.memory_space<vmem>>, %arg13: memref<80x128xf32, #tpu.memory_space<vmem>>, %arg14: memref<80x128xf32, #tpu.memory_space<vmem>>, %arg15: memref<80x128xf32, #tpu.memory_space<vmem>>, %arg16: memref<80x128xf32, #tpu.memory_space<vmem>>, %arg17: memref<!tpu.dma_semaphore, #tpu.memory_space<semaphore_mem>>, %arg18: memref<!tpu.dma_semaphore, #tpu.memory_space<semaphore_mem>>, %arg19: memref<!tpu.dma_semaphore, #tpu.memory_space<semaphore_mem>>, %arg20: memref<!tpu.dma_semaphore, #tpu.memory_space<semaphore_mem>>, %arg21: memref<!tpu.dma_semaphore, #tpu.memory_space<semaphore_mem>>, %arg22: memref<!tpu.dma_semaphore, #tpu.memory_space<semaphore_mem>>, %arg23: memref<!tpu.dma_semaphore, #tpu.memory_space<semaphore_mem>>) attributes {dimension_semantics = [#tpu.dimension_semantics<core_parallel>, #tpu.dimension_semantics<subcore_parallel>], iteration_bounds = array<i64: 2, 16>, scalar_prefetch = 0 : i64, scratch_operands = 17 : i64, tpu.core_type = #tpu.core_type<sc_vector_subcore>, window_params = [{transform_indices = #map}, {transform_indices = #map}, {transform_indices = #map1}, {transform_indices = #map1}, {transform_indices = #map}]} {
    %mul3A = arith.constant 2 : i32
    %mul3A_0 = arith.muli %arg1, %mul3A : i32
    %add3A = arith.addi %mul3A_0, %arg0 : i32
    %mul3A_1 = arith.constant 125 : i32
    %mul3A_2 = arith.muli %add3A, %mul3A_1 : i32
    %mul3A_3 = arith.constant 80 : i32
    %mul3A_4 = arith.muli %mul3A_2, %mul3A_3 : i32
    %dma_start3A = tpu.memref_slice %arg4[%mul3A_4] : memref<320000xi32, #tpu.memory_space<hbm>> -> memref<80xi32, #tpu.memory_space<hbm>>
    %dma_start3A_5 = tpu.memref_slice %arg4[%mul3A_4] : memref<320000xi32, #tpu.memory_space<hbm>> -> memref<80xi32, #tpu.memory_space<hbm>>
    tpu.enqueue_dma source(%dma_start3A_5 : memref<80xi32, #tpu.memory_space<hbm>>) target(%arg7 : memref<80xi32, #tpu.memory_space<vmem>>) target_semaphore(%arg23 : memref<!tpu.dma_semaphore, #tpu.memory_space<semaphore_mem>>)
    %dma_wait3A = tpu.memref_slice %arg4[%mul3A_4] : memref<320000xi32, #tpu.memory_space<hbm>> -> memref<80xi32, #tpu.memory_space<hbm>>
    %dma_wait3A_6 = tpu.memref_slice %arg4[%mul3A_4] : memref<320000xi32, #tpu.memory_space<hbm>> -> memref<80xi32, #tpu.memory_space<hbm>>
    tpu.wait_dma2 semaphore(%arg23 : memref<!tpu.dma_semaphore, #tpu.memory_space<semaphore_mem>>) src(%dma_wait3A_6 : memref<80xi32, #tpu.memory_space<hbm>>) dst(%arg7 : memref<80xi32, #tpu.memory_space<vmem>>)
    %mul3A_7 = arith.constant 80 : i32
    %mul3A_8 = arith.muli %mul3A_2, %mul3A_7 : i32
    %dma_start3A_9 = tpu.memref_slice %arg5[%mul3A_8] : memref<320000xi32, #tpu.memory_space<hbm>> -> memref<80xi32, #tpu.memory_space<hbm>>
    %dma_start3A_10 = tpu.memref_slice %arg5[%mul3A_8] : memref<320000xi32, #tpu.memory_space<hbm>> -> memref<80xi32, #tpu.memory_space<hbm>>
    tpu.enqueue_dma source(%dma_start3A_10 : memref<80xi32, #tpu.memory_space<hbm>>) target(%arg9 : memref<80xi32, #tpu.memory_space<vmem>>) target_semaphore(%arg23 : memref<!tpu.dma_semaphore, #tpu.memory_space<semaphore_mem>>)
    %dma_wait3A_11 = tpu.memref_slice %arg5[%mul3A_8] : memref<320000xi32, #tpu.memory_space<hbm>> -> memref<80xi32, #tpu.memory_space<hbm>>
    %dma_wait3A_12 = tpu.memref_slice %arg5[%mul3A_8] : memref<320000xi32, #tpu.memory_space<hbm>> -> memref<80xi32, #tpu.memory_space<hbm>>
    tpu.wait_dma2 semaphore(%arg23 : memref<!tpu.dma_semaphore, #tpu.memory_space<semaphore_mem>>) src(%dma_wait3A_12 : memref<80xi32, #tpu.memory_space<hbm>>) dst(%arg9 : memref<80xi32, #tpu.memory_space<vmem>>)
    %dma_start3A_13 = arith.constant 0 : i32
    %dma_start3A_14 = arith.constant 0 : i32
    %dma_start3A_15 = tpu.memref_slice %arg2[%dma_start3A_13, %dma_start3A_14] : memref<10000x128xf32, #tpu.memory_space<hbm>> -> memref<10000x128xf32, #tpu.memory_space<hbm>>
    tpu.enqueue_indirect_dma source(%dma_start3A_15 : memref<10000x128xf32, #tpu.memory_space<hbm>>) target(%arg11 : memref<80x128xf32, #tpu.memory_space<vmem>>) offsets(%arg7 : memref<80xi32, #tpu.memory_space<vmem>>) semaphore(%arg17 : memref<!tpu.dma_semaphore, #tpu.memory_space<semaphore_mem>>)
    %dma_start3A_16 = arith.constant 0 : i32
    %dma_start3A_17 = arith.constant 0 : i32
    %dma_start3A_18 = tpu.memref_slice %arg3[%dma_start3A_16, %dma_start3A_17] : memref<10000x128xf32, #tpu.memory_space<hbm>> -> memref<10000x128xf32, #tpu.memory_space<hbm>>
    tpu.enqueue_indirect_dma source(%dma_start3A_18 : memref<10000x128xf32, #tpu.memory_space<hbm>>) target(%arg13 : memref<80x128xf32, #tpu.memory_space<vmem>>) offsets(%arg9 : memref<80xi32, #tpu.memory_space<vmem>>) semaphore(%arg19 : memref<!tpu.dma_semaphore, #tpu.memory_space<semaphore_mem>>)
    %scan3A = arith.constant 0 : i32
    %scan3A_19 = arith.constant 125 : i32
    %scan3A_20 = arith.addi %scan3A, %scan3A_19 : i32
    %scan3A_21 = arith.constant 1 : i32
    scf.for %scan3A_35 = %scan3A to %scan3A_20 step %scan3A_21  : i32 {
      %mul3A_36 = arith.constant 1 : i32
      %mul3A_37 = arith.muli %scan3A_35, %mul3A_36 : i32
      %add3A_38 = arith.constant 0 : i32
      %add3A_39 = arith.addi %add3A_38, %mul3A_37 : i32
      %and3A = arith.constant 1 : i32
      %and3A_40 = arith.andi %add3A_39, %and3A : i32
      %eq3A = arith.constant 0 : i32
      %eq3A_41 = arith.cmpi eq, %and3A_40, %eq3A : i32
      %convert_element_type3A = arith.extui %eq3A_41 : i1 to i32
      %cond3A = arith.constant 0 : i32
      %cond3A_42 = arith.cmpi ne, %convert_element_type3A, %cond3A : i32
      scf.if %cond3A_42 {
        %add3A_50 = arith.constant 1 : i32
        %add3A_51 = arith.addi %add3A_39, %add3A_50 : i32
        %lt3A = arith.constant 125 : i32
        %lt3A_52 = arith.cmpi slt, %add3A_51, %lt3A : i32
        %convert_element_type3A_53 = arith.extui %lt3A_52 : i1 to i32
        %cond3A_54 = arith.constant 0 : i32
        %cond3A_55 = arith.cmpi ne, %convert_element_type3A_53, %cond3A_54 : i32
        scf.if %cond3A_55 {
          %add3A_78 = arith.addi %mul3A_2, %add3A_39 : i32
          %add3A_79 = arith.constant 1 : i32
          %add3A_80 = arith.addi %add3A_78, %add3A_79 : i32
          %mul3A_81 = arith.constant 80 : i32
          %mul3A_82 = arith.muli %add3A_80, %mul3A_81 : i32
          %dma_start3A_83 = tpu.memref_slice %arg4[%mul3A_82] : memref<320000xi32, #tpu.memory_space<hbm>> -> memref<80xi32, #tpu.memory_space<hbm>>
          %dma_start3A_84 = tpu.memref_slice %arg4[%mul3A_82] : memref<320000xi32, #tpu.memory_space<hbm>> -> memref<80xi32, #tpu.memory_space<hbm>>
          tpu.enqueue_dma source(%dma_start3A_84 : memref<80xi32, #tpu.memory_space<hbm>>) target(%arg8 : memref<80xi32, #tpu.memory_space<vmem>>) target_semaphore(%arg23 : memref<!tpu.dma_semaphore, #tpu.memory_space<semaphore_mem>>)
          %dma_wait3A_85 = tpu.memref_slice %arg4[%mul3A_82] : memref<320000xi32, #tpu.memory_space<hbm>> -> memref<80xi32, #tpu.memory_space<hbm>>
          %dma_wait3A_86 = tpu.memref_slice %arg4[%mul3A_82] : memref<320000xi32, #tpu.memory_space<hbm>> -> memref<80xi32, #tpu.memory_space<hbm>>
          tpu.wait_dma2 semaphore(%arg23 : memref<!tpu.dma_semaphore, #tpu.memory_space<semaphore_mem>>) src(%dma_wait3A_86 : memref<80xi32, #tpu.memory_space<hbm>>) dst(%arg8 : memref<80xi32, #tpu.memory_space<vmem>>)
          %mul3A_87 = arith.constant 80 : i32
          %mul3A_88 = arith.muli %add3A_80, %mul3A_87 : i32
          %dma_start3A_89 = tpu.memref_slice %arg5[%mul3A_88] : memref<320000xi32, #tpu.memory_space<hbm>> -> memref<80xi32, #tpu.memory_space<hbm>>
          %dma_start3A_90 = tpu.memref_slice %arg5[%mul3A_88] : memref<320000xi32, #tpu.memory_space<hbm>> -> memref<80xi32, #tpu.memory_space<hbm>>
          tpu.enqueue_dma source(%dma_start3A_90 : memref<80xi32, #tpu.memory_space<hbm>>) target(%arg10 : memref<80xi32, #tpu.memory_space<vmem>>) target_semaphore(%arg23 : memref<!tpu.dma_semaphore, #tpu.memory_space<semaphore_mem>>)
          %dma_wait3A_91 = tpu.memref_slice %arg5[%mul3A_88] : memref<320000xi32, #tpu.memory_space<hbm>> -> memref<80xi32, #tpu.memory_space<hbm>>
          %dma_wait3A_92 = tpu.memref_slice %arg5[%mul3A_88] : memref<320000xi32, #tpu.memory_space<hbm>> -> memref<80xi32, #tpu.memory_space<hbm>>
          tpu.wait_dma2 semaphore(%arg23 : memref<!tpu.dma_semaphore, #tpu.memory_space<semaphore_mem>>) src(%dma_wait3A_92 : memref<80xi32, #tpu.memory_space<hbm>>) dst(%arg10 : memref<80xi32, #tpu.memory_space<vmem>>)
          %dma_start3A_93 = arith.constant 0 : i32
          %dma_start3A_94 = arith.constant 0 : i32
          %dma_start3A_95 = tpu.memref_slice %arg2[%dma_start3A_93, %dma_start3A_94] : memref<10000x128xf32, #tpu.memory_space<hbm>> -> memref<10000x128xf32, #tpu.memory_space<hbm>>
          tpu.enqueue_indirect_dma source(%dma_start3A_95 : memref<10000x128xf32, #tpu.memory_space<hbm>>) target(%arg12 : memref<80x128xf32, #tpu.memory_space<vmem>>) offsets(%arg8 : memref<80xi32, #tpu.memory_space<vmem>>) semaphore(%arg18 : memref<!tpu.dma_semaphore, #tpu.memory_space<semaphore_mem>>)
          %dma_start3A_96 = arith.constant 0 : i32
          %dma_start3A_97 = arith.constant 0 : i32
          %dma_start3A_98 = tpu.memref_slice %arg3[%dma_start3A_96, %dma_start3A_97] : memref<10000x128xf32, #tpu.memory_space<hbm>> -> memref<10000x128xf32, #tpu.memory_space<hbm>>
          tpu.enqueue_indirect_dma source(%dma_start3A_98 : memref<10000x128xf32, #tpu.memory_space<hbm>>) target(%arg14 : memref<80x128xf32, #tpu.memory_space<vmem>>) offsets(%arg10 : memref<80xi32, #tpu.memory_space<vmem>>) semaphore(%arg20 : memref<!tpu.dma_semaphore, #tpu.memory_space<semaphore_mem>>)
        } else {
        }
        %dma_wait3A_56 = arith.constant 0 : i32
        %dma_wait3A_57 = arith.constant 0 : i32
        %dma_wait3A_58 = tpu.memref_slice %arg2[%dma_wait3A_56, %dma_wait3A_57] : memref<10000x128xf32, #tpu.memory_space<hbm>> -> memref<10000x128xf32, #tpu.memory_space<hbm>>
        tpu.wait_indirect_dma semaphore(%arg17 : memref<!tpu.dma_semaphore, #tpu.memory_space<semaphore_mem>>) src(%dma_wait3A_58 : memref<10000x128xf32, #tpu.memory_space<hbm>>) dst(%arg11 : memref<80x128xf32, #tpu.memory_space<vmem>>)
        %dma_wait3A_59 = arith.constant 0 : i32
        %dma_wait3A_60 = arith.constant 0 : i32
        %dma_wait3A_61 = tpu.memref_slice %arg3[%dma_wait3A_59, %dma_wait3A_60] : memref<10000x128xf32, #tpu.memory_space<hbm>> -> memref<10000x128xf32, #tpu.memory_space<hbm>>
        tpu.wait_indirect_dma semaphore(%arg19 : memref<!tpu.dma_semaphore, #tpu.memory_space<semaphore_mem>>) src(%dma_wait3A_61 : memref<10000x128xf32, #tpu.memory_space<hbm>>) dst(%arg13 : memref<80x128xf32, #tpu.memory_space<vmem>>)
        %ge3A = arith.constant 2 : i32
        %ge3A_62 = arith.cmpi sge, %add3A_39, %ge3A : i32
        %convert_element_type3A_63 = arith.extui %ge3A_62 : i1 to i32
        %cond3A_64 = arith.constant 0 : i32
        %cond3A_65 = arith.cmpi ne, %convert_element_type3A_63, %cond3A_64 : i32
        scf.if %cond3A_65 {
          %dma_wait3A_78 = arith.constant 0 : i32
          %dma_wait3A_79 = arith.constant 0 : i32
          %dma_wait3A_80 = tpu.memref_slice %arg6[%dma_wait3A_78, %dma_wait3A_79] : memref<320000x128xf32, #tpu.memory_space<hbm>> -> memref<80x128xf32, #tpu.memory_space<hbm>>
          %dma_wait3A_81 = arith.constant 0 : i32
          %dma_wait3A_82 = arith.constant 0 : i32
          %dma_wait3A_83 = tpu.memref_slice %arg6[%dma_wait3A_81, %dma_wait3A_82] : memref<320000x128xf32, #tpu.memory_space<hbm>> -> memref<80x128xf32, #tpu.memory_space<hbm>>
          tpu.wait_dma2 semaphore(%arg21 : memref<!tpu.dma_semaphore, #tpu.memory_space<semaphore_mem>>) src(%arg15 : memref<80x128xf32, #tpu.memory_space<vmem>>) dst(%dma_wait3A_83 : memref<80x128xf32, #tpu.memory_space<hbm>>)
        } else {
        }
        %scan3A_66 = arith.constant 0 : i32
        %scan3A_67 = arith.constant 80 : i32
        %scan3A_68 = arith.addi %scan3A_66, %scan3A_67 : i32
        %scan3A_69 = arith.constant 1 : i32
        scf.for %scan3A_78 = %scan3A_66 to %scan3A_68 step %scan3A_69  : i32 {
          %mul3A_79 = arith.constant 1 : i32
          %mul3A_80 = arith.muli %scan3A_78, %mul3A_79 : i32
          %add3A_81 = arith.constant 0 : i32
          %add3A_82 = arith.addi %add3A_81, %mul3A_80 : i32
          %get3A = arith.index_cast %add3A_82 : i32 to index
          %get3A_83 = arith.constant 0 : index
          %get3A_84 = tpu.vector_load %arg11[%get3A, %get3A_83] {strides = array<i32>} : memref<80x128xf32, #tpu.memory_space<vmem>>, vector<1x16xf32>,
          %get3A_85 = vector.shape_cast %get3A_84 : vector<1x16xf32> to vector<16xf32>
          %get3A_86 = arith.index_cast %add3A_82 : i32 to index
          %get3A_87 = arith.constant 0 : index
          %get3A_88 = tpu.vector_load %arg13[%get3A_86, %get3A_87] {strides = array<i32>} : memref<80x128xf32, #tpu.memory_space<vmem>>, vector<1x16xf32>,
          %get3A_89 = vector.shape_cast %get3A_88 : vector<1x16xf32> to vector<16xf32>
          %add3A_90 = arith.addf %get3A_85, %get3A_89 : vector<16xf32>
          %swap3A = arith.index_cast %add3A_82 : i32 to index
          %swap3A_91 = arith.constant 0 : index
          %swap3A_92 = tpu.vector_load %arg15[%swap3A, %swap3A_91] {strides = array<i32>} : memref<80x128xf32, #tpu.memory_space<vmem>>, vector<1x16xf32>,
          %swap3A_93 = vector.shape_cast %swap3A_92 : vector<1x16xf32> to vector<16xf32>
          %swap3A_94 = vector.shape_cast %add3A_90 : vector<16xf32> to vector<1x16xf32>
          tpu.vector_store %arg15[%swap3A, %swap3A_91], %swap3A_94 {strides = array<i32>} : memref<80x128xf32, #tpu.memory_space<vmem>>, vector<1x16xf32>,
          %get3A_95 = arith.index_cast %add3A_82 : i32 to index
          %get3A_96 = arith.constant 16 : index
          %get3A_97 = tpu.vector_load %arg11[%get3A_95, %get3A_96] {strides = array<i32>} : memref<80x128xf32, #tpu.memory_space<vmem>>, vector<1x16xf32>,
          %get3A_98 = vector.shape_cast %get3A_97 : vector<1x16xf32> to vector<16xf32>
          %get3A_99 = arith.index_cast %add3A_82 : i32 to index
          %get3A_100 = arith.constant 16 : index
          %get3A_101 = tpu.vector_load %arg13[%get3A_99, %get3A_100] {strides = array<i32>} : memref<80x128xf32, #tpu.memory_space<vmem>>, vector<1x16xf32>,
          %get3A_102 = vector.shape_cast %get3A_101 : vector<1x16xf32> to vector<16xf32>
          %add3A_103 = arith.addf %get3A_98, %get3A_102 : vector<16xf32>
          %swap3A_104 = arith.index_cast %add3A_82 : i32 to index
          %swap3A_105 = arith.constant 16 : index
          %swap3A_106 = tpu.vector_load %arg15[%swap3A_104, %swap3A_105] {strides = array<i32>} : memref<80x128xf32, #tpu.memory_space<vmem>>, vector<1x16xf32>,
          %swap3A_107 = vector.shape_cast %swap3A_106 : vector<1x16xf32> to vector<16xf32>
          %swap3A_108 = vector.shape_cast %add3A_103 : vector<16xf32> to vector<1x16xf32>
          tpu.vector_store %arg15[%swap3A_104, %swap3A_105], %swap3A_108 {strides = array<i32>} : memref<80x128xf32, #tpu.memory_space<vmem>>, vector<1x16xf32>,
          %get3A_109 = arith.index_cast %add3A_82 : i32 to index
          %get3A_110 = arith.constant 32 : index
          %get3A_111 = tpu.vector_load %arg11[%get3A_109, %get3A_110] {strides = array<i32>} : memref<80x128xf32, #tpu.memory_space<vmem>>, vector<1x16xf32>,
          %get3A_112 = vector.shape_cast %get3A_111 : vector<1x16xf32> to vector<16xf32>
          %get3A_113 = arith.index_cast %add3A_82 : i32 to index
          %get3A_114 = arith.constant 32 : index
          %get3A_115 = tpu.vector_load %arg13[%get3A_113, %get3A_114] {strides = array<i32>} : memref<80x128xf32, #tpu.memory_space<vmem>>, vector<1x16xf32>,
          %get3A_116 = vector.shape_cast %get3A_115 : vector<1x16xf32> to vector<16xf32>
          %add3A_117 = arith.addf %get3A_112, %get3A_116 : vector<16xf32>
          %swap3A_118 = arith.index_cast %add3A_82 : i32 to index
          %swap3A_119 = arith.constant 32 : index
          %swap3A_120 = tpu.vector_load %arg15[%swap3A_118, %swap3A_119] {strides = array<i32>} : memref<80x128xf32, #tpu.memory_space<vmem>>, vector<1x16xf32>,
          %swap3A_121 = vector.shape_cast %swap3A_120 : vector<1x16xf32> to vector<16xf32>
          %swap3A_122 = vector.shape_cast %add3A_117 : vector<16xf32> to vector<1x16xf32>
          tpu.vector_store %arg15[%swap3A_118, %swap3A_119], %swap3A_122 {strides = array<i32>} : memref<80x128xf32, #tpu.memory_space<vmem>>, vector<1x16xf32>,
          %get3A_123 = arith.index_cast %add3A_82 : i32 to index
          %get3A_124 = arith.constant 48 : index
          %get3A_125 = tpu.vector_load %arg11[%get3A_123, %get3A_124] {strides = array<i32>} : memref<80x128xf32, #tpu.memory_space<vmem>>, vector<1x16xf32>,
          %get3A_126 = vector.shape_cast %get3A_125 : vector<1x16xf32> to vector<16xf32>
          %get3A_127 = arith.index_cast %add3A_82 : i32 to index
          %get3A_128 = arith.constant 48 : index
          %get3A_129 = tpu.vector_load %arg13[%get3A_127, %get3A_128] {strides = array<i32>} : memref<80x128xf32, #tpu.memory_space<vmem>>, vector<1x16xf32>,
          %get3A_130 = vector.shape_cast %get3A_129 : vector<1x16xf32> to vector<16xf32>
          %add3A_131 = arith.addf %get3A_126, %get3A_130 : vector<16xf32>
          %swap3A_132 = arith.index_cast %add3A_82 : i32 to index
          %swap3A_133 = arith.constant 48 : index
          %swap3A_134 = tpu.vector_load %arg15[%swap3A_132, %swap3A_133] {strides = array<i32>} : memref<80x128xf32, #tpu.memory_space<vmem>>, vector<1x16xf32>,
          %swap3A_135 = vector.shape_cast %swap3A_134 : vector<1x16xf32> to vector<16xf32>
          %swap3A_136 = vector.shape_cast %add3A_131 : vector<16xf32> to vector<1x16xf32>
          tpu.vector_store %arg15[%swap3A_132, %swap3A_133], %swap3A_136 {strides = array<i32>} : memref<80x128xf32, #tpu.memory_space<vmem>>, vector<1x16xf32>,
          %get3A_137 = arith.index_cast %add3A_82 : i32 to index
          %get3A_138 = arith.constant 64 : index
          %get3A_139 = tpu.vector_load %arg11[%get3A_137, %get3A_138] {strides = array<i32>} : memref<80x128xf32, #tpu.memory_space<vmem>>, vector<1x16xf32>,
          %get3A_140 = vector.shape_cast %get3A_139 : vector<1x16xf32> to vector<16xf32>
          %get3A_141 = arith.index_cast %add3A_82 : i32 to index
          %get3A_142 = arith.constant 64 : index
          %get3A_143 = tpu.vector_load %arg13[%get3A_141, %get3A_142] {strides = array<i32>} : memref<80x128xf32, #tpu.memory_space<vmem>>, vector<1x16xf32>,
          %get3A_144 = vector.shape_cast %get3A_143 : vector<1x16xf32> to vector<16xf32>
          %add3A_145 = arith.addf %get3A_140, %get3A_144 : vector<16xf32>
          %swap3A_146 = arith.index_cast %add3A_82 : i32 to index
          %swap3A_147 = arith.constant 64 : index
          %swap3A_148 = tpu.vector_load %arg15[%swap3A_146, %swap3A_147] {strides = array<i32>} : memref<80x128xf32, #tpu.memory_space<vmem>>, vector<1x16xf32>,
          %swap3A_149 = vector.shape_cast %swap3A_148 : vector<1x16xf32> to vector<16xf32>
          %swap3A_150 = vector.shape_cast %add3A_145 : vector<16xf32> to vector<1x16xf32>
          tpu.vector_store %arg15[%swap3A_146, %swap3A_147], %swap3A_150 {strides = array<i32>} : memref<80x128xf32, #tpu.memory_space<vmem>>, vector<1x16xf32>,
          %get3A_151 = arith.index_cast %add3A_82 : i32 to index
          %get3A_152 = arith.constant 80 : index
          %get3A_153 = tpu.vector_load %arg11[%get3A_151, %get3A_152] {strides = array<i32>} : memref<80x128xf32, #tpu.memory_space<vmem>>, vector<1x16xf32>,
          %get3A_154 = vector.shape_cast %get3A_153 : vector<1x16xf32> to vector<16xf32>
          %get3A_155 = arith.index_cast %add3A_82 : i32 to index
          %get3A_156 = arith.constant 80 : index
          %get3A_157 = tpu.vector_load %arg13[%get3A_155, %get3A_156] {strides = array<i32>} : memref<80x128xf32, #tpu.memory_space<vmem>>, vector<1x16xf32>,
          %get3A_158 = vector.shape_cast %get3A_157 : vector<1x16xf32> to vector<16xf32>
          %add3A_159 = arith.addf %get3A_154, %get3A_158 : vector<16xf32>
          %swap3A_160 = arith.index_cast %add3A_82 : i32 to index
          %swap3A_161 = arith.constant 80 : index
          %swap3A_162 = tpu.vector_load %arg15[%swap3A_160, %swap3A_161] {strides = array<i32>} : memref<80x128xf32, #tpu.memory_space<vmem>>, vector<1x16xf32>,
          %swap3A_163 = vector.shape_cast %swap3A_162 : vector<1x16xf32> to vector<16xf32>
          %swap3A_164 = vector.shape_cast %add3A_159 : vector<16xf32> to vector<1x16xf32>
          tpu.vector_store %arg15[%swap3A_160, %swap3A_161], %swap3A_164 {strides = array<i32>} : memref<80x128xf32, #tpu.memory_space<vmem>>, vector<1x16xf32>,
          %get3A_165 = arith.index_cast %add3A_82 : i32 to index
          %get3A_166 = arith.constant 96 : index
          %get3A_167 = tpu.vector_load %arg11[%get3A_165, %get3A_166] {strides = array<i32>} : memref<80x128xf32, #tpu.memory_space<vmem>>, vector<1x16xf32>,
          %get3A_168 = vector.shape_cast %get3A_167 : vector<1x16xf32> to vector<16xf32>
          %get3A_169 = arith.index_cast %add3A_82 : i32 to index
          %get3A_170 = arith.constant 96 : index
          %get3A_171 = tpu.vector_load %arg13[%get3A_169, %get3A_170] {strides = array<i32>} : memref<80x128xf32, #tpu.memory_space<vmem>>, vector<1x16xf32>,
          %get3A_172 = vector.shape_cast %get3A_171 : vector<1x16xf32> to vector<16xf32>
          %add3A_173 = arith.addf %get3A_168, %get3A_172 : vector<16xf32>
          %swap3A_174 = arith.index_cast %add3A_82 : i32 to index
          %swap3A_175 = arith.constant 96 : index
          %swap3A_176 = tpu.vector_load %arg15[%swap3A_174, %swap3A_175] {strides = array<i32>} : memref<80x128xf32, #tpu.memory_space<vmem>>, vector<1x16xf32>,
          %swap3A_177 = vector.shape_cast %swap3A_176 : vector<1x16xf32> to vector<16xf32>
          %swap3A_178 = vector.shape_cast %add3A_173 : vector<16xf32> to vector<1x16xf32>
          tpu.vector_store %arg15[%swap3A_174, %swap3A_175], %swap3A_178 {strides = array<i32>} : memref<80x128xf32, #tpu.memory_space<vmem>>, vector<1x16xf32>,
          %get3A_179 = arith.index_cast %add3A_82 : i32 to index
          %get3A_180 = arith.constant 112 : index
          %get3A_181 = tpu.vector_load %arg11[%get3A_179, %get3A_180] {strides = array<i32>} : memref<80x128xf32, #tpu.memory_space<vmem>>, vector<1x16xf32>,
          %get3A_182 = vector.shape_cast %get3A_181 : vector<1x16xf32> to vector<16xf32>
          %get3A_183 = arith.index_cast %add3A_82 : i32 to index
          %get3A_184 = arith.constant 112 : index
          %get3A_185 = tpu.vector_load %arg13[%get3A_183, %get3A_184] {strides = array<i32>} : memref<80x128xf32, #tpu.memory_space<vmem>>, vector<1x16xf32>,
          %get3A_186 = vector.shape_cast %get3A_185 : vector<1x16xf32> to vector<16xf32>
          %add3A_187 = arith.addf %get3A_182, %get3A_186 : vector<16xf32>
          %swap3A_188 = arith.index_cast %add3A_82 : i32 to index
          %swap3A_189 = arith.constant 112 : index
          %swap3A_190 = tpu.vector_load %arg15[%swap3A_188, %swap3A_189] {strides = array<i32>} : memref<80x128xf32, #tpu.memory_space<vmem>>, vector<1x16xf32>,
          %swap3A_191 = vector.shape_cast %swap3A_190 : vector<1x16xf32> to vector<16xf32>
          %swap3A_192 = vector.shape_cast %add3A_187 : vector<16xf32> to vector<1x16xf32>
          tpu.vector_store %arg15[%swap3A_188, %swap3A_189], %swap3A_192 {strides = array<i32>} : memref<80x128xf32, #tpu.memory_space<vmem>>, vector<1x16xf32>,
        }
        %scan3A_70 = arith.constant 80 : i32
        %add3A_71 = arith.addi %mul3A_2, %add3A_39 : i32
        %mul3A_72 = arith.constant 80 : i32
        %mul3A_73 = arith.muli %add3A_71, %mul3A_72 : i32
        %dma_start3A_74 = arith.constant 0 : i32
        %dma_start3A_75 = tpu.memref_slice %arg6[%mul3A_73, %dma_start3A_74] : memref<320000x128xf32, #tpu.memory_space<hbm>> -> memref<80x128xf32, #tpu.memory_space<hbm>>
        %dma_start3A_76 = arith.constant 0 : i32
        %dma_start3A_77 = tpu.memref_slice %arg6[%mul3A_73, %dma_start3A_76] : memref<320000x128xf32, #tpu.memory_space<hbm>> -> memref<80x128xf32, #tpu.memory_space<hbm>>
        tpu.enqueue_dma source(%arg15 : memref<80x128xf32, #tpu.memory_space<vmem>>) target(%dma_start3A_77 : memref<80x128xf32, #tpu.memory_space<hbm>>) target_semaphore(%arg21 : memref<!tpu.dma_semaphore, #tpu.memory_space<semaphore_mem>>)
      } else {
      }
      %and3A_43 = arith.constant 1 : i32
      %and3A_44 = arith.andi %add3A_39, %and3A_43 : i32
      %eq3A_45 = arith.constant 1 : i32
      %eq3A_46 = arith.cmpi eq, %and3A_44, %eq3A_45 : i32
      %convert_element_type3A_47 = arith.extui %eq3A_46 : i1 to i32
      %cond3A_48 = arith.constant 0 : i32
      %cond3A_49 = arith.cmpi ne, %convert_element_type3A_47, %cond3A_48 : i32
      scf.if %cond3A_49 {
        %add3A_50 = arith.constant 1 : i32
        %add3A_51 = arith.addi %add3A_39, %add3A_50 : i32
        %lt3A = arith.constant 125 : i32
        %lt3A_52 = arith.cmpi slt, %add3A_51, %lt3A : i32
        %convert_element_type3A_53 = arith.extui %lt3A_52 : i1 to i32
        %cond3A_54 = arith.constant 0 : i32
        %cond3A_55 = arith.cmpi ne, %convert_element_type3A_53, %cond3A_54 : i32
        scf.if %cond3A_55 {
          %add3A_78 = arith.addi %mul3A_2, %add3A_39 : i32
          %add3A_79 = arith.constant 1 : i32
          %add3A_80 = arith.addi %add3A_78, %add3A_79 : i32
          %mul3A_81 = arith.constant 80 : i32
          %mul3A_82 = arith.muli %add3A_80, %mul3A_81 : i32
          %dma_start3A_83 = tpu.memref_slice %arg4[%mul3A_82] : memref<320000xi32, #tpu.memory_space<hbm>> -> memref<80xi32, #tpu.memory_space<hbm>>
          %dma_start3A_84 = tpu.memref_slice %arg4[%mul3A_82] : memref<320000xi32, #tpu.memory_space<hbm>> -> memref<80xi32, #tpu.memory_space<hbm>>
          tpu.enqueue_dma source(%dma_start3A_84 : memref<80xi32, #tpu.memory_space<hbm>>) target(%arg7 : memref<80xi32, #tpu.memory_space<vmem>>) target_semaphore(%arg23 : memref<!tpu.dma_semaphore, #tpu.memory_space<semaphore_mem>>)
          %dma_wait3A_85 = tpu.memref_slice %arg4[%mul3A_82] : memref<320000xi32, #tpu.memory_space<hbm>> -> memref<80xi32, #tpu.memory_space<hbm>>
          %dma_wait3A_86 = tpu.memref_slice %arg4[%mul3A_82] : memref<320000xi32, #tpu.memory_space<hbm>> -> memref<80xi32, #tpu.memory_space<hbm>>
          tpu.wait_dma2 semaphore(%arg23 : memref<!tpu.dma_semaphore, #tpu.memory_space<semaphore_mem>>) src(%dma_wait3A_86 : memref<80xi32, #tpu.memory_space<hbm>>) dst(%arg7 : memref<80xi32, #tpu.memory_space<vmem>>)
          %mul3A_87 = arith.constant 80 : i32
          %mul3A_88 = arith.muli %add3A_80, %mul3A_87 : i32
          %dma_start3A_89 = tpu.memref_slice %arg5[%mul3A_88] : memref<320000xi32, #tpu.memory_space<hbm>> -> memref<80xi32, #tpu.memory_space<hbm>>
          %dma_start3A_90 = tpu.memref_slice %arg5[%mul3A_88] : memref<320000xi32, #tpu.memory_space<hbm>> -> memref<80xi32, #tpu.memory_space<hbm>>
          tpu.enqueue_dma source(%dma_start3A_90 : memref<80xi32, #tpu.memory_space<hbm>>) target(%arg9 : memref<80xi32, #tpu.memory_space<vmem>>) target_semaphore(%arg23 : memref<!tpu.dma_semaphore, #tpu.memory_space<semaphore_mem>>)
          %dma_wait3A_91 = tpu.memref_slice %arg5[%mul3A_88] : memref<320000xi32, #tpu.memory_space<hbm>> -> memref<80xi32, #tpu.memory_space<hbm>>
          %dma_wait3A_92 = tpu.memref_slice %arg5[%mul3A_88] : memref<320000xi32, #tpu.memory_space<hbm>> -> memref<80xi32, #tpu.memory_space<hbm>>
          tpu.wait_dma2 semaphore(%arg23 : memref<!tpu.dma_semaphore, #tpu.memory_space<semaphore_mem>>) src(%dma_wait3A_92 : memref<80xi32, #tpu.memory_space<hbm>>) dst(%arg9 : memref<80xi32, #tpu.memory_space<vmem>>)
          %dma_start3A_93 = arith.constant 0 : i32
          %dma_start3A_94 = arith.constant 0 : i32
          %dma_start3A_95 = tpu.memref_slice %arg2[%dma_start3A_93, %dma_start3A_94] : memref<10000x128xf32, #tpu.memory_space<hbm>> -> memref<10000x128xf32, #tpu.memory_space<hbm>>
          tpu.enqueue_indirect_dma source(%dma_start3A_95 : memref<10000x128xf32, #tpu.memory_space<hbm>>) target(%arg11 : memref<80x128xf32, #tpu.memory_space<vmem>>) offsets(%arg7 : memref<80xi32, #tpu.memory_space<vmem>>) semaphore(%arg17 : memref<!tpu.dma_semaphore, #tpu.memory_space<semaphore_mem>>)
          %dma_start3A_96 = arith.constant 0 : i32
          %dma_start3A_97 = arith.constant 0 : i32
          %dma_start3A_98 = tpu.memref_slice %arg3[%dma_start3A_96, %dma_start3A_97] : memref<10000x128xf32, #tpu.memory_space<hbm>> -> memref<10000x128xf32, #tpu.memory_space<hbm>>
          tpu.enqueue_indirect_dma source(%dma_start3A_98 : memref<10000x128xf32, #tpu.memory_space<hbm>>) target(%arg13 : memref<80x128xf32, #tpu.memory_space<vmem>>) offsets(%arg9 : memref<80xi32, #tpu.memory_space<vmem>>) semaphore(%arg19 : memref<!tpu.dma_semaphore, #tpu.memory_space<semaphore_mem>>)
        } else {
        }
        %dma_wait3A_56 = arith.constant 0 : i32
        %dma_wait3A_57 = arith.constant 0 : i32
        %dma_wait3A_58 = tpu.memref_slice %arg2[%dma_wait3A_56, %dma_wait3A_57] : memref<10000x128xf32, #tpu.memory_space<hbm>> -> memref<10000x128xf32, #tpu.memory_space<hbm>>
        tpu.wait_indirect_dma semaphore(%arg18 : memref<!tpu.dma_semaphore, #tpu.memory_space<semaphore_mem>>) src(%dma_wait3A_58 : memref<10000x128xf32, #tpu.memory_space<hbm>>) dst(%arg12 : memref<80x128xf32, #tpu.memory_space<vmem>>)
        %dma_wait3A_59 = arith.constant 0 : i32
        %dma_wait3A_60 = arith.constant 0 : i32
        %dma_wait3A_61 = tpu.memref_slice %arg3[%dma_wait3A_59, %dma_wait3A_60] : memref<10000x128xf32, #tpu.memory_space<hbm>> -> memref<10000x128xf32, #tpu.memory_space<hbm>>
        tpu.wait_indirect_dma semaphore(%arg20 : memref<!tpu.dma_semaphore, #tpu.memory_space<semaphore_mem>>) src(%dma_wait3A_61 : memref<10000x128xf32, #tpu.memory_space<hbm>>) dst(%arg14 : memref<80x128xf32, #tpu.memory_space<vmem>>)
        %ge3A = arith.constant 2 : i32
        %ge3A_62 = arith.cmpi sge, %add3A_39, %ge3A : i32
        %convert_element_type3A_63 = arith.extui %ge3A_62 : i1 to i32
        %cond3A_64 = arith.constant 0 : i32
        %cond3A_65 = arith.cmpi ne, %convert_element_type3A_63, %cond3A_64 : i32
        scf.if %cond3A_65 {
          %dma_wait3A_78 = arith.constant 0 : i32
          %dma_wait3A_79 = arith.constant 0 : i32
          %dma_wait3A_80 = tpu.memref_slice %arg6[%dma_wait3A_78, %dma_wait3A_79] : memref<320000x128xf32, #tpu.memory_space<hbm>> -> memref<80x128xf32, #tpu.memory_space<hbm>>
          %dma_wait3A_81 = arith.constant 0 : i32
          %dma_wait3A_82 = arith.constant 0 : i32
          %dma_wait3A_83 = tpu.memref_slice %arg6[%dma_wait3A_81, %dma_wait3A_82] : memref<320000x128xf32, #tpu.memory_space<hbm>> -> memref<80x128xf32, #tpu.memory_space<hbm>>
          tpu.wait_dma2 semaphore(%arg22 : memref<!tpu.dma_semaphore, #tpu.memory_space<semaphore_mem>>) src(%arg16 : memref<80x128xf32, #tpu.memory_space<vmem>>) dst(%dma_wait3A_83 : memref<80x128xf32, #tpu.memory_space<hbm>>)
        } else {
        }
        %scan3A_66 = arith.constant 0 : i32
        %scan3A_67 = arith.constant 80 : i32
        %scan3A_68 = arith.addi %scan3A_66, %scan3A_67 : i32
        %scan3A_69 = arith.constant 1 : i32
        scf.for %scan3A_78 = %scan3A_66 to %scan3A_68 step %scan3A_69  : i32 {
          %mul3A_79 = arith.constant 1 : i32
          %mul3A_80 = arith.muli %scan3A_78, %mul3A_79 : i32
          %add3A_81 = arith.constant 0 : i32
          %add3A_82 = arith.addi %add3A_81, %mul3A_80 : i32
          %get3A = arith.index_cast %add3A_82 : i32 to index
          %get3A_83 = arith.constant 0 : index
          %get3A_84 = tpu.vector_load %arg12[%get3A, %get3A_83] {strides = array<i32>} : memref<80x128xf32, #tpu.memory_space<vmem>>, vector<1x16xf32>,
          %get3A_85 = vector.shape_cast %get3A_84 : vector<1x16xf32> to vector<16xf32>
          %get3A_86 = arith.index_cast %add3A_82 : i32 to index
          %get3A_87 = arith.constant 0 : index
          %get3A_88 = tpu.vector_load %arg14[%get3A_86, %get3A_87] {strides = array<i32>} : memref<80x128xf32, #tpu.memory_space<vmem>>, vector<1x16xf32>,
          %get3A_89 = vector.shape_cast %get3A_88 : vector<1x16xf32> to vector<16xf32>
          %add3A_90 = arith.addf %get3A_85, %get3A_89 : vector<16xf32>
          %swap3A = arith.index_cast %add3A_82 : i32 to index
          %swap3A_91 = arith.constant 0 : index
          %swap3A_92 = tpu.vector_load %arg16[%swap3A, %swap3A_91] {strides = array<i32>} : memref<80x128xf32, #tpu.memory_space<vmem>>, vector<1x16xf32>,
          %swap3A_93 = vector.shape_cast %swap3A_92 : vector<1x16xf32> to vector<16xf32>
          %swap3A_94 = vector.shape_cast %add3A_90 : vector<16xf32> to vector<1x16xf32>
          tpu.vector_store %arg16[%swap3A, %swap3A_91], %swap3A_94 {strides = array<i32>} : memref<80x128xf32, #tpu.memory_space<vmem>>, vector<1x16xf32>,
          %get3A_95 = arith.index_cast %add3A_82 : i32 to index
          %get3A_96 = arith.constant 16 : index
          %get3A_97 = tpu.vector_load %arg12[%get3A_95, %get3A_96] {strides = array<i32>} : memref<80x128xf32, #tpu.memory_space<vmem>>, vector<1x16xf32>,
          %get3A_98 = vector.shape_cast %get3A_97 : vector<1x16xf32> to vector<16xf32>
          %get3A_99 = arith.index_cast %add3A_82 : i32 to index
          %get3A_100 = arith.constant 16 : index
          %get3A_101 = tpu.vector_load %arg14[%get3A_99, %get3A_100] {strides = array<i32>} : memref<80x128xf32, #tpu.memory_space<vmem>>, vector<1x16xf32>,
          %get3A_102 = vector.shape_cast %get3A_101 : vector<1x16xf32> to vector<16xf32>
          %add3A_103 = arith.addf %get3A_98, %get3A_102 : vector<16xf32>
          %swap3A_104 = arith.index_cast %add3A_82 : i32 to index
          %swap3A_105 = arith.constant 16 : index
          %swap3A_106 = tpu.vector_load %arg16[%swap3A_104, %swap3A_105] {strides = array<i32>} : memref<80x128xf32, #tpu.memory_space<vmem>>, vector<1x16xf32>,
          %swap3A_107 = vector.shape_cast %swap3A_106 : vector<1x16xf32> to vector<16xf32>
          %swap3A_108 = vector.shape_cast %add3A_103 : vector<16xf32> to vector<1x16xf32>
          tpu.vector_store %arg16[%swap3A_104, %swap3A_105], %swap3A_108 {strides = array<i32>} : memref<80x128xf32, #tpu.memory_space<vmem>>, vector<1x16xf32>,
          %get3A_109 = arith.index_cast %add3A_82 : i32 to index
          %get3A_110 = arith.constant 32 : index
          %get3A_111 = tpu.vector_load %arg12[%get3A_109, %get3A_110] {strides = array<i32>} : memref<80x128xf32, #tpu.memory_space<vmem>>, vector<1x16xf32>,
          %get3A_112 = vector.shape_cast %get3A_111 : vector<1x16xf32> to vector<16xf32>
          %get3A_113 = arith.index_cast %add3A_82 : i32 to index
          %get3A_114 = arith.constant 32 : index
          %get3A_115 = tpu.vector_load %arg14[%get3A_113, %get3A_114] {strides = array<i32>} : memref<80x128xf32, #tpu.memory_space<vmem>>, vector<1x16xf32>,
          %get3A_116 = vector.shape_cast %get3A_115 : vector<1x16xf32> to vector<16xf32>
          %add3A_117 = arith.addf %get3A_112, %get3A_116 : vector<16xf32>
          %swap3A_118 = arith.index_cast %add3A_82 : i32 to index
          %swap3A_119 = arith.constant 32 : index
          %swap3A_120 = tpu.vector_load %arg16[%swap3A_118, %swap3A_119] {strides = array<i32>} : memref<80x128xf32, #tpu.memory_space<vmem>>, vector<1x16xf32>,
          %swap3A_121 = vector.shape_cast %swap3A_120 : vector<1x16xf32> to vector<16xf32>
          %swap3A_122 = vector.shape_cast %add3A_117 : vector<16xf32> to vector<1x16xf32>
          tpu.vector_store %arg16[%swap3A_118, %swap3A_119], %swap3A_122 {strides = array<i32>} : memref<80x128xf32, #tpu.memory_space<vmem>>, vector<1x16xf32>,
          %get3A_123 = arith.index_cast %add3A_82 : i32 to index
          %get3A_124 = arith.constant 48 : index
          %get3A_125 = tpu.vector_load %arg12[%get3A_123, %get3A_124] {strides = array<i32>} : memref<80x128xf32, #tpu.memory_space<vmem>>, vector<1x16xf32>,
          %get3A_126 = vector.shape_cast %get3A_125 : vector<1x16xf32> to vector<16xf32>
          %get3A_127 = arith.index_cast %add3A_82 : i32 to index
          %get3A_128 = arith.constant 48 : index
          %get3A_129 = tpu.vector_load %arg14[%get3A_127, %get3A_128] {strides = array<i32>} : memref<80x128xf32, #tpu.memory_space<vmem>>, vector<1x16xf32>,
          %get3A_130 = vector.shape_cast %get3A_129 : vector<1x16xf32> to vector<16xf32>
          %add3A_131 = arith.addf %get3A_126, %get3A_130 : vector<16xf32>
          %swap3A_132 = arith.index_cast %add3A_82 : i32 to index
          %swap3A_133 = arith.constant 48 : index
          %swap3A_134 = tpu.vector_load %arg16[%swap3A_132, %swap3A_133] {strides = array<i32>} : memref<80x128xf32, #tpu.memory_space<vmem>>, vector<1x16xf32>,
          %swap3A_135 = vector.shape_cast %swap3A_134 : vector<1x16xf32> to vector<16xf32>
          %swap3A_136 = vector.shape_cast %add3A_131 : vector<16xf32> to vector<1x16xf32>
          tpu.vector_store %arg16[%swap3A_132, %swap3A_133], %swap3A_136 {strides = array<i32>} : memref<80x128xf32, #tpu.memory_space<vmem>>, vector<1x16xf32>,
          %get3A_137 = arith.index_cast %add3A_82 : i32 to index
          %get3A_138 = arith.constant 64 : index
          %get3A_139 = tpu.vector_load %arg12[%get3A_137, %get3A_138] {strides = array<i32>} : memref<80x128xf32, #tpu.memory_space<vmem>>, vector<1x16xf32>,
          %get3A_140 = vector.shape_cast %get3A_139 : vector<1x16xf32> to vector<16xf32>
          %get3A_141 = arith.index_cast %add3A_82 : i32 to index
          %get3A_142 = arith.constant 64 : index
          %get3A_143 = tpu.vector_load %arg14[%get3A_141, %get3A_142] {strides = array<i32>} : memref<80x128xf32, #tpu.memory_space<vmem>>, vector<1x16xf32>,
          %get3A_144 = vector.shape_cast %get3A_143 : vector<1x16xf32> to vector<16xf32>
          %add3A_145 = arith.addf %get3A_140, %get3A_144 : vector<16xf32>
          %swap3A_146 = arith.index_cast %add3A_82 : i32 to index
          %swap3A_147 = arith.constant 64 : index
          %swap3A_148 = tpu.vector_load %arg16[%swap3A_146, %swap3A_147] {strides = array<i32>} : memref<80x128xf32, #tpu.memory_space<vmem>>, vector<1x16xf32>,
          %swap3A_149 = vector.shape_cast %swap3A_148 : vector<1x16xf32> to vector<16xf32>
          %swap3A_150 = vector.shape_cast %add3A_145 : vector<16xf32> to vector<1x16xf32>
          tpu.vector_store %arg16[%swap3A_146, %swap3A_147], %swap3A_150 {strides = array<i32>} : memref<80x128xf32, #tpu.memory_space<vmem>>, vector<1x16xf32>,
          %get3A_151 = arith.index_cast %add3A_82 : i32 to index
          %get3A_152 = arith.constant 80 : index
          %get3A_153 = tpu.vector_load %arg12[%get3A_151, %get3A_152] {strides = array<i32>} : memref<80x128xf32, #tpu.memory_space<vmem>>, vector<1x16xf32>,
          %get3A_154 = vector.shape_cast %get3A_153 : vector<1x16xf32> to vector<16xf32>
          %get3A_155 = arith.index_cast %add3A_82 : i32 to index
          %get3A_156 = arith.constant 80 : index
          %get3A_157 = tpu.vector_load %arg14[%get3A_155, %get3A_156] {strides = array<i32>} : memref<80x128xf32, #tpu.memory_space<vmem>>, vector<1x16xf32>,
          %get3A_158 = vector.shape_cast %get3A_157 : vector<1x16xf32> to vector<16xf32>
          %add3A_159 = arith.addf %get3A_154, %get3A_158 : vector<16xf32>
          %swap3A_160 = arith.index_cast %add3A_82 : i32 to index
          %swap3A_161 = arith.constant 80 : index
          %swap3A_162 = tpu.vector_load %arg16[%swap3A_160, %swap3A_161] {strides = array<i32>} : memref<80x128xf32, #tpu.memory_space<vmem>>, vector<1x16xf32>,
          %swap3A_163 = vector.shape_cast %swap3A_162 : vector<1x16xf32> to vector<16xf32>
          %swap3A_164 = vector.shape_cast %add3A_159 : vector<16xf32> to vector<1x16xf32>
          tpu.vector_store %arg16[%swap3A_160, %swap3A_161], %swap3A_164 {strides = array<i32>} : memref<80x128xf32, #tpu.memory_space<vmem>>, vector<1x16xf32>,
          %get3A_165 = arith.index_cast %add3A_82 : i32 to index
          %get3A_166 = arith.constant 96 : index
          %get3A_167 = tpu.vector_load %arg12[%get3A_165, %get3A_166] {strides = array<i32>} : memref<80x128xf32, #tpu.memory_space<vmem>>, vector<1x16xf32>,
          %get3A_168 = vector.shape_cast %get3A_167 : vector<1x16xf32> to vector<16xf32>
          %get3A_169 = arith.index_cast %add3A_82 : i32 to index
          %get3A_170 = arith.constant 96 : index
          %get3A_171 = tpu.vector_load %arg14[%get3A_169, %get3A_170] {strides = array<i32>} : memref<80x128xf32, #tpu.memory_space<vmem>>, vector<1x16xf32>,
          %get3A_172 = vector.shape_cast %get3A_171 : vector<1x16xf32> to vector<16xf32>
          %add3A_173 = arith.addf %get3A_168, %get3A_172 : vector<16xf32>
          %swap3A_174 = arith.index_cast %add3A_82 : i32 to index
          %swap3A_175 = arith.constant 96 : index
          %swap3A_176 = tpu.vector_load %arg16[%swap3A_174, %swap3A_175] {strides = array<i32>} : memref<80x128xf32, #tpu.memory_space<vmem>>, vector<1x16xf32>,
          %swap3A_177 = vector.shape_cast %swap3A_176 : vector<1x16xf32> to vector<16xf32>
          %swap3A_178 = vector.shape_cast %add3A_173 : vector<16xf32> to vector<1x16xf32>
          tpu.vector_store %arg16[%swap3A_174, %swap3A_175], %swap3A_178 {strides = array<i32>} : memref<80x128xf32, #tpu.memory_space<vmem>>, vector<1x16xf32>,
          %get3A_179 = arith.index_cast %add3A_82 : i32 to index
          %get3A_180 = arith.constant 112 : index
          %get3A_181 = tpu.vector_load %arg12[%get3A_179, %get3A_180] {strides = array<i32>} : memref<80x128xf32, #tpu.memory_space<vmem>>, vector<1x16xf32>,
          %get3A_182 = vector.shape_cast %get3A_181 : vector<1x16xf32> to vector<16xf32>
          %get3A_183 = arith.index_cast %add3A_82 : i32 to index
          %get3A_184 = arith.constant 112 : index
          %get3A_185 = tpu.vector_load %arg14[%get3A_183, %get3A_184] {strides = array<i32>} : memref<80x128xf32, #tpu.memory_space<vmem>>, vector<1x16xf32>,
          %get3A_186 = vector.shape_cast %get3A_185 : vector<1x16xf32> to vector<16xf32>
          %add3A_187 = arith.addf %get3A_182, %get3A_186 : vector<16xf32>
          %swap3A_188 = arith.index_cast %add3A_82 : i32 to index
          %swap3A_189 = arith.constant 112 : index
          %swap3A_190 = tpu.vector_load %arg16[%swap3A_188, %swap3A_189] {strides = array<i32>} : memref<80x128xf32, #tpu.memory_space<vmem>>, vector<1x16xf32>,
          %swap3A_191 = vector.shape_cast %swap3A_190 : vector<1x16xf32> to vector<16xf32>
          %swap3A_192 = vector.shape_cast %add3A_187 : vector<16xf32> to vector<1x16xf32>
          tpu.vector_store %arg16[%swap3A_188, %swap3A_189], %swap3A_192 {strides = array<i32>} : memref<80x128xf32, #tpu.memory_space<vmem>>, vector<1x16xf32>,
        }
        %scan3A_70 = arith.constant 80 : i32
        %add3A_71 = arith.addi %mul3A_2, %add3A_39 : i32
        %mul3A_72 = arith.constant 80 : i32
        %mul3A_73 = arith.muli %add3A_71, %mul3A_72 : i32
        %dma_start3A_74 = arith.constant 0 : i32
        %dma_start3A_75 = tpu.memref_slice %arg6[%mul3A_73, %dma_start3A_74] : memref<320000x128xf32, #tpu.memory_space<hbm>> -> memref<80x128xf32, #tpu.memory_space<hbm>>
        %dma_start3A_76 = arith.constant 0 : i32
        %dma_start3A_77 = tpu.memref_slice %arg6[%mul3A_73, %dma_start3A_76] : memref<320000x128xf32, #tpu.memory_space<hbm>> -> memref<80x128xf32, #tpu.memory_space<hbm>>
        tpu.enqueue_dma source(%arg16 : memref<80x128xf32, #tpu.memory_space<vmem>>) target(%dma_start3A_77 : memref<80x128xf32, #tpu.memory_space<hbm>>) target_semaphore(%arg22 : memref<!tpu.dma_semaphore, #tpu.memory_space<semaphore_mem>>)
      } else {
      }
    }
    %scan3A_22 = arith.constant 125 : i32
    %dma_wait3A_23 = arith.constant 0 : i32
    %dma_wait3A_24 = arith.constant 0 : i32
    %dma_wait3A_25 = tpu.memref_slice %arg6[%dma_wait3A_23, %dma_wait3A_24] : memref<320000x128xf32, #tpu.memory_space<hbm>> -> memref<80x128xf32, #tpu.memory_space<hbm>>
    %dma_wait3A_26 = arith.constant 0 : i32
    %dma_wait3A_27 = arith.constant 0 : i32
    %dma_wait3A_28 = tpu.memref_slice %arg6[%dma_wait3A_26, %dma_wait3A_27] : memref<320000x128xf32, #tpu.memory_space<hbm>> -> memref<80x128xf32, #tpu.memory_space<hbm>>
    tpu.wait_dma2 semaphore(%arg21 : memref<!tpu.dma_semaphore, #tpu.memory_space<semaphore_mem>>) src(%arg15 : memref<80x128xf32, #tpu.memory_space<vmem>>) dst(%dma_wait3A_28 : memref<80x128xf32, #tpu.memory_space<hbm>>)
    %dma_wait3A_29 = arith.constant 0 : i32
    %dma_wait3A_30 = arith.constant 0 : i32
    %dma_wait3A_31 = tpu.memref_slice %arg6[%dma_wait3A_29, %dma_wait3A_30] : memref<320000x128xf32, #tpu.memory_space<hbm>> -> memref<80x128xf32, #tpu.memory_space<hbm>>
    %dma_wait3A_32 = arith.constant 0 : i32
    %dma_wait3A_33 = arith.constant 0 : i32
    %dma_wait3A_34 = tpu.memref_slice %arg6[%dma_wait3A_32, %dma_wait3A_33] : memref<320000x128xf32, #tpu.memory_space<hbm>> -> memref<80x128xf32, #tpu.memory_space<hbm>>
    tpu.wait_dma2 semaphore(%arg22 : memref<!tpu.dma_semaphore, #tpu.memory_space<semaphore_mem>>) src(%arg16 : memref<80x128xf32, #tpu.memory_space<vmem>>) dst(%dma_wait3A_34 : memref<80x128xf32, #tpu.memory_space<hbm>>)
    return
  }
}

module attributes {stable_mosaic.version = 14 : i64} {
  func.func @_prep_body(%arg0: i32, %arg1: memref<2000x128xf32, #tpu.memory_space<vmem>>, %arg2: memref<128x128xbf16, #tpu.memory_space<vmem>>, %arg3: memref<128x128xbf16, #tpu.memory_space<vmem>>, %arg4: memref<1x128xf32, #tpu.memory_space<vmem>>, %arg5: memref<2000x128xf32, #tpu.memory_space<vmem>>, %arg6: memref<2000x128xf32, #tpu.memory_space<vmem>>) attributes {dimension_semantics = [#tpu.dimension_semantics<arbitrary>], iteration_bounds = array<i64: 5>, scalar_prefetch = 0 : i64, scratch_operands = 0 : i64, tpu.core_type = #tpu.core_type<tc>, window_params = [{transform_indices = @transform_0, window_bounds = array<i64: 2000, 128>}, {pipeline_mode = #tpu.pipeline_mode<synchronous>, transform_indices = @transform_1, window_bounds = array<i64: 128, 128>}, {pipeline_mode = #tpu.pipeline_mode<synchronous>, transform_indices = @transform_2, window_bounds = array<i64: 128, 128>}, {pipeline_mode = #tpu.pipeline_mode<synchronous>, transform_indices = @transform_3, window_bounds = array<i64: 1, 128>}, {transform_indices = @transform_4, window_bounds = array<i64: 2000, 128>}, {transform_indices = @transform_5, window_bounds = array<i64: 2000, 128>}]} {
    %get3A = arith.constant 0 : index
    %get3A_0 = arith.constant 0 : index
    %get3A_1 = vector.load %arg1[%get3A, %get3A_0] : memref<2000x128xf32, #tpu.memory_space<vmem>>, vector<2000x128xf32>
    %convert_element_type3A = arith.truncf %get3A_1 : vector<2000x128xf32> to vector<2000x128xbf16>
    %get3A_2 = arith.constant 0 : index
    %get3A_3 = arith.constant 0 : index
    %get3A_4 = vector.load %arg2[%get3A_2, %get3A_3] : memref<128x128xbf16, #tpu.memory_space<vmem>>, vector<128x128xbf16>
    %dot_general3A = arith.constant dense<0.000000e+00> : vector<2000x128xf32>
    %dot_general3A_5 = tpu.matmul %convert_element_type3A, %get3A_4, %dot_general3A {dimension_numbers = #tpu.dot_dimension_numbers<[1], [0], [0], [1], [0, 0, 1, 1], [], []>, transpose_lhs_hint = false} : vector<2000x128xbf16>, vector<128x128xbf16>, vector<2000x128xf32> -> vector<2000x128xf32>
    %get3A_6 = arith.constant 0 : index
    %get3A_7 = arith.constant 0 : index
    %get3A_8 = vector.load %arg4[%get3A_6, %get3A_7] : memref<1x128xf32, #tpu.memory_space<vmem>>, vector<1x128xf32>
    %add3A = vector.broadcast %get3A_8 : vector<1x128xf32> to vector<2000x128xf32>
    %add3A_9 = arith.addf %dot_general3A_5, %add3A : vector<2000x128xf32>
    %swap3A = arith.constant 0 : index
    %swap3A_10 = arith.constant 0 : index
    %swap3A_11 = vector.load %arg5[%swap3A, %swap3A_10] : memref<2000x128xf32, #tpu.memory_space<vmem>>, vector<2000x128xf32>
    tpu.vector_store %arg5[%swap3A, %swap3A_10], %add3A_9 {strides = array<i32>} : memref<2000x128xf32, #tpu.memory_space<vmem>>, vector<2000x128xf32>,
    %get3A_12 = arith.constant 0 : index
    %get3A_13 = arith.constant 0 : index
    %get3A_14 = vector.load %arg3[%get3A_12, %get3A_13] : memref<128x128xbf16, #tpu.memory_space<vmem>>, vector<128x128xbf16>
    %dot_general3A_15 = arith.constant dense<0.000000e+00> : vector<2000x128xf32>
    %dot_general3A_16 = tpu.matmul %convert_element_type3A, %get3A_14, %dot_general3A_15 {dimension_numbers = #tpu.dot_dimension_numbers<[1], [0], [0], [1], [0, 0, 1, 1], [], []>, transpose_lhs_hint = false} : vector<2000x128xbf16>, vector<128x128xbf16>, vector<2000x128xf32> -> vector<2000x128xf32>
    %swap3A_17 = arith.constant 0 : index
    %swap3A_18 = arith.constant 0 : index
    %swap3A_19 = vector.load %arg6[%swap3A_17, %swap3A_18] : memref<2000x128xf32, #tpu.memory_space<vmem>>, vector<2000x128xf32>
    tpu.vector_store %arg6[%swap3A_17, %swap3A_18], %dot_general3A_16 {strides = array<i32>} : memref<2000x128xf32, #tpu.memory_space<vmem>>, vector<2000x128xf32>,
    return
  }
  func.func @transform_0(%arg0: i32) -> (i32, i32) {
    %c0_i32 = arith.constant 0 : i32
    %c0_i32_0 = arith.constant 0 : i32
    return %arg0, %c0_i32 : i32, i32
  }
  func.func @transform_1(%arg0: i32) -> (i32, i32) {
    %c0_i32 = arith.constant 0 : i32
    %c0_i32_0 = arith.constant 0 : i32
    %c0_i32_1 = arith.constant 0 : i32
    return %c0_i32, %c0_i32_0 : i32, i32
  }
  func.func @transform_2(%arg0: i32) -> (i32, i32) {
    %c0_i32 = arith.constant 0 : i32
    %c0_i32_0 = arith.constant 0 : i32
    %c0_i32_1 = arith.constant 0 : i32
    return %c0_i32, %c0_i32_0 : i32, i32
  }
  func.func @transform_3(%arg0: i32) -> (i32, i32) {
    %c0_i32 = arith.constant 0 : i32
    %c0_i32_0 = arith.constant 0 : i32
    %c0_i32_1 = arith.constant 0 : i32
    return %c0_i32, %c0_i32_0 : i32, i32
  }
  func.func @transform_4(%arg0: i32) -> (i32, i32) {
    %c0_i32 = arith.constant 0 : i32
    %c0_i32_0 = arith.constant 0 : i32
    return %arg0, %c0_i32 : i32, i32
  }
  func.func @transform_5(%arg0: i32) -> (i32, i32) {
    %c0_i32 = arith.constant 0 : i32
    %c0_i32_0 = arith.constant 0 : i32
    return %arg0, %c0_i32 : i32, i32
  }
}

module attributes {stable_mosaic.version = 14 : i64} {
  func.func @_edge_body(%arg0: i32, %arg1: memref<1280x128xf32, #tpu.memory_space<vmem>>, %arg2: memref<1280x1xf32, #tpu.memory_space<vmem>>, %arg3: memref<50x128xbf16, #tpu.memory_space<vmem>>, %arg4: memref<128x128xbf16, #tpu.memory_space<vmem>>, %arg5: memref<1x128xf32, #tpu.memory_space<vmem>>, %arg6: memref<128x128xbf16, #tpu.memory_space<vmem>>, %arg7: memref<1x128xf32, #tpu.memory_space<vmem>>, %arg8: memref<1280x128xf32, #tpu.memory_space<vmem>>) attributes {dimension_semantics = [#tpu.dimension_semantics<arbitrary>], iteration_bounds = array<i64: 250>, scalar_prefetch = 0 : i64, scratch_operands = 0 : i64, tpu.core_type = #tpu.core_type<tc>, window_params = [{transform_indices = @transform_0, window_bounds = array<i64: 1280, 128>}, {transform_indices = @transform_1, window_bounds = array<i64: 1280, 1>}, {pipeline_mode = #tpu.pipeline_mode<synchronous>, transform_indices = @transform_2, window_bounds = array<i64: 50, 128>}, {pipeline_mode = #tpu.pipeline_mode<synchronous>, transform_indices = @transform_3, window_bounds = array<i64: 128, 128>}, {pipeline_mode = #tpu.pipeline_mode<synchronous>, transform_indices = @transform_4, window_bounds = array<i64: 1, 128>}, {pipeline_mode = #tpu.pipeline_mode<synchronous>, transform_indices = @transform_5, window_bounds = array<i64: 128, 128>}, {pipeline_mode = #tpu.pipeline_mode<synchronous>, transform_indices = @transform_6, window_bounds = array<i64: 1, 128>}, {transform_indices = @transform_7, window_bounds = array<i64: 1280, 128>}]} {
    %get3A = arith.constant 0 : index
    %get3A_0 = arith.constant 0 : index
    %get3A_1 = vector.load %arg2[%get3A, %get3A_0] : memref<1280x1xf32, #tpu.memory_space<vmem>>, vector<1280x1xf32>
    %iota3A = tpu.iota {dimensions = array<i32: 1>} : vector<1x50xi32>
    %convert_element_type3A = arith.sitofp %iota3A : vector<1x50xi32> to vector<1x50xf32>
    %mul3A = arith.constant 0.20408164 : f32
    %mul3A_2 = vector.broadcast %mul3A : f32 to vector<1x50xf32>
    %mul3A_3 = arith.mulf %convert_element_type3A, %mul3A_2 : vector<1x50xf32>
    %sub3A = vector.broadcast %get3A_1 : vector<1280x1xf32> to vector<1280x50xf32>
    %sub3A_4 = vector.broadcast %mul3A_3 : vector<1x50xf32> to vector<1280x50xf32>
    %sub3A_5 = arith.subf %sub3A, %sub3A_4 : vector<1280x50xf32>
    %integer_pow3A = arith.mulf %sub3A_5, %sub3A_5 : vector<1280x50xf32>
    %mul3A_6 = arith.constant -1.200500e+01 : f32
    %mul3A_7 = vector.broadcast %mul3A_6 : f32 to vector<1280x50xf32>
    %mul3A_8 = arith.mulf %mul3A_7, %integer_pow3A : vector<1280x50xf32>
    %exp3A = math.exp %mul3A_8 : vector<1280x50xf32>
    %get3A_9 = arith.constant 0 : index
    %get3A_10 = arith.constant 0 : index
    %get3A_11 = vector.load %arg1[%get3A_9, %get3A_10] : memref<1280x128xf32, #tpu.memory_space<vmem>>, vector<1280x128xf32>
    %convert_element_type3A_12 = arith.truncf %exp3A : vector<1280x50xf32> to vector<1280x50xbf16>
    %get3A_13 = arith.constant 0 : index
    %get3A_14 = arith.constant 0 : index
    %get3A_15 = vector.load %arg3[%get3A_13, %get3A_14] : memref<50x128xbf16, #tpu.memory_space<vmem>>, vector<50x128xbf16>
    %dot_general3A = arith.constant dense<0.000000e+00> : vector<1280x128xf32>
    %dot_general3A_16 = tpu.matmul %convert_element_type3A_12, %get3A_15, %dot_general3A {dimension_numbers = #tpu.dot_dimension_numbers<[1], [0], [0], [1], [0, 0, 1, 1], [], []>, transpose_lhs_hint = false} : vector<1280x50xbf16>, vector<50x128xbf16>, vector<1280x128xf32> -> vector<1280x128xf32>
    %add3A = arith.addf %get3A_11, %dot_general3A_16 : vector<1280x128xf32>
    %logistic3A = arith.negf %add3A : vector<1280x128xf32>
    %logistic3A_17 = math.exp %logistic3A : vector<1280x128xf32>
    %logistic3A_18 = arith.constant 1.000000e+00 : f32
    %logistic3A_19 = vector.broadcast %logistic3A_18 : f32 to vector<1280x128xf32>
    %logistic3A_20 = arith.addf %logistic3A_19, %logistic3A_17 : vector<1280x128xf32>
    %logistic3A_21 = arith.divf %logistic3A_19, %logistic3A_20 : vector<1280x128xf32>
    %mul3A_22 = arith.mulf %add3A, %logistic3A_21 : vector<1280x128xf32>
    %convert_element_type3A_23 = arith.truncf %mul3A_22 : vector<1280x128xf32> to vector<1280x128xbf16>
    %get3A_24 = arith.constant 0 : index
    %get3A_25 = arith.constant 0 : index
    %get3A_26 = vector.load %arg4[%get3A_24, %get3A_25] : memref<128x128xbf16, #tpu.memory_space<vmem>>, vector<128x128xbf16>
    %dot_general3A_27 = arith.constant dense<0.000000e+00> : vector<1280x128xf32>
    %dot_general3A_28 = tpu.matmul %convert_element_type3A_23, %get3A_26, %dot_general3A_27 {dimension_numbers = #tpu.dot_dimension_numbers<[1], [0], [0], [1], [0, 0, 1, 1], [], []>, transpose_lhs_hint = false} : vector<1280x128xbf16>, vector<128x128xbf16>, vector<1280x128xf32> -> vector<1280x128xf32>
    %get3A_29 = arith.constant 0 : index
    %get3A_30 = arith.constant 0 : index
    %get3A_31 = vector.load %arg5[%get3A_29, %get3A_30] : memref<1x128xf32, #tpu.memory_space<vmem>>, vector<1x128xf32>
    %add3A_32 = vector.broadcast %get3A_31 : vector<1x128xf32> to vector<1280x128xf32>
    %add3A_33 = arith.addf %dot_general3A_28, %add3A_32 : vector<1280x128xf32>
    %logistic3A_34 = arith.negf %add3A_33 : vector<1280x128xf32>
    %logistic3A_35 = math.exp %logistic3A_34 : vector<1280x128xf32>
    %logistic3A_36 = arith.constant 1.000000e+00 : f32
    %logistic3A_37 = vector.broadcast %logistic3A_36 : f32 to vector<1280x128xf32>
    %logistic3A_38 = arith.addf %logistic3A_37, %logistic3A_35 : vector<1280x128xf32>
    %logistic3A_39 = arith.divf %logistic3A_37, %logistic3A_38 : vector<1280x128xf32>
    %mul3A_40 = arith.mulf %add3A_33, %logistic3A_39 : vector<1280x128xf32>
    %convert_element_type3A_41 = arith.truncf %mul3A_40 : vector<1280x128xf32> to vector<1280x128xbf16>
    %get3A_42 = arith.constant 0 : index
    %get3A_43 = arith.constant 0 : index
    %get3A_44 = vector.load %arg6[%get3A_42, %get3A_43] : memref<128x128xbf16, #tpu.memory_space<vmem>>, vector<128x128xbf16>
    %dot_general3A_45 = arith.constant dense<0.000000e+00> : vector<1280x128xf32>
    %dot_general3A_46 = tpu.matmul %convert_element_type3A_41, %get3A_44, %dot_general3A_45 {dimension_numbers = #tpu.dot_dimension_numbers<[1], [0], [0], [1], [0, 0, 1, 1], [], []>, transpose_lhs_hint = false} : vector<1280x128xbf16>, vector<128x128xbf16>, vector<1280x128xf32> -> vector<1280x128xf32>
    %get3A_47 = arith.constant 0 : index
    %get3A_48 = arith.constant 0 : index
    %get3A_49 = vector.load %arg7[%get3A_47, %get3A_48] : memref<1x128xf32, #tpu.memory_space<vmem>>, vector<1x128xf32>
    %add3A_50 = vector.broadcast %get3A_49 : vector<1x128xf32> to vector<1280x128xf32>
    %add3A_51 = arith.addf %dot_general3A_46, %add3A_50 : vector<1280x128xf32>
    %swap3A = arith.constant 0 : index
    %swap3A_52 = arith.constant 0 : index
    %swap3A_53 = vector.load %arg8[%swap3A, %swap3A_52] : memref<1280x128xf32, #tpu.memory_space<vmem>>, vector<1280x128xf32>
    tpu.vector_store %arg8[%swap3A, %swap3A_52], %add3A_51 {strides = array<i32>} : memref<1280x128xf32, #tpu.memory_space<vmem>>, vector<1280x128xf32>,
    return
  }
  func.func @transform_0(%arg0: i32) -> (i32, i32) {
    %c0_i32 = arith.constant 0 : i32
    %c0_i32_0 = arith.constant 0 : i32
    return %arg0, %c0_i32 : i32, i32
  }
  func.func @transform_1(%arg0: i32) -> (i32, i32) {
    %c0_i32 = arith.constant 0 : i32
    %c0_i32_0 = arith.constant 0 : i32
    return %arg0, %c0_i32 : i32, i32
  }
  func.func @transform_2(%arg0: i32) -> (i32, i32) {
    %c0_i32 = arith.constant 0 : i32
    %c0_i32_0 = arith.constant 0 : i32
    %c0_i32_1 = arith.constant 0 : i32
    return %c0_i32, %c0_i32_0 : i32, i32
  }
  func.func @transform_3(%arg0: i32) -> (i32, i32) {
    %c0_i32 = arith.constant 0 : i32
    %c0_i32_0 = arith.constant 0 : i32
    %c0_i32_1 = arith.constant 0 : i32
    return %c0_i32, %c0_i32_0 : i32, i32
  }
  func.func @transform_4(%arg0: i32) -> (i32, i32) {
    %c0_i32 = arith.constant 0 : i32
    %c0_i32_0 = arith.constant 0 : i32
    %c0_i32_1 = arith.constant 0 : i32
    return %c0_i32, %c0_i32_0 : i32, i32
  }
  func.func @transform_5(%arg0: i32) -> (i32, i32) {
    %c0_i32 = arith.constant 0 : i32
    %c0_i32_0 = arith.constant 0 : i32
    %c0_i32_1 = arith.constant 0 : i32
    return %c0_i32, %c0_i32_0 : i32, i32
  }
  func.func @transform_6(%arg0: i32) -> (i32, i32) {
    %c0_i32 = arith.constant 0 : i32
    %c0_i32_0 = arith.constant 0 : i32
    %c0_i32_1 = arith.constant 0 : i32
    return %c0_i32, %c0_i32_0 : i32, i32
  }
  func.func @transform_7(%arg0: i32) -> (i32, i32) {
    %c0_i32 = arith.constant 0 : i32
    %c0_i32_0 = arith.constant 0 : i32
    return %arg0, %c0_i32 : i32, i32
  }
}

module attributes {stable_mosaic.version = 14 : i64} {
  func.func @_node_body(%arg0: i32, %arg1: memref<2000x128xf32, #tpu.memory_space<vmem>>, %arg2: memref<1x2000x128xf32, #tpu.memory_space<vmem>>, %arg3: memref<1x2000x128xf32, #tpu.memory_space<vmem>>, %arg4: memref<128x128xbf16, #tpu.memory_space<vmem>>, %arg5: memref<128x128xbf16, #tpu.memory_space<vmem>>, %arg6: memref<1x128xf32, #tpu.memory_space<vmem>>, %arg7: memref<128x128xbf16, #tpu.memory_space<vmem>>, %arg8: memref<1x128xf32, #tpu.memory_space<vmem>>, %arg9: memref<128x128xbf16, #tpu.memory_space<vmem>>, %arg10: memref<1x128xf32, #tpu.memory_space<vmem>>, %arg11: memref<128x128xbf16, #tpu.memory_space<vmem>>, %arg12: memref<1x128xf32, #tpu.memory_space<vmem>>, %arg13: memref<2000x128xf32, #tpu.memory_space<vmem>>) attributes {dimension_semantics = [#tpu.dimension_semantics<arbitrary>], iteration_bounds = array<i64: 5>, scalar_prefetch = 0 : i64, scratch_operands = 0 : i64, tpu.core_type = #tpu.core_type<tc>, window_params = [{transform_indices = @transform_0, window_bounds = array<i64: 2000, 128>}, {transform_indices = @transform_1, window_bounds = array<i64: 1, 2000, 128>}, {transform_indices = @transform_2, window_bounds = array<i64: 1, 2000, 128>}, {pipeline_mode = #tpu.pipeline_mode<synchronous>, transform_indices = @transform_3, window_bounds = array<i64: 128, 128>}, {pipeline_mode = #tpu.pipeline_mode<synchronous>, transform_indices = @transform_4, window_bounds = array<i64: 128, 128>}, {pipeline_mode = #tpu.pipeline_mode<synchronous>, transform_indices = @transform_5, window_bounds = array<i64: 1, 128>}, {pipeline_mode = #tpu.pipeline_mode<synchronous>, transform_indices = @transform_6, window_bounds = array<i64: 128, 128>}, {pipeline_mode = #tpu.pipeline_mode<synchronous>, transform_indices = @transform_7, window_bounds = array<i64: 1, 128>}, {pipeline_mode = #tpu.pipeline_mode<synchronous>, transform_indices = @transform_8, window_bounds = array<i64: 128, 128>}, {pipeline_mode = #tpu.pipeline_mode<synchronous>, transform_indices = @transform_9, window_bounds = array<i64: 1, 128>}, {pipeline_mode = #tpu.pipeline_mode<synchronous>, transform_indices = @transform_10, window_bounds = array<i64: 128, 128>}, {pipeline_mode = #tpu.pipeline_mode<synchronous>, transform_indices = @transform_11, window_bounds = array<i64: 1, 128>}, {transform_indices = @transform_12, window_bounds = array<i64: 2000, 128>}]} {
    %get3A = arith.constant 0 : index
    %get3A_0 = arith.constant 0 : index
    %get3A_1 = arith.constant 0 : index
    %get3A_2 = vector.load %arg2[%get3A, %get3A_0, %get3A_1] : memref<1x2000x128xf32, #tpu.memory_space<vmem>>, vector<1x2000x128xf32>
    %get3A_3 = vector.shape_cast %get3A_2 : vector<1x2000x128xf32> to vector<2000x128xf32>
    %get3A_4 = arith.constant 0 : index
    %get3A_5 = arith.constant 0 : index
    %get3A_6 = arith.constant 0 : index
    %get3A_7 = vector.load %arg3[%get3A_4, %get3A_5, %get3A_6] : memref<1x2000x128xf32, #tpu.memory_space<vmem>>, vector<1x2000x128xf32>
    %get3A_8 = vector.shape_cast %get3A_7 : vector<1x2000x128xf32> to vector<2000x128xf32>
    %add3A = arith.addf %get3A_3, %get3A_8 : vector<2000x128xf32>
    %convert_element_type3A = arith.truncf %add3A : vector<2000x128xf32> to vector<2000x128xbf16>
    %get3A_9 = arith.constant 0 : index
    %get3A_10 = arith.constant 0 : index
    %get3A_11 = vector.load %arg1[%get3A_9, %get3A_10] : memref<2000x128xf32, #tpu.memory_space<vmem>>, vector<2000x128xf32>
    %convert_element_type3A_12 = arith.truncf %get3A_11 : vector<2000x128xf32> to vector<2000x128xbf16>
    %get3A_13 = arith.constant 0 : index
    %get3A_14 = arith.constant 0 : index
    %get3A_15 = vector.load %arg4[%get3A_13, %get3A_14] : memref<128x128xbf16, #tpu.memory_space<vmem>>, vector<128x128xbf16>
    %dot_general3A = arith.constant dense<0.000000e+00> : vector<2000x128xf32>
    %dot_general3A_16 = tpu.matmul %convert_element_type3A_12, %get3A_15, %dot_general3A {dimension_numbers = #tpu.dot_dimension_numbers<[1], [0], [0], [1], [0, 0, 1, 1], [], []>, transpose_lhs_hint = false} : vector<2000x128xbf16>, vector<128x128xbf16>, vector<2000x128xf32> -> vector<2000x128xf32>
    %get3A_17 = arith.constant 0 : index
    %get3A_18 = arith.constant 0 : index
    %get3A_19 = vector.load %arg5[%get3A_17, %get3A_18] : memref<128x128xbf16, #tpu.memory_space<vmem>>, vector<128x128xbf16>
    %dot_general3A_20 = arith.constant dense<0.000000e+00> : vector<2000x128xf32>
    %dot_general3A_21 = tpu.matmul %convert_element_type3A, %get3A_19, %dot_general3A_20 {dimension_numbers = #tpu.dot_dimension_numbers<[1], [0], [0], [1], [0, 0, 1, 1], [], []>, transpose_lhs_hint = false} : vector<2000x128xbf16>, vector<128x128xbf16>, vector<2000x128xf32> -> vector<2000x128xf32>
    %add3A_22 = arith.addf %dot_general3A_16, %dot_general3A_21 : vector<2000x128xf32>
    %get3A_23 = arith.constant 0 : index
    %get3A_24 = arith.constant 0 : index
    %get3A_25 = vector.load %arg6[%get3A_23, %get3A_24] : memref<1x128xf32, #tpu.memory_space<vmem>>, vector<1x128xf32>
    %add3A_26 = vector.broadcast %get3A_25 : vector<1x128xf32> to vector<2000x128xf32>
    %add3A_27 = arith.addf %add3A_22, %add3A_26 : vector<2000x128xf32>
    %logistic3A = arith.negf %add3A_27 : vector<2000x128xf32>
    %logistic3A_28 = math.exp %logistic3A : vector<2000x128xf32>
    %logistic3A_29 = arith.constant 1.000000e+00 : f32
    %logistic3A_30 = vector.broadcast %logistic3A_29 : f32 to vector<2000x128xf32>
    %logistic3A_31 = arith.addf %logistic3A_30, %logistic3A_28 : vector<2000x128xf32>
    %logistic3A_32 = arith.divf %logistic3A_30, %logistic3A_31 : vector<2000x128xf32>
    %mul3A = arith.mulf %add3A_27, %logistic3A_32 : vector<2000x128xf32>
    %convert_element_type3A_33 = arith.truncf %mul3A : vector<2000x128xf32> to vector<2000x128xbf16>
    %get3A_34 = arith.constant 0 : index
    %get3A_35 = arith.constant 0 : index
    %get3A_36 = vector.load %arg7[%get3A_34, %get3A_35] : memref<128x128xbf16, #tpu.memory_space<vmem>>, vector<128x128xbf16>
    %dot_general3A_37 = arith.constant dense<0.000000e+00> : vector<2000x128xf32>
    %dot_general3A_38 = tpu.matmul %convert_element_type3A_33, %get3A_36, %dot_general3A_37 {dimension_numbers = #tpu.dot_dimension_numbers<[1], [0], [0], [1], [0, 0, 1, 1], [], []>, transpose_lhs_hint = false} : vector<2000x128xbf16>, vector<128x128xbf16>, vector<2000x128xf32> -> vector<2000x128xf32>
    %get3A_39 = arith.constant 0 : index
    %get3A_40 = arith.constant 0 : index
    %get3A_41 = vector.load %arg8[%get3A_39, %get3A_40] : memref<1x128xf32, #tpu.memory_space<vmem>>, vector<1x128xf32>
    %add3A_42 = vector.broadcast %get3A_41 : vector<1x128xf32> to vector<2000x128xf32>
    %add3A_43 = arith.addf %dot_general3A_38, %add3A_42 : vector<2000x128xf32>
    %convert_element_type3A_44 = arith.truncf %add3A_43 : vector<2000x128xf32> to vector<2000x128xbf16>
    %get3A_45 = arith.constant 0 : index
    %get3A_46 = arith.constant 0 : index
    %get3A_47 = vector.load %arg9[%get3A_45, %get3A_46] : memref<128x128xbf16, #tpu.memory_space<vmem>>, vector<128x128xbf16>
    %dot_general3A_48 = arith.constant dense<0.000000e+00> : vector<2000x128xf32>
    %dot_general3A_49 = tpu.matmul %convert_element_type3A_44, %get3A_47, %dot_general3A_48 {dimension_numbers = #tpu.dot_dimension_numbers<[1], [0], [0], [1], [0, 0, 1, 1], [], []>, transpose_lhs_hint = false} : vector<2000x128xbf16>, vector<128x128xbf16>, vector<2000x128xf32> -> vector<2000x128xf32>
    %get3A_50 = arith.constant 0 : index
    %get3A_51 = arith.constant 0 : index
    %get3A_52 = vector.load %arg10[%get3A_50, %get3A_51] : memref<1x128xf32, #tpu.memory_space<vmem>>, vector<1x128xf32>
    %add3A_53 = vector.broadcast %get3A_52 : vector<1x128xf32> to vector<2000x128xf32>
    %add3A_54 = arith.addf %dot_general3A_49, %add3A_53 : vector<2000x128xf32>
    %logistic3A_55 = arith.negf %add3A_54 : vector<2000x128xf32>
    %logistic3A_56 = math.exp %logistic3A_55 : vector<2000x128xf32>
    %logistic3A_57 = arith.constant 1.000000e+00 : f32
    %logistic3A_58 = vector.broadcast %logistic3A_57 : f32 to vector<2000x128xf32>
    %logistic3A_59 = arith.addf %logistic3A_58, %logistic3A_56 : vector<2000x128xf32>
    %logistic3A_60 = arith.divf %logistic3A_58, %logistic3A_59 : vector<2000x128xf32>
    %mul3A_61 = arith.mulf %add3A_54, %logistic3A_60 : vector<2000x128xf32>
    %convert_element_type3A_62 = arith.truncf %mul3A_61 : vector<2000x128xf32> to vector<2000x128xbf16>
    %get3A_63 = arith.constant 0 : index
    %get3A_64 = arith.constant 0 : index
    %get3A_65 = vector.load %arg11[%get3A_63, %get3A_64] : memref<128x128xbf16, #tpu.memory_space<vmem>>, vector<128x128xbf16>
    %dot_general3A_66 = arith.constant dense<0.000000e+00> : vector<2000x128xf32>
    %dot_general3A_67 = tpu.matmul %convert_element_type3A_62, %get3A_65, %dot_general3A_66 {dimension_numbers = #tpu.dot_dimension_numbers<[1], [0], [0], [1], [0, 0, 1, 1], [], []>, transpose_lhs_hint = false} : vector<2000x128xbf16>, vector<128x128xbf16>, vector<2000x128xf32> -> vector<2000x128xf32>
    %get3A_68 = arith.constant 0 : index
    %get3A_69 = arith.constant 0 : index
    %get3A_70 = vector.load %arg12[%get3A_68, %get3A_69] : memref<1x128xf32, #tpu.memory_space<vmem>>, vector<1x128xf32>
    %add3A_71 = vector.broadcast %get3A_70 : vector<1x128xf32> to vector<2000x128xf32>
    %add3A_72 = arith.addf %dot_general3A_67, %add3A_71 : vector<2000x128xf32>
    %swap3A = arith.constant 0 : index
    %swap3A_73 = arith.constant 0 : index
    %swap3A_74 = vector.load %arg13[%swap3A, %swap3A_73] : memref<2000x128xf32, #tpu.memory_space<vmem>>, vector<2000x128xf32>
    tpu.vector_store %arg13[%swap3A, %swap3A_73], %add3A_72 {strides = array<i32>} : memref<2000x128xf32, #tpu.memory_space<vmem>>, vector<2000x128xf32>,
    return
  }
  func.func @transform_0(%arg0: i32) -> (i32, i32) {
    %c0_i32 = arith.constant 0 : i32
    %c0_i32_0 = arith.constant 0 : i32
    return %arg0, %c0_i32 : i32, i32
  }
  func.func @transform_1(%arg0: i32) -> (i32, i32, i32) {
    %c0_i32 = arith.constant 0 : i32
    %c0_i32_0 = arith.constant 0 : i32
    %c0_i32_1 = arith.constant 0 : i32
    return %c0_i32, %arg0, %c0_i32_0 : i32, i32, i32
  }
  func.func @transform_2(%arg0: i32) -> (i32, i32, i32) {
    %c1_i32 = arith.constant 1 : i32
    %c0_i32 = arith.constant 0 : i32
    %c0_i32_0 = arith.constant 0 : i32
    return %c1_i32, %arg0, %c0_i32 : i32, i32, i32
  }
  func.func @transform_3(%arg0: i32) -> (i32, i32) {
    %c0_i32 = arith.constant 0 : i32
    %c0_i32_0 = arith.constant 0 : i32
    %c0_i32_1 = arith.constant 0 : i32
    return %c0_i32, %c0_i32_0 : i32, i32
  }
  func.func @transform_4(%arg0: i32) -> (i32, i32) {
    %c0_i32 = arith.constant 0 : i32
    %c0_i32_0 = arith.constant 0 : i32
    %c0_i32_1 = arith.constant 0 : i32
    return %c0_i32, %c0_i32_0 : i32, i32
  }
  func.func @transform_5(%arg0: i32) -> (i32, i32) {
    %c0_i32 = arith.constant 0 : i32
    %c0_i32_0 = arith.constant 0 : i32
    %c0_i32_1 = arith.constant 0 : i32
    return %c0_i32, %c0_i32_0 : i32, i32
  }
  func.func @transform_6(%arg0: i32) -> (i32, i32) {
    %c0_i32 = arith.constant 0 : i32
    %c0_i32_0 = arith.constant 0 : i32
    %c0_i32_1 = arith.constant 0 : i32
    return %c0_i32, %c0_i32_0 : i32, i32
  }
  func.func @transform_7(%arg0: i32) -> (i32, i32) {
    %c0_i32 = arith.constant 0 : i32
    %c0_i32_0 = arith.constant 0 : i32
    %c0_i32_1 = arith.constant 0 : i32
    return %c0_i32, %c0_i32_0 : i32, i32
  }
  func.func @transform_8(%arg0: i32) -> (i32, i32) {
    %c0_i32 = arith.constant 0 : i32
    %c0_i32_0 = arith.constant 0 : i32
    %c0_i32_1 = arith.constant 0 : i32
    return %c0_i32, %c0_i32_0 : i32, i32
  }
  func.func @transform_9(%arg0: i32) -> (i32, i32) {
    %c0_i32 = arith.constant 0 : i32
    %c0_i32_0 = arith.constant 0 : i32
    %c0_i32_1 = arith.constant 0 : i32
    return %c0_i32, %c0_i32_0 : i32, i32
  }
  func.func @transform_10(%arg0: i32) -> (i32, i32) {
    %c0_i32 = arith.constant 0 : i32
    %c0_i32_0 = arith.constant 0 : i32
    %c0_i32_1 = arith.constant 0 : i32
    return %c0_i32, %c0_i32_0 : i32, i32
  }
  func.func @transform_11(%arg0: i32) -> (i32, i32) {
    %c0_i32 = arith.constant 0 : i32
    %c0_i32_0 = arith.constant 0 : i32
    %c0_i32_1 = arith.constant 0 : i32
    return %c0_i32, %c0_i32_0 : i32, i32
  }
  func.func @transform_12(%arg0: i32) -> (i32, i32) {
    %c0_i32 = arith.constant 0 : i32
    %c0_i32_0 = arith.constant 0 : i32
    return %arg0, %c0_i32 : i32, i32
  }
}

</mosaic_0001>

<sc_bundles>
// kernel: kernel.10.cloned.1.call-start
scs
__scs_entry_jumppad:
0x0: {  	(pc) =	sbr.rel $0x88, $3  }
0x1: {  	(tag) =	ssettag $0x0;
	lr =	simm.s32 $0x1  }
0x2: {  	[smem:$0x3F90] =	sst lr;
	_ =	strace $0xD0000000  }
0x3: {  	_ = 	snop  }
0x4: {  	_ = 	snop  }
0x5: {  	_ = 	snop  }
0x6: {  	_ = 	snop  }
0x7: {  	_ = 	snop  }
__scs_overlays_trampoline_lowered:
0x8: {  	[smem:$0x3F9F] =	sst s0  }
0x9: {  	[smem:$0x3FA0] =	sst s1  }
0xa: {  	[smem:$0x3FA1] =	sst s2  }
0xb: {  	[smem:$0x3FA2] =	sst s3  }
0xc: {  	[smem:$0x3FA3] =	sst s4  }
0xd: {  	[smem:$0x3FA4] =	sst s5  }
0xe: {  	[smem:$0x3FA5] =	sst s6  }
0xf: {  	[smem:$0x3FA6] =	sst s7  }
0x10: {  	[smem:$0x3FA7] =	sst s8  }
0x11: {  	[smem:$0x3FA8] =	sst s9;
	s0 =	simm.s32 @!p0 $0x0  }
0x12: {  	s1 =	sld [smem:$0x3F8E];
	s0 =	simm.s32 @p0 $0x1  }
0x13: {  	[smem:$0x3FA9] =	sst s0;
	s0 =	simm.s32 @!p1 $0x0  }
0x14: {  	s2 =	sld [smem:$0x3F8D];
	s0 =	simm.s32 @p1 $0x1  }
0x15: {  	[smem:$0x3FAA] =	sst s0;
	s0 =	simm.s32 @!p2 $0x0  }
0x16: {  	s3 =	sld [smem:$0x3FDB];
	s0 =	simm.s32 @p2 $0x1  }
0x17: {  	s4 =	simm.s32 $0x1BF5;
	[smem:$0x3FAC] =	sst s0  }
0x18: {  	s0 =	sld [smem:$0x3F8F];
	_ =	swait.ge [sflag:s4], $0x0  }
0x19: {  	s7 =	sld [smem:$0x3F90]  }
0x1a: {  	s8 =	sadd.s32 $0xFFFFE003, lr  }
0x1b: {  	s9 =	sadd.s32 $0xFFFFFEF7, lr;
	s5 =	simm.s32 $0xFFFFFFFF;
	p2 =	slt.u32 s8, $0xFFFFF086  }
0x1c: {  	p1 =	slt.u32 s9, $0xF7A;
	s5 =	simm.s32 @!p2 $0x0  }
0x1d: {  	s5 =	simm.s32 @p1 $0x1;
	p0 =	seq.s32 s7, s2  }
0x1e: {  	s7 =	smul.u32 @!p0 $0xF7A, s2;
	p2 =	seq.s32 @!p0 s5, $0x0  }
0x1f: {  	s9 =	smul.u32 $0xF7A, s1;
	s8 =	simm.s32 @!p0 $0x1BF5;
	p2 =	por !p2, p0  }
0x20: {  	[sflag:s8] =	ssyncset.s32 @!p0 $0xFFFFF086;
	s6 =	sadd.s32 @!p0 s3, s7;
	s7 =	simm.s32 @!p0 $0x108  }
0x21: {  	s3 =	sadd.s32 s3, s9;
	s6 =	sadd.s32 @!p0 $0x88, s6;
	s7 =	simm.s32 @p2 $0x1082  }
0x22: {  	[simem:s7], [sflag:s8] =	dma.local @!p0 [hbm:s6], $0xF7A  }
0x23: {  	s9 =	sor.u32 $0xD0000000, s2;
	s6 =	simm.s32 $0x108;
	_ =	swait.ge @!p0 [sflag:s8], $0x0  }
0x24: {  	s3 =	sadd.s32 $0x88, s3;
	s6 =	simm.s32 @!p1 $0x1082;
	[sflag:s4] =	ssyncset.s32 $0xFFFFF086  }
0x25: {  	[simem:s6], [sflag:s4] =	dma.local [hbm:s3], $0xF7A  }
0x26: {  	[smem:$0x3F90] =	sst s1;
	(tag) =	ssettag s2;
	_ =	strace s9  }
0x27: {  	s1 =	sld [smem:$0x3FA0]  }
0x28: {  	s2 =	sld [smem:$0x3FA1]  }
0x29: {  	s4 =	sld [smem:$0x3FA3]  }
0x2a: {  	p0 =	seq.s32 s5, $0x0;
	s5 =	sld [smem:$0x3FA4]  }
0x2b: {  	s6 =	sld [smem:$0x3FA5]  }
0x2c: {  	s7 =	sld [smem:$0x3FA6]  }
0x2d: {  	s3 =	simm.s32 $0x108;
	s8 =	sld [smem:$0x3FA7]  }
0x2e: {  	s3 =	simm.s32 @!p0 $0x1082;
	s9 =	sld [smem:$0x3FA8]  }
0x2f: {  	lr =	sadd.s32 s0, s3;
	s0 =	sld [smem:$0x3F9F]  }
0x30: {  	s3 =	sld [smem:$0x3FA2]  }
0x31: {  	[smem:$0x3FAB] =	sst s10  }
0x32: {  	s10 =	sld [smem:$0x3FA9];
	_ =	sdelay $0x3  }
0x33: {  	p0 =	seq.s32 s10, $0x1;
	s10 =	sld [smem:$0x3FAB];
	_ =	sdelay $0x3  }
0x34: {  	[smem:$0x3FAB] =	sst s10  }
0x35: {  	s10 =	sld [smem:$0x3FAA];
	_ =	sdelay $0x3  }
0x36: {  	p1 =	seq.s32 s10, $0x1;
	s10 =	sld [smem:$0x3FAB];
	_ =	sdelay $0x3  }
0x37: {  	[smem:$0x3FAB] =	sst s10  }
0x38: {  	s10 =	sld [smem:$0x3FAC]  }
0x39: {  	_ = 	snop;
	(pc) =	sbr.ind lr, $3  }
0x3a: {  	_ = 	snop  }
0x3b: {  	_ = 	snop  }
0x3c: {  	p2 =	seq.s32 s10, $0x1;
	s10 =	sld [smem:$0x3FAB]  }
0x3d: {  	_ =	shalt  }
0x3e: {  	_ =	shalt  }
0x3f: {  	_ =	shalt  }
0x40: {  	_ =	shalt  }
0x41: {  	_ =	shalt  }
0x42: {  	_ =	shalt  }
0x43: {  	_ =	shalt  }
0x44: {  	_ =	shalt  }
0x45: {  	_ =	shalt  }
0x46: {  	_ =	shalt  }
0x47: {  	_ =	shalt  }
0x48: {  	_ =	shalt  }
0x49: {  	_ =	shalt  }
0x4a: {  	_ =	shalt  }
0x4b: {  	_ =	shalt  }
0x4c: {  	_ =	shalt  }
0x4d: {  	_ =	shalt  }
0x4e: {  	_ =	shalt  }
0x4f: {  	_ =	shalt  }
0x50: {  	_ =	shalt  }
0x51: {  	_ =	shalt  }
0x52: {  	_ =	shalt  }
0x53: {  	_ =	shalt  }
0x54: {  	_ =	shalt  }
0x55: {  	_ =	shalt  }
0x56: {  	_ =	shalt  }
0x57: {  	_ =	shalt  }
0x58: {  	_ =	shalt  }
0x59: {  	_ =	shalt  }
0x5a: {  	_ =	shalt  }
0x5b: {  	_ =	shalt  }
0x5c: {  	_ =	shalt  }
0x5d: {  	_ =	shalt  }
0x5e: {  	_ =	shalt  }
0x5f: {  	_ =	shalt  }
0x60: {  	_ =	shalt  }
0x61: {  	_ =	shalt  }
0x62: {  	_ =	shalt  }
0x63: {  	_ =	shalt  }
0x64: {  	_ =	shalt  }
0x65: {  	_ =	shalt  }
0x66: {  	_ =	shalt  }
0x67: {  	_ =	shalt  }
0x68: {  	_ =	shalt  }
0x69: {  	_ =	shalt  }
0x6a: {  	_ =	shalt  }
0x6b: {  	_ =	shalt  }
0x6c: {  	_ =	shalt  }
0x6d: {  	_ =	shalt  }
0x6e: {  	_ =	shalt  }
0x6f: {  	_ =	shalt  }
0x70: {  	_ =	shalt  }
0x71: {  	_ =	shalt  }
0x72: {  	_ =	shalt  }
0x73: {  	_ =	shalt  }
0x74: {  	_ =	shalt  }
0x75: {  	_ =	shalt  }
0x76: {  	_ =	shalt  }
0x77: {  	_ =	shalt  }
0x78: {  	_ =	shalt  }
0x79: {  	_ =	shalt  }
0x7a: {  	_ =	shalt  }
0x7b: {  	_ =	shalt  }
0x7c: {  	_ =	shalt  }
0x7d: {  	_ =	shalt  }
0x7e: {  	_ =	shalt  }
0x7f: {  	_ =	shalt  }
0x80: {  	_ =	shalt  }
0x81: {  	_ =	shalt  }
0x82: {  	_ =	shalt  }
0x83: {  	_ =	shalt  }
0x84: {  	_ =	shalt  }
0x85: {  	_ =	shalt  }
0x86: {  	_ =	shalt  }
0x87: {  	_ =	shalt  }
.Lfunc_end0:
.L_simem_size_0:
called_computation.1_lowered:
.L_overlay_start_0:
0x88: {  	s2 =	sld [smem:$0x3FD9]  }
0x89: {  	s3 =	sld [smem:$0x3FFE];
	_ =	sdelay $0x1  }
0x8a: {  	s1 =	srdreg.scid  }
0x8b: {  	s0 =	sand.u32 $0x1, s1  }
0x8c: {  	s16 =	sshll.u32 s0, $0xA;
	s2 =	sadd.s32 s3, s2  }
0x8d: {  	s2 =	sadd.s32 s2, s16  }
0x8e: {  	[smem:$0x3FB7] =	sst s2  }
0x8f: {  	_ = 	snop  }
0x90: {  	(tm) =	ssettm $0x1  }
0x91: {  	s17 =	sld [smem:$0x3FFB];
	_ =	sdelay $0x3  }
0x92: {  	_ =	strace s17  }
0x93: {  	s2 =	sld [smem:$0x3FFC];
	_ =	sdelay $0x3  }
0x94: {  	_ =	strace s2  }
0x95: {  	s2 =	sld [smem:$0x3FFD];
	_ =	sdelay $0x3  }
0x96: {  	_ =	strace s2  }
0x97: {  	_ =	strace $0x8FFFFFFF  }
0x98: {  	s18 =	sld [smem:$0x3FDB];
	_ =	sdelay $0x1  }
0x99: {  	s19 =	simm.s32 $_scs_section_size  }
0x9a: {  	s4 =	simm.s32 $_size__tile_overlayer_lowered;
	s5 =	simm.s32 $_tile_overlayer_lowered  }
0x9b: {  	s22 =	simm.s32 $0x1BFF;
	s21 =	sshll.u32 s5, $0x1;
	s2 =	sadd.s32 s19, s18  }
0x9c: {  	s6 =	simm.s32 $0x0;
	s20 =	sshll.u32 s4, $0x1;
	s4 =	sadd.s32 s21, s2  }
0x9d: {  	[timem:s6], [sflag:s22] =	dma.local [hbm:s4], s20  }
0x9e: {  	_ =	swait.ge [sflag:s22], s20  }
0x9f: {  	s3 =	ssub.s32 $0x0, s20;
	[sflag:s22] =	ssyncset.done $0x0  }
0xa0: {  	[sflag:s22] =	ssyncadd.s32 s3;
	_ =	sdelay $0x1  }
0xa1: {  	s23 =	simm.s32 $0x1B8B  }
0xa2: {  	_ =	swait.ge [sflag:s23], $0x1  }
0xa3: {  	[sflag:s23] =	ssyncset.done $0x0  }
0xa4: {  	s25 =	simm.s32 $0x1B8E;
	s24 =	sld [smem:$0x3FFE];
	[sflag:s23] =	ssyncadd.s32 $0xFFFFFFFF  }
0xa5: {  	s26 =	simm.s32 $execute0_lowered;
	[smem:$0x3FD2] =	sst s25  }
0xa6: {  	s4 =	sshll.u32 s26, $0x1;
	_ =	strace $0x80000049;
	[dreg:$0x1] =	wrdreg $0xFFFFFFFF  }
0xa7: {  	s28 =	simm.s32 $_size_execute0_lowered;
	s2 =	sadd.s32 s2, s4;
	[dreg:$0x0] =	wrdreg $0x0  }
0xa8: {  	s4 =	sshll.u32 s28, $0x1;
	[dreg:$0x2] =	wrdreg s2  }
0xa9: {  	[dreg:$0x3] =	wrdreg s4  }
0xaa: {  	[dreg:$0x4] =	wrdreg $0xC0  }
0xab: {  	_ =	task [dreg:s6], $0x5FFFF  }
0xac: {  	[dreg:$0x1] =	wrdreg $0xFFFFFFFF  }
0xad: {  	[dreg:$0x0] =	wrdreg $0x60  }
0xae: {  	[dreg:$0x2] =	wrdreg s24  }
0xaf: {  	[dreg:$0x3] =	wrdreg $0x0  }
0xb0: {  	[dreg:$0x4] =	wrdreg $0x9  }
0xb1: {  	_ =	task.clear_ibuf [dreg:s6], $0x5FFFF;
	_ =	strace $0x90000049  }
0xb2: {  	s29 =	simm.s32 $0x9;
	_ =	strace $0x80000051  }
0xb3: {  	_ =	swait.ge [sflag:s29], $0x1  }
0xb4: {  	[sflag:s29] =	ssyncadd.s32 $0xFFFFFFFF  }
0xb5: {  	_ =	strace $0x90000051  }
0xb6: {  	_ =	sfence  }
0xb7: {  	s30 =	sld [smem:$0x0];
	_ =	sdelay $0x2  }
0xb8: {  	s31 =	sshll.u32 s1, $0xD;
	s1 =	sshrl.u32 s1, $0x2  }
0xb9: {  	s3 =	sand.u32 $0x4000, s31;
	s1 =	sadd.s32 s1, s30  }
0xba: {  	s0 =	sor.u32 s3, s0;
	s1 =	sshll.u32 s1, $0x11  }
0xbb: {  	s0 =	sor.u32 s1, s0  }
0xbc: {  	s0 =	sadd.s32 $0x8F2B, s0  }
0xbd: {  	[sflag:s0] =	ssyncadd.remote.s32 $0x1  }
0xbe: {  	_ =	sfence.sel $0xFFFF  }
0xbf: {  	[dreg:$0x0] =	wrdreg $0xFFFFFFFF;
	(pc) =	sbr.abs _section_cstart, $3  }
0xc0: {  	[dreg:$0x1] =	wrdreg $0xFFFFFFFF  }
0xc1: {  	_ =	task.clear_ibuf [dreg:s6], $0x2FFFF;
	_ =	strace $0x9FFFFFFF  }
0xc2: {  	(tm) =	ssettm $0x7FFFFFFF  }
0xc3: {  	_ =	shalt  }
tec
execute0_lowered:
.L_overlay_start_1:
0x0: {  	(tag) =	ssettag $0x1  }
0x1: {  	s0 =	srdreg.scid;
	s16 =	stileid.u32  }
0x2: {  	s4 =	rddreg [dreg:$0x0];
	s2 =	simm.s32 $0x0;
	s9 =	smul.u32 $0x14000, s16  }
0x3: {  	s0 =	sand.u32 $0x1, s0;
	[smem:$0x7FF] =	sst s2;
	s31 =	smul.u32 $0x50000, s16  }
0x4: {  	s8 =	sadd.s32 $0x17400, s4;
	s1 =	sshll.u32 s0, $0x4;
	s7 =	smul.u32 $0x140000, s0  }
0x5: {  	s0 =	ssub.s32 $0x2, s0;
	s3 =	sor.u32 s16, s1;
	s1 =	rddreg [dreg:$0x1]  }
0x6: {  	s10 =	sshrl.u32 s0, $0x1;
	s12 =	sadd.s32 $0x6000, s9;
	s13 =	sadd.s32 $0xA000, s9  }
0x7: {  	s19 =	sadd.s32 $0xC000, s9;
	s16 =	sadd.s32 $0xD600, s4;
	s5 =	smul.u32 $0x4F, s3  }
0x8: {  	s6 =	smul.u32 $0x4E, s3;
	p0 =	slt.u32 s3, $0x4;
	s0 =	ssub.s32 s0, s10  }
0x9: {  	s20 =	sadd.s32 s7, s9;
	s10 =	sadd.s32 $0x4000, s9;
	s23 =	sadd.s32 s7, s12  }
0xa: {  	s14 =	sadd.s32 s7, s13;
	s26 =	sadd.s32 s7, s19;
	s11 =	sadd.s32 s7, s10  }
0xb: {  	s14 =	sshrl.u32 s14, $0x3;
	s0 =	smax.u32 s0, $0x1;
	s3 =	sadd.s32 $0x4, s6  }
0xc: {  	s6 =	sor.u32 $0x2000, s9;
	s3 =	smov.u32 @p0 s5;
	s5 =	sshrl.u32 s20, $0x3  }
0xd: {  	s11 =	sshrl.u32 s11, $0x3;
	s21 =	sadd.s32 s7, s6;
	s5 =	sadd.s32 s8, s5  }
0xe: {  	s25 =	sadd.s32 s8, s14;
	[dreg:$0x3] =	wrdreg s5;
	s5 =	sshrl.u32 s21, $0x3  }
0xf: {  	s14 =	sadd.s32 $0xE000, s9;
	s22 =	sadd.s32 s8, s11;
	s5 =	sadd.s32 s8, s5  }
0x10: {  	s11 =	sadd.s32 $0x8000, s9;
	[dreg:$0x4] =	wrdreg s5;
	s5 =	sshrl.u32 s23, $0x3  }
0x11: {  	[dreg:$0x8] =	wrdreg s25;
	s24 =	sadd.s32 s7, s11;
	s5 =	sadd.s32 s8, s5  }
0x12: {  	s20 =	sadd.s32 $0x10000, s9;
	[dreg:$0x6] =	wrdreg s5;
	s5 =	sshrl.u32 s24, $0x3  }
0x13: {  	s28 =	sadd.s32 s7, s14;
	[dreg:$0x5] =	wrdreg s22;
	s5 =	sadd.s32 s8, s5  }
0x14: {  	s9 =	sadd.s32 $0x12000, s9;
	[dreg:$0x7] =	wrdreg s5;
	s5 =	sshrl.u32 s26, $0x3  }
0x15: {  	s15 =	sadd.s32 s7, s20;
	s30 =	sadd.s32 s7, s9;
	s5 =	sadd.s32 s8, s5  }
0x16: {  	s18 =	sshll.u32 s3, $0xB;
	[dreg:$0x9] =	wrdreg s5;
	s5 =	sshrl.u32 s28, $0x3  }
0x17: {  	s15 =	sshrl.u32 s15, $0x3;
	s21 =	sand.u32 $0x1FFFF800, s18;
	s5 =	sadd.s32 s8, s5  }
0x18: {  	s29 =	sadd.s32 s8, s15;
	[dreg:$0xa] =	wrdreg s5;
	s5 =	sshrl.u32 s30, $0x3  }
0x19: {  	s15 =	sadd.s32 $0xA02600, s4;
	[dreg:$0xb] =	wrdreg s29;
	s5 =	sadd.s32 s8, s5  }
0x1a: {  	s25 =	sadd.s32 s12, s1;
	s4 =	sadd.s32 s15, s21;
	[dreg:$0xc] =	wrdreg s5  }
0x1b: {  	s12 =	sshrl.u32 s25, $0x3;
	_ =	strace $0x8000004A;
	[dreg:$0xd] =	wrdreg s4  }
0x1c: {  	s29 =	sadd.s32 s19, s1;
	s26 =	sadd.s32 s11, s1;
	[dreg:$0xf] =	wrdreg s0  }
0x1d: {  	s28 =	sadd.s32 s13, s1;
	s13 =	sshrl.u32 s26, $0x3;
	[dreg:$0x12] =	wrdreg s12  }
0x1e: {  	s30 =	sadd.s32 s14, s1;
	s14 =	sshrl.u32 s28, $0x3;
	[dreg:$0x13] =	wrdreg s13  }
0x1f: {  	s17 =	sshrl.u32 s31, $0x2;
	s19 =	sshrl.u32 s29, $0x3;
	[dreg:$0x14] =	wrdreg s14  }
0x20: {  	s31 =	sadd.s32 s20, s1;
	s20 =	sshrl.u32 s30, $0x3;
	[dreg:$0x15] =	wrdreg s19  }
0x21: {  	s17 =	sadd.s32 s17, s1;
	s21 =	sshrl.u32 s31, $0x3;
	[dreg:$0x16] =	wrdreg s20  }
0x22: {  	s25 =	sadd.s32 $0x6000, s17;
	[dreg:$0x17] =	wrdreg s21  }
0x23: {  	s26 =	sadd.s32 $0x8000, s17;
	[dreg:$0x1b] =	wrdreg s25  }
0x24: {  	s22 =	sshll.u32 s3, $0x4;
	s28 =	sadd.s32 $0xA000, s17;
	[dreg:$0x1c] =	wrdreg s26  }
0x25: {  	s9 =	sadd.s32 s9, s1;
	s29 =	sadd.s32 $0xC000, s17;
	[dreg:$0x1d] =	wrdreg s28  }
0x26: {  	s18 =	simm.s32 $0x4F;
	s30 =	sadd.s32 $0xE000, s17;
	[dreg:$0x1e] =	wrdreg s29  }
0x27: {  	s18 =	simm.s32 @!p0 $0x4E;
	s31 =	sadd.s32 $0x10000, s17;
	[dreg:$0x1f] =	wrdreg s30  }
0x28: {  	s23 =	sadd.s32 s6, s1;
	s4 =	sadd.s32 s16, s22;
	[smem:$0x7FD] =	sst s31  }
0x29: {  	s24 =	sadd.s32 s10, s1;
	s0 =	sshrl.u32 s23, $0x3;
	[dreg:$0xe] =	wrdreg s4  }
0x2a: {  	s11 =	sadd.s32 $0xFFFFFFFF, s18;
	s22 =	sshrl.u32 s9, $0x3;
	[dreg:$0x10] =	wrdreg s0  }
0x2b: {  	s23 =	sadd.s32 $0x2000, s17;
	s12 =	sadd.s32 $0x12000, s17;
	[dreg:$0x18] =	wrdreg s22  }
0x2c: {  	s13 =	simm.s32 $0x14000;
	s4 =	sshrl.u32 s24, $0x3;
	[dreg:$0x19] =	wrdreg s23  }
0x2d: {  	s14 =	simm.s32 $0x80;
	s24 =	sadd.s32 $0x4000, s17;
	[dreg:$0x11] =	wrdreg s4  }
0x2e: {  	v0 =	vimm.f32 $0.0e+00;
	s19 =	simm.s32 $0x5;
	s20 =	simm.s32 $0x1;
	[dreg:$0x1a] =	wrdreg s24  }
.LBB2_1:
0x2f: {  	s0 =	simm.s32 $0x0;
	s4 =	simm.s32 $0x200  }
.LBB2_2:
0x30: {  	p0 =	sne.s32 s4, $0x7E00;
	[tilespmem:s0+$0x14070] =	vst v0  }
0x31: {  	[tilespmem:s0+$0x14000] =	vst v0  }
0x32: {  	[tilespmem:s0+$0x14010] =	vst v0  }
.Ltmp0:
0x33: {  	[tilespmem:s0+$0x14020] =	vst v0;
	(pc) =	sbr.rel @p0 .LBB2_2-.Ltmp0, $4  }
0x34: {  	[tilespmem:s0+$0x14030] =	vst v0  }
0x35: {  	[tilespmem:s0+$0x14040] =	vst v0  }
0x36: {  	[tilespmem:s0+$0x14050] =	vst v0  }
0x37: {  	[tilespmem:s0+$0x14060] =	vst v0;
	s0 =	sshra.s32 s4, $0x2;
	s4 =	sadd.s32 $0x200, s4  }
0x38: {  	[tilespmem:s0+$0x14070] =	vst v0  }
0x39: {  	[tilespmem:s0+$0x14000] =	vst v0  }
0x3a: {  	[tilespmem:s0+$0x14010] =	vst v0  }
0x3b: {  	[tilespmem:s0+$0x14020] =	vst v0  }
0x3c: {  	[tilespmem:s0+$0x14030] =	vst v0  }
0x3d: {  	[tilespmem:s0+$0x14040] =	vst v0  }
0x3e: {  	[tilespmem:s0+$0x14050] =	vst v0  }
0x3f: {  	[tilespmem:s0+$0x14060] =	vst v0;
	s26 =	simm.s32 $0x1  }
0x40: {  	[spmem:s17] =	stream.linear.scatter [tilespmem:s13], [sflag:$0x1], $0x2000, $0x38;
	[tilespmem:$0x1E100] =	vst v63  }
0x41: {  	_ =	swait.ge [sflag:s26], $0x2000  }
0x42: {  	[sflag:s26] =	ssyncset.done $0x0  }
0x43: {  	s9 =	rddreg [dreg:$0x19];
	[sflag:s26] =	ssyncadd.s32 $0xFFFFE000  }
0x44: {  	[spmem:s9] =	stream.linear.scatter [tilespmem:s13], [sflag:$0x1], $0x2000, $0x38;
	[tilespmem:$0x1E100] =	vst v63  }
0x45: {  	_ =	swait.ge [sflag:s26], $0x2000  }
0x46: {  	[sflag:s26] =	ssyncset.done $0x0  }
0x47: {  	s10 =	rddreg [dreg:$0x1a];
	[sflag:s26] =	ssyncadd.s32 $0xFFFFE000  }
0x48: {  	[spmem:s10] =	stream.linear.scatter [tilespmem:s13], [sflag:$0x1], $0x2000, $0x38;
	[tilespmem:$0x1E100] =	vst v63  }
0x49: {  	_ =	swait.ge [sflag:s26], $0x2000  }
0x4a: {  	[sflag:s26] =	ssyncset.done $0x0  }
0x4b: {  	s21 =	rddreg [dreg:$0x1b];
	[sflag:s26] =	ssyncadd.s32 $0xFFFFE000  }
0x4c: {  	[spmem:s21] =	stream.linear.scatter [tilespmem:s13], [sflag:$0x1], $0x2000, $0x38;
	[tilespmem:$0x1E100] =	vst v63  }
0x4d: {  	_ =	swait.ge [sflag:s26], $0x2000  }
0x4e: {  	[sflag:s26] =	ssyncset.done $0x0  }
0x4f: {  	s22 =	rddreg [dreg:$0x1c];
	[sflag:s26] =	ssyncadd.s32 $0xFFFFE000  }
0x50: {  	[spmem:s22] =	stream.linear.scatter [tilespmem:s13], [sflag:$0x1], $0x2000, $0x38;
	[tilespmem:$0x1E100] =	vst v63  }
0x51: {  	_ =	swait.ge [sflag:s26], $0x2000  }
0x52: {  	[sflag:s26] =	ssyncset.done $0x0  }
0x53: {  	s23 =	rddreg [dreg:$0x1d];
	[sflag:s26] =	ssyncadd.s32 $0xFFFFE000  }
0x54: {  	[spmem:s23] =	stream.linear.scatter [tilespmem:s13], [sflag:$0x1], $0x2000, $0x38;
	[tilespmem:$0x1E100] =	vst v63  }
0x55: {  	_ =	swait.ge [sflag:s26], $0x2000  }
0x56: {  	[sflag:s26] =	ssyncset.done $0x0  }
0x57: {  	s24 =	rddreg [dreg:$0x1e];
	[sflag:s26] =	ssyncadd.s32 $0xFFFFE000  }
0x58: {  	[spmem:s24] =	stream.linear.scatter [tilespmem:s13], [sflag:$0x1], $0x2000, $0x38;
	[tilespmem:$0x1E100] =	vst v63  }
0x59: {  	_ =	swait.ge [sflag:s26], $0x2000  }
0x5a: {  	[sflag:s26] =	ssyncset.done $0x0  }
0x5b: {  	s25 =	rddreg [dreg:$0x1f];
	[sflag:s26] =	ssyncadd.s32 $0xFFFFE000  }
0x5c: {  	[spmem:s25] =	stream.linear.scatter [tilespmem:s13], [sflag:$0x1], $0x2000, $0x38;
	[tilespmem:$0x1E100] =	vst v63  }
0x5d: {  	_ =	swait.ge [sflag:s26], $0x2000  }
0x5e: {  	s28 =	sld [smem:$0x7FD]  }
0x5f: {  	[sflag:s26] =	ssyncset.done $0x0  }
0x60: {  	[sflag:s26] =	ssyncadd.s32 $0xFFFFE000  }
0x61: {  	[spmem:s28] =	stream.linear.scatter [tilespmem:s13], [sflag:$0x1], $0x2000, $0x38;
	[tilespmem:$0x1E100] =	vst v63  }
0x62: {  	_ =	swait.ge [sflag:s26], $0x2000  }
0x63: {  	[sflag:s26] =	ssyncset.done $0x0  }
0x64: {  	[sflag:s26] =	ssyncadd.s32 $0xFFFFE000  }
0x65: {  	[spmem:s12] =	stream.linear.scatter [tilespmem:s13], [sflag:$0x1], $0x2000, $0x38;
	[tilespmem:$0x1E100] =	vst v63  }
0x66: {  	_ =	swait.ge [sflag:s26], $0x2000  }
0x67: {  	[sflag:s26] =	ssyncset.done $0x0  }
0x68: {  	[sflag:s26] =	ssyncadd.s32 $0xFFFFE000  }
0x69: {  	s4 =	simm.s32 $0x16000;
	p1 =	sne.s32 s11, $0x1;
	[bflag:$0x0] =	sbarrier.arrive $0xFFFF  }
0x6a: {  	p0 =	seq.s32 s18, $0x1;
	s21 =	simm.s32 $0x0;
	_ =	strace $0x8000004B  }
.Ltmp1:
0x6b: {  	s22 =	simm.s32 $0x1;
	s29 =	rddreg [dreg:$0xd];
	(pc) =	sbr.rel @!p1 .LBB2_4-.Ltmp1, $4  }
0x6c: {  	[tilespmem:s4], [sflag:$0x1] =	stream.linear.gather [hbm4b:s29+s21], $0x4000, $0x200038;
	[tilespmem:$0x1E100] =	vst v63  }
0x6d: {  	s31 =	simm.s32 $0x1E000;
	s22 =	simm.s32 @p0 $0x0;
	s30 =	rddreg [dreg:$0xe]  }
0x6e: {  	[tilespmem:s31], [sflag:$0x3] =	stream.linear.gather [hbm4b:s30+s21], $0x80, $0x200038;
	[tilespmem:$0x1E100] =	vst v63  }
0x6f: {  	p0 =	por $0x0, $0x0;
	s23 =	simm.s32 $0x1;
	_ =	strace $0x9000004B  }
0x70: {  	p0 =	seq.s32 s22, $0x0;
	s23 =	simm.s32 $0x2;
	s9 =	simm.s32 $0x0  }
0x71: {  	s10 =	sand.u32 $0x1, s21;
	p1 =	sne.s32 s11, $0x2;
	s0 =	sadd.s32 @!p0 s3, s22  }
0x72: {  	s4 =	sand.u32 @!p0 $0x1, s26;
	s28 =	simm.s32 @!p0 $0x0;
	s30 =	simm.s32 @!p0 $0x1  }
0x73: {  	_ =	strace @!p0 $0x8000004C;
	s31 =	sadd.s32 $0x3, s10;
	s5 =	sshll.u32 @!p0 s0, $0xB  }
0x74: {  	s24 =	sshll.u32 @!p0 s4, $0xE;
	s25 =	sadd.s32 @!p0 $0x1, s4;
	s0 =	sshll.u32 @!p0 s0, $0x4  }
0x75: {  	s29 =	sshll.u32 @!p0 s4, $0x7;
	s4 =	sadd.s32 @!p0 $0x3, s4;
	s5 =	sand.u32 @!p0 $0x1FFFF800, s5  }
0x76: {  	s24 =	sadd.s32 @!p0 $0x16000, s24;
	s0 =	sand.u32 @!p0 $0x1FFFFFF0, s0;
	s5 =	sadd.s32 @!p0 s15, s5  }
0x77: {  	[tilespmem:s24], [sflag:s25] =	stream.linear.gather @!p0 [hbm4b:s5+s28], $0x4000, $0x200038;
	[tilespmem:$0x1E100] =	vst v63  }
0x78: {  	s30 =	simm.s32 @p0 $0x0;
	s29 =	sor.u32 @!p0 $0x1E000, s29;
	_ =	strace @!p0 $0x9000004C  }
0x79: {  	s0 =	sadd.s32 @!p0 s16, s0;
	s24 =	sadd.s32 $0x1, s30;
	_ =	strace @!p0 $0x8000004D  }
0x7a: {  	[tilespmem:s29], [sflag:s4] =	stream.linear.gather @!p0 [hbm4b:s0+s28], $0x80, $0x200038;
	[tilespmem:$0x1E100] =	vst v63  }
0x7b: {  	s25 =	simm.s32 $0x0;
	s30 =	simm.s32 $0x1;
	_ =	strace @!p0 $0x9000004D  }
0x7c: {  	s29 =	sadd.s32 $0x1, s10;
	s28 =	sand.u32 $0x80, s25;
	_ =	strace $0x8000004E  }
0x7d: {  	s0 =	simm.s32 @!p0 $0x2;
	s4 =	sand.u32 $0x4000, s9;
	_ =	swait.ge [sflag:s29], $0x4000  }
0x7e: {  	s0 =	smov.u32 @p0 s26;
	p0 =	sne.s32 s22, $0x0;
	[sflag:s29] =	ssyncset.done $0x0  }
.Ltmp2:
0x7f: {  	s26 =	sadd.s32 $0x1, s22;
	[sflag:s29] =	ssyncadd.s32 $0xFFFFC000;
	(pc) =	sbr.rel @!p1 .LBB2_6-.Ltmp2, $4  }
0x80: {  	s4 =	sadd.s32 $0x16000, s4;
	s5 =	sor.u32 $0x1E000, s28;
	_ =	strace $0x9000004E  }
0x81: {  	s30 =	simm.s32 @!p0 $0x0;
	p0 =	seq.s32 s26, s18;
	_ =	strace $0x8000004F  }
0x82: {  	s28 =	simm.s32 $0x0;
	s26 =	simm.s32 @p0 $0x0;
	_ =	swait.ge [sflag:s31], $0x80  }
0x83: {  	s25 =	sadd.s32 $0x0, s30;
	p0 =	por $0x1, $0x1;
	[sflag:s31] =	ssyncset.done $0x0  }
.LBB2_7:
0x84: {  	s29 =	smov.u32 s0  }
0x85: {  	s23 =	sadd.s32 $0x1, s23;
	p1 =	seq.s32 s22, s26;
	s28 =	sadd.s32 s30, s28  }
0x86: {  	s0 =	sadd.s32 @!p1 s3, s26;
	s30 =	sand.u32 @!p1 $0x1, s29;
	[sflag:s31] =	ssyncadd.s32 $0xFFFFFF80  }
0x87: {  	s31 =	sshll.u32 @!p1 s30, $0xE;
	s6 =	sshll.u32 @!p1 s0, $0xB;
	_ =	strace $0x9000004F  }
0x88: {  	s7 =	sand.u32 @!p1 $0x1, s24;
	s6 =	sand.u32 @!p1 $0x1FFFF800, s6;
	_ =	strace $0x80000050  }
0x89: {  	[spmem:s1] =	stream.indirect.scatter.add.f32 [tilespmem:s4], [sflag:$0x5], $0x80, s5, s14, $0x2000b8;
	[tilespmem:$0x1E100] =	vst v63  }
0x8a: {  	s0 =	sshll.u32 @!p1 s0, $0x4;
	s4 =	sadd.s32 @!p1 $0x1, s30;
	s5 =	simm.s32 @!p1 $0x0  }
0x8b: {  	s0 =	sand.u32 @!p1 $0x1FFFFFF0, s0;
	s30 =	sadd.s32 @!p1 $0x16000, s31;
	s31 =	sshll.u32 @!p1 s7, $0x7  }
0x8c: {  	s8 =	simm.s32 @!p1 $0x1;
	s31 =	sor.u32 @!p1 $0x1E000, s31;
	_ =	swait.ge [sflag:s19], $0x4000  }
0x8d: {  	s6 =	sadd.s32 @!p1 s15, s6;
	s7 =	sadd.s32 @!p1 $0x3, s7;
	[sflag:s19] =	ssyncset.done $0x0  }
0x8e: {  	s8 =	simm.s32 @p1 $0x0;
	s9 =	sadd.s32 @!p1 s16, s0;
	[sflag:s19] =	ssyncadd.s32 $0xFFFFC000  }
0x8f: {  	s24 =	sadd.s32 s24, s8;
	s8 =	sshll.u32 s28, $0xE;
	_ =	strace $0x90000050  }
0x90: {  	s10 =	sshll.u32 s25, $0x7;
	s0 =	sand.u32 $0x1, s28;
	_ =	strace @!p1 $0x8000004C  }
0x91: {  	[tilespmem:s30], [sflag:s4] =	stream.linear.gather @!p1 [hbm4b:s6+s5], $0x4000, $0x200038;
	[tilespmem:$0x1E100] =	vst v63  }
0x92: {  	s4 =	sadd.s32 $0x1, s0;
	s6 =	sand.u32 $0x80, s10;
	_ =	strace @!p1 $0x9000004C  }
0x93: {  	s0 =	sadd.s32 @!p1 $0x1, s29;
	s10 =	sand.u32 $0x1, s25;
	_ =	strace @!p1 $0x8000004D  }
0x94: {  	[tilespmem:s31], [sflag:s7] =	stream.linear.gather @!p1 [hbm4b:s9+s5], $0x80, $0x200038;
	[tilespmem:$0x1E100] =	vst v63  }
0x95: {  	s0 =	smov.u32 @p1 s29;
	s31 =	sadd.s32 $0x3, s10;
	_ =	strace @!p1 $0x9000004D  }
0x96: {  	p1 =	sne.s32 s11, s23;
	_ =	strace $0x8000004E  }
0x97: {  	p2 =	sne.s32 s22, s26;
	_ =	swait.ge [sflag:s4], $0x4000  }
0x98: {  	s22 =	smov.u32 s26;
	s30 =	simm.s32 $0x1;
	[sflag:s4] =	ssyncset.done $0x0  }
.Ltmp3:
0x99: {  	[sflag:s4] =	ssyncadd.s32 $0xFFFFC000;
	s4 =	sand.u32 $0x4000, s8;
	(pc) =	sbr.rel @p1 .LBB2_7-.Ltmp3, $4  }
0x9a: {  	s26 =	sadd.s32 $0x1, s26;
	s30 =	simm.s32 @!p2 $0x0;
	_ =	strace $0x9000004E  }
0x9b: {  	p2 =	seq.s32 s26, s18;
	s4 =	sadd.s32 $0x16000, s4;
	_ =	strace $0x8000004F  }
0x9c: {  	s26 =	simm.s32 @p2 $0x0;
	s5 =	sor.u32 $0x1E000, s6;
	_ =	swait.ge [sflag:s31], $0x80  }
0x9d: {  	s25 =	sadd.s32 s30, s25;
	[sflag:s31] =	ssyncset.done $0x0  }
0x9e: {  	s29 =	smov.u32 s22;
	s22 =	smov.u32 s26;
	s26 =	smov.u32 s0  }
.LBB2_9:
0x9f: {  	[sflag:s31] =	ssyncadd.s32 @p0 $0xFFFFFF80  }
0xa0: {  	_ =	strace @p0 $0x9000004F  }
0xa1: {  	p1 =	seq.s32 s29, s22;
	_ =	strace @p0 $0x80000050  }
0xa2: {  	[spmem:s1] =	stream.indirect.scatter.add.f32 @p0 [tilespmem:s4], [sflag:$0x5], $0x80, s5, s14, $0x2000b8;
	[tilespmem:$0x1E100] =	vst v63  }
0xa3: {  	s0 =	sadd.s32 @!p1 s3, s22;
	s7 =	simm.s32 @!p1 $0x0;
	_ =	swait.ge @p0 [sflag:s19], $0x4000  }
0xa4: {  	s4 =	sand.u32 @!p1 $0x1, s26;
	s5 =	sshll.u32 @!p1 s0, $0xB;
	[sflag:s19] =	ssyncset.done @p0 $0x0  }
0xa5: {  	s0 =	sshll.u32 @!p1 s0, $0x4;
	s6 =	sshll.u32 @!p1 s4, $0xE;
	[sflag:s19] =	ssyncadd.s32 @p0 $0xFFFFC000  }
0xa6: {  	s5 =	sand.u32 @!p1 $0x1FFFF800, s5;
	s4 =	sadd.s32 @!p1 $0x1, s4;
	_ =	strace @p0 $0x90000050  }
0xa7: {  	s6 =	sadd.s32 @!p1 $0x16000, s6;
	s5 =	sadd.s32 @!p1 s15, s5;
	_ =	strace @!p1 $0x8000004C  }
0xa8: {  	[tilespmem:s6], [sflag:s4] =	stream.linear.gather @!p1 [hbm4b:s5+s7], $0x4000, $0x200038;
	[tilespmem:$0x1E100] =	vst v63  }
0xa9: {  	s0 =	sand.u32 @!p1 $0x1FFFFFF0, s0;
	s4 =	sand.u32 @!p1 $0x1, s24  }
0xaa: {  	s0 =	sadd.s32 @!p1 s16, s0;
	s5 =	sshll.u32 @!p1 s4, $0x7;
	_ =	strace @!p1 $0x9000004C  }
0xab: {  	s4 =	sadd.s32 @!p1 $0x3, s4;
	s5 =	sor.u32 @!p1 $0x1E000, s5;
	_ =	strace @!p1 $0x8000004D  }
0xac: {  	[tilespmem:s5], [sflag:s4] =	stream.linear.gather @!p1 [hbm4b:s0+s7], $0x80, $0x200038;
	[tilespmem:$0x1E100] =	vst v63  }
0xad: {  	s0 =	sadd.s32 @p0 s30, s28  }
0xae: {  	s21 =	smov.u32 @p0 s0  }
0xaf: {  	_ =	strace @!p1 $0x9000004D;
	s0 =	sand.u32 $0x1, s21  }
0xb0: {  	_ =	strace $0x8000004E;
	s0 =	sadd.s32 $0x1, s0  }
0xb1: {  	_ =	swait.ge [sflag:s0], $0x4000  }
0xb2: {  	[sflag:s0] =	ssyncset.done $0x0  }
0xb3: {  	[sflag:s0] =	ssyncadd.s32 $0xFFFFC000  }
0xb4: {  	s7 =	sand.u32 $0x1, s25;
	_ =	strace $0x9000004E  }
0xb5: {  	s0 =	sadd.s32 $0x3, s7;
	_ =	strace $0x8000004F  }
0xb6: {  	_ =	swait.ge [sflag:s0], $0x80  }
0xb7: {  	[sflag:s0] =	ssyncset.done $0x0  }
0xb8: {  	s9 =	sshll.u32 s25, $0x7;
	s8 =	sshll.u32 s21, $0xE;
	[sflag:s0] =	ssyncadd.s32 $0xFFFFFF80  }
0xb9: {  	s10 =	sand.u32 $0x80, s9;
	s4 =	sand.u32 $0x4000, s8;
	_ =	strace $0x9000004F  }
0xba: {  	s4 =	sadd.s32 $0x16000, s4;
	s0 =	sor.u32 $0x1E000, s10;
	_ =	strace $0x80000050  }
0xbb: {  	[spmem:s1] =	stream.indirect.scatter.add.f32 [tilespmem:s4], [sflag:$0x5], $0x80, s0, s14, $0x2000b8;
	[tilespmem:$0x1E100] =	vst v63  }
0xbc: {  	s0 =	sadd.s32 $0x1, s22  }
0xbd: {  	p0 =	seq.s32 s0, s18  }
0xbe: {  	_ =	swait.ge [sflag:s19], $0x4000;
	s0 =	simm.s32 @p0 $0x0;
	p0 =	sge.u32 s23, s11  }
0xbf: {  	[sflag:s19] =	ssyncset.done $0x0;
	p2 =	seq.s32 @!p0 s22, s0  }
0xc0: {  	s4 =	sadd.s32 @!p1 $0x1, s26;
	[sflag:s19] =	ssyncadd.s32 $0xFFFFC000;
	p0 =	por p2, p0  }
0xc1: {  	s4 =	smov.u32 @p1 s26;
	_ =	strace $0x90000050;
	s0 =	sadd.s32 @!p0 s3, s0  }
0xc2: {  	s4 =	sand.u32 @!p0 $0x1, s4;
	_ =	strace @!p0 $0x8000004C;
	s6 =	sshll.u32 @!p0 s0, $0xB  }
0xc3: {  	s7 =	simm.s32 @!p0 $0x0;
	s5 =	sshll.u32 @!p0 s4, $0xE;
	s6 =	sand.u32 @!p0 $0x1FFFF800, s6  }
0xc4: {  	s4 =	sadd.s32 @!p0 $0x1, s4;
	s5 =	sadd.s32 @!p0 $0x16000, s5;
	s6 =	sadd.s32 @!p0 s15, s6  }
0xc5: {  	[tilespmem:s5], [sflag:s4] =	stream.linear.gather @!p0 [hbm4b:s6+s7], $0x4000, $0x200038;
	[tilespmem:$0x1E100] =	vst v63  }
0xc6: {  	s4 =	simm.s32 @!p1 $0x1  }
0xc7: {  	s4 =	simm.s32 @p1 $0x0  }
0xc8: {  	s0 =	sshll.u32 @!p0 s0, $0x4;
	s4 =	sadd.s32 s24, s4  }
0xc9: {  	s0 =	sand.u32 @!p0 $0x1FFFFFF0, s0;
	s4 =	sand.u32 @!p0 $0x1, s4  }
0xca: {  	s0 =	sadd.s32 @!p0 s16, s0;
	_ =	strace @!p0 $0x9000004C;
	s5 =	sshll.u32 @!p0 s4, $0x7  }
0xcb: {  	_ =	strace @!p0 $0x8000004D;
	s4 =	sadd.s32 @!p0 $0x3, s4;
	s5 =	sor.u32 @!p0 $0x1E000, s5  }
0xcc: {  	[tilespmem:s5], [sflag:s4] =	stream.linear.gather @!p0 [hbm4b:s0+s7], $0x80, $0x200038;
	[tilespmem:$0x1E100] =	vst v63  }
0xcd: {  	p1 =	sne.s32 s29, s22;
	s0 =	simm.s32 $0x1  }
0xce: {  	s0 =	simm.s32 @!p1 $0x0  }
0xcf: {  	s21 =	sadd.s32 s0, s21  }
0xd0: {  	_ =	strace @!p0 $0x9000004D;
	s22 =	sand.u32 $0x1, s21  }
0xd1: {  	_ =	strace $0x8000004E;
	s5 =	sadd.s32 $0x1, s22  }
0xd2: {  	_ =	swait.ge [sflag:s5], $0x4000  }
0xd3: {  	[sflag:s5] =	ssyncset.done $0x0  }
0xd4: {  	s0 =	sadd.s32 s0, s25;
	[sflag:s5] =	ssyncadd.s32 $0xFFFFC000  }
0xd5: {  	s23 =	sand.u32 $0x1, s0;
	_ =	strace $0x9000004E  }
0xd6: {  	s5 =	sadd.s32 $0x3, s23;
	_ =	strace $0x8000004F  }
0xd7: {  	_ =	swait.ge [sflag:s5], $0x80  }
0xd8: {  	[sflag:s5] =	ssyncset.done $0x0  }
0xd9: {  	s4 =	sshll.u32 s21, $0xE;
	s0 =	sshll.u32 s0, $0x7;
	[sflag:s5] =	ssyncadd.s32 $0xFFFFFF80  }
0xda: {  	s4 =	sand.u32 $0x4000, s4;
	s0 =	sand.u32 $0x80, s0;
	_ =	strace $0x9000004F  }
0xdb: {  	s4 =	sadd.s32 $0x16000, s4;
	s0 =	sor.u32 $0x1E000, s0;
	_ =	strace $0x80000050  }
0xdc: {  	[spmem:s1] =	stream.indirect.scatter.add.f32 [tilespmem:s4], [sflag:$0x5], $0x80, s0, s14, $0x2000b8;
	[tilespmem:$0x1E100] =	vst v63  }
0xdd: {  	_ =	swait.ge [sflag:s19], $0x4000  }
0xde: {  	[sflag:s19] =	ssyncset.done $0x0  }
0xdf: {  	[sflag:s19] =	ssyncadd.s32 $0xFFFFC000  }
0xe0: {  	s24 =	stileid.u32;
	_ =	strace $0x90000050  }
0xe1: {  	s0 =	sshll.u32 s24, $0x6;
	[bflag:$0x0] =	sbarrier.arrive $0xFFFF  }
0xe2: {  	s25 =	sshrl.u32 s17, $0x3;
	s0 =	sor.u32 $0x1C01, s0;
	s26 =	rddreg [dreg:$0x3]  }
0xe3: {  	[hbm:s26], [sflag:s0] =	dma.local [spmem:s25], $0x400  }
0xe4: {  	_ =	swait.ge [sflag:s20], $0x400  }
0xe5: {  	[sflag:s20] =	ssyncset.done $0x0;
	s28 =	rddreg [dreg:$0x4]  }
0xe6: {  	s29 =	rddreg [dreg:$0x10];
	[sflag:s20] =	ssyncadd.s32 $0xFFFFFC00  }
0xe7: {  	[hbm:s28], [sflag:s0] =	dma.local [spmem:s29], $0x400  }
0xe8: {  	_ =	swait.ge [sflag:s20], $0x400  }
0xe9: {  	[sflag:s20] =	ssyncset.done $0x0;
	s30 =	rddreg [dreg:$0x5]  }
0xea: {  	s31 =	rddreg [dreg:$0x11];
	[sflag:s20] =	ssyncadd.s32 $0xFFFFFC00  }
0xeb: {  	[hbm:s30], [sflag:s0] =	dma.local [spmem:s31], $0x400  }
0xec: {  	_ =	swait.ge [sflag:s20], $0x400  }
0xed: {  	[sflag:s20] =	ssyncset.done $0x0;
	s6 =	rddreg [dreg:$0x6]  }
0xee: {  	s7 =	rddreg [dreg:$0x12];
	[sflag:s20] =	ssyncadd.s32 $0xFFFFFC00  }
0xef: {  	[hbm:s6], [sflag:s0] =	dma.local [spmem:s7], $0x400  }
0xf0: {  	_ =	swait.ge [sflag:s20], $0x400  }
0xf1: {  	[sflag:s20] =	ssyncset.done $0x0;
	s8 =	rddreg [dreg:$0x7]  }
0xf2: {  	s9 =	rddreg [dreg:$0x13];
	[sflag:s20] =	ssyncadd.s32 $0xFFFFFC00  }
0xf3: {  	[hbm:s8], [sflag:s0] =	dma.local [spmem:s9], $0x400  }
0xf4: {  	_ =	swait.ge [sflag:s20], $0x400  }
0xf5: {  	[sflag:s20] =	ssyncset.done $0x0;
	s10 =	rddreg [dreg:$0x8]  }
0xf6: {  	s21 =	rddreg [dreg:$0x14];
	[sflag:s20] =	ssyncadd.s32 $0xFFFFFC00  }
0xf7: {  	[hbm:s10], [sflag:s0] =	dma.local [spmem:s21], $0x400  }
0xf8: {  	_ =	swait.ge [sflag:s20], $0x400  }
0xf9: {  	[sflag:s20] =	ssyncset.done $0x0;
	s22 =	rddreg [dreg:$0x9]  }
0xfa: {  	s23 =	rddreg [dreg:$0x15];
	[sflag:s20] =	ssyncadd.s32 $0xFFFFFC00  }
0xfb: {  	[hbm:s22], [sflag:s0] =	dma.local [spmem:s23], $0x400  }
0xfc: {  	_ =	swait.ge [sflag:s20], $0x400  }
0xfd: {  	[sflag:s20] =	ssyncset.done $0x0;
	s24 =	rddreg [dreg:$0xa]  }
0xfe: {  	s25 =	rddreg [dreg:$0x16];
	[sflag:s20] =	ssyncadd.s32 $0xFFFFFC00  }
0xff: {  	[hbm:s24], [sflag:s0] =	dma.local [spmem:s25], $0x400  }
0x100: {  	_ =	swait.ge [sflag:s20], $0x400  }
0x101: {  	[sflag:s20] =	ssyncset.done $0x0;
	s26 =	rddreg [dreg:$0xb]  }
0x102: {  	s28 =	rddreg [dreg:$0x17];
	[sflag:s20] =	ssyncadd.s32 $0xFFFFFC00  }
0x103: {  	[hbm:s26], [sflag:s0] =	dma.local [spmem:s28], $0x400  }
0x104: {  	_ =	swait.ge [sflag:s20], $0x400  }
0x105: {  	[sflag:s20] =	ssyncset.done $0x0;
	s29 =	rddreg [dreg:$0xc]  }
0x106: {  	s30 =	rddreg [dreg:$0x18];
	[sflag:s20] =	ssyncadd.s32 $0xFFFFFC00  }
0x107: {  	[hbm:s29], [sflag:s0] =	dma.local [spmem:s30], $0x400  }
0x108: {  	_ =	swait.ge [sflag:s20], $0x400  }
0x109: {  	s2 =	sadd.s32 $0x1, s2;
	s31 =	rddreg [dreg:$0xf]  }
0x10a: {  	p0 =	sne.s32 s2, s31  }
.Ltmp4:
0x10b: {  	_ = 	snop;
	(pc) =	sbr.rel @p0 .LBB2_1-.Ltmp4, $4  }
.Ltmp5:
0x10c: {  	_ = 	snop;
	(pc) =	sbr.rel @!p0 .LBB2_10-.Ltmp5, $4  }
0x10d: {  	_ = 	snop  }
0x10e: {  	[sflag:s20] =	ssyncset.done $0x0  }
0x10f: {  	[sflag:s20] =	ssyncadd.s32 $0xFFFFFC00  }
0x110: {  	_ = 	snop  }
.LBB2_4:
.Ltmp6:
0x111: {  	(pc) =	sbr.rel .LBB2_9-.Ltmp6, $3  }
0x112: {  	_ =	sdelay $0x1  }
0x113: {  	s29 =	simm.s32 $0x0  }
0x114: {  	s28 =	simm.s32 $0x0;
	s24 =	simm.s32 $0x1;
	s25 =	simm.s32 $0x0  }
.LBB2_6:
.Ltmp7:
0x115: {  	(pc) =	sbr.rel .LBB2_9-.Ltmp7, $3  }
0x116: {  	_ =	sdelay $0x1  }
0x117: {  	s29 =	smov.u32 s22  }
0x118: {  	s22 =	smov.u32 s26;
	s28 =	simm.s32 $0x0;
	s26 =	smov.u32 s0  }
.LBB2_10:
0x119: {  	_ =	sfence.sel $0x180000  }
0x11a: {  	[bflag:$0x0] =	sbarrier.arrive $0xFFFF  }
0x11b: {  	_ =	strace $0x9000004A  }
0x11c: {  	s0 =	stileid.u32;
	[bflag:$0x2] =	sbarrier.arrive $0xFFFF  }
0x11d: {  	p0 =	sne.s32 s0, $0x0;
	s0 =	rddreg [dreg:$0x2]  }
0x11e: {  	s0 =	sadd.s32 @!p0 $0x100000, s0  }
0x11f: {  	[sflag:s0] =	ssyncadd.tile.s32 @!p0 $0x1;
	_ =	shalt  }
.Lfunc_end2:
_tile_overlayer_lowered:
.L_overlay_start_2:
0x120: {  	(tag) =	ssettag $0x2  }
0x121: {  	s0 =	rddreg [dreg:$0x0];
	s2 =	stileid.u32  }
0x122: {  	s1 =	rddreg [dreg:$0x1];
	p0 =	sne.s32 s2, $0x0  }
0x123: {  	s3 =	rddreg [dreg:$0x2];
	[bflag:$0x3] =	sbarrier.arrive $0xFFFF;
	s2 =	simm.s32 @!p0 $0x1C01  }
0x124: {  	[timem:s3], [sflag:s2] =	dma.local @!p0 [hbm:s0], s1  }
0x125: {  	s0 =	simm.s32 @!p0 $0x1  }
0x126: {  	_ =	swait.ge @!p0 [sflag:s0], s1  }
0x127: {  	s1 =	ssub.s32 @!p0 $0x0, s1;
	[sflag:s0] =	ssyncset.done @!p0 $0x0  }
0x128: {  	[sflag:s0] =	ssyncadd.s32 @!p0 s1  }
0x129: {  	[bflag:$0x3] =	sbarrier.arrive $0xFFFF  }
0x12a: {  	_ =	shalt  }

// kernel: kernel.7.cloned.1.call-start
scs
__scs_entry_jumppad:
0x0: {  	(pc) =	sbr.rel $0x88, $3  }
0x1: {  	(tag) =	ssettag $0x0;
	lr =	simm.s32 $0x1  }
0x2: {  	[smem:$0x3F90] =	sst lr;
	_ =	strace $0xD0000000  }
0x3: {  	_ = 	snop  }
0x4: {  	_ = 	snop  }
0x5: {  	_ = 	snop  }
0x6: {  	_ = 	snop  }
0x7: {  	_ = 	snop  }
__scs_overlays_trampoline_lowered:
0x8: {  	[smem:$0x3F9F] =	sst s0  }
0x9: {  	[smem:$0x3FA0] =	sst s1  }
0xa: {  	[smem:$0x3FA1] =	sst s2  }
0xb: {  	[smem:$0x3FA2] =	sst s3  }
0xc: {  	[smem:$0x3FA3] =	sst s4  }
0xd: {  	[smem:$0x3FA4] =	sst s5  }
0xe: {  	[smem:$0x3FA5] =	sst s6  }
0xf: {  	[smem:$0x3FA6] =	sst s7  }
0x10: {  	[smem:$0x3FA7] =	sst s8  }
0x11: {  	[smem:$0x3FA8] =	sst s9;
	s0 =	simm.s32 @!p0 $0x0  }
0x12: {  	s1 =	sld [smem:$0x3F8E];
	s0 =	simm.s32 @p0 $0x1  }
0x13: {  	[smem:$0x3FA9] =	sst s0;
	s0 =	simm.s32 @!p1 $0x0  }
0x14: {  	s2 =	sld [smem:$0x3F8D];
	s0 =	simm.s32 @p1 $0x1  }
0x15: {  	[smem:$0x3FAA] =	sst s0;
	s0 =	simm.s32 @!p2 $0x0  }
0x16: {  	s3 =	sld [smem:$0x3FDB];
	s0 =	simm.s32 @p2 $0x1  }
0x17: {  	s4 =	simm.s32 $0x1BF5;
	[smem:$0x3FAC] =	sst s0  }
0x18: {  	s0 =	sld [smem:$0x3F8F];
	_ =	swait.ge [sflag:s4], $0x0  }
0x19: {  	s7 =	sld [smem:$0x3F90]  }
0x1a: {  	s8 =	sadd.s32 $0xFFFFE003, lr  }
0x1b: {  	s9 =	sadd.s32 $0xFFFFFEF7, lr;
	s5 =	simm.s32 $0xFFFFFFFF;
	p2 =	slt.u32 s8, $0xFFFFF086  }
0x1c: {  	p1 =	slt.u32 s9, $0xF7A;
	s5 =	simm.s32 @!p2 $0x0  }
0x1d: {  	s5 =	simm.s32 @p1 $0x1;
	p0 =	seq.s32 s7, s2  }
0x1e: {  	s7 =	smul.u32 @!p0 $0xF7A, s2;
	p2 =	seq.s32 @!p0 s5, $0x0  }
0x1f: {  	s9 =	smul.u32 $0xF7A, s1;
	s8 =	simm.s32 @!p0 $0x1BF5;
	p2 =	por !p2, p0  }
0x20: {  	[sflag:s8] =	ssyncset.s32 @!p0 $0xFFFFF086;
	s6 =	sadd.s32 @!p0 s3, s7;
	s7 =	simm.s32 @!p0 $0x108  }
0x21: {  	s3 =	sadd.s32 s3, s9;
	s6 =	sadd.s32 @!p0 $0x88, s6;
	s7 =	simm.s32 @p2 $0x1082  }
0x22: {  	[simem:s7], [sflag:s8] =	dma.local @!p0 [hbm:s6], $0xF7A  }
0x23: {  	s9 =	sor.u32 $0xD0000000, s2;
	s6 =	simm.s32 $0x108;
	_ =	swait.ge @!p0 [sflag:s8], $0x0  }
0x24: {  	s3 =	sadd.s32 $0x88, s3;
	s6 =	simm.s32 @!p1 $0x1082;
	[sflag:s4] =	ssyncset.s32 $0xFFFFF086  }
0x25: {  	[simem:s6], [sflag:s4] =	dma.local [hbm:s3], $0xF7A  }
0x26: {  	[smem:$0x3F90] =	sst s1;
	(tag) =	ssettag s2;
	_ =	strace s9  }
0x27: {  	s1 =	sld [smem:$0x3FA0]  }
0x28: {  	s2 =	sld [smem:$0x3FA1]  }
0x29: {  	s4 =	sld [smem:$0x3FA3]  }
0x2a: {  	p0 =	seq.s32 s5, $0x0;
	s5 =	sld [smem:$0x3FA4]  }
0x2b: {  	s6 =	sld [smem:$0x3FA5]  }
0x2c: {  	s7 =	sld [smem:$0x3FA6]  }
0x2d: {  	s3 =	simm.s32 $0x108;
	s8 =	sld [smem:$0x3FA7]  }
0x2e: {  	s3 =	simm.s32 @!p0 $0x1082;
	s9 =	sld [smem:$0x3FA8]  }
0x2f: {  	lr =	sadd.s32 s0, s3;
	s0 =	sld [smem:$0x3F9F]  }
0x30: {  	s3 =	sld [smem:$0x3FA2]  }
0x31: {  	[smem:$0x3FAB] =	sst s10  }
0x32: {  	s10 =	sld [smem:$0x3FA9];
	_ =	sdelay $0x3  }
0x33: {  	p0 =	seq.s32 s10, $0x1;
	s10 =	sld [smem:$0x3FAB];
	_ =	sdelay $0x3  }
0x34: {  	[smem:$0x3FAB] =	sst s10  }
0x35: {  	s10 =	sld [smem:$0x3FAA];
	_ =	sdelay $0x3  }
0x36: {  	p1 =	seq.s32 s10, $0x1;
	s10 =	sld [smem:$0x3FAB];
	_ =	sdelay $0x3  }
0x37: {  	[smem:$0x3FAB] =	sst s10  }
0x38: {  	s10 =	sld [smem:$0x3FAC]  }
0x39: {  	_ = 	snop;
	(pc) =	sbr.ind lr, $3  }
0x3a: {  	_ = 	snop  }
0x3b: {  	_ = 	snop  }
0x3c: {  	p2 =	seq.s32 s10, $0x1;
	s10 =	sld [smem:$0x3FAB]  }
0x3d: {  	_ =	shalt  }
0x3e: {  	_ =	shalt  }
0x3f: {  	_ =	shalt  }
0x40: {  	_ =	shalt  }
0x41: {  	_ =	shalt  }
0x42: {  	_ =	shalt  }
0x43: {  	_ =	shalt  }
0x44: {  	_ =	shalt  }
0x45: {  	_ =	shalt  }
0x46: {  	_ =	shalt  }
0x47: {  	_ =	shalt  }
0x48: {  	_ =	shalt  }
0x49: {  	_ =	shalt  }
0x4a: {  	_ =	shalt  }
0x4b: {  	_ =	shalt  }
0x4c: {  	_ =	shalt  }
0x4d: {  	_ =	shalt  }
0x4e: {  	_ =	shalt  }
0x4f: {  	_ =	shalt  }
0x50: {  	_ =	shalt  }
0x51: {  	_ =	shalt  }
0x52: {  	_ =	shalt  }
0x53: {  	_ =	shalt  }
0x54: {  	_ =	shalt  }
0x55: {  	_ =	shalt  }
0x56: {  	_ =	shalt  }
0x57: {  	_ =	shalt  }
0x58: {  	_ =	shalt  }
0x59: {  	_ =	shalt  }
0x5a: {  	_ =	shalt  }
0x5b: {  	_ =	shalt  }
0x5c: {  	_ =	shalt  }
0x5d: {  	_ =	shalt  }
0x5e: {  	_ =	shalt  }
0x5f: {  	_ =	shalt  }
0x60: {  	_ =	shalt  }
0x61: {  	_ =	shalt  }
0x62: {  	_ =	shalt  }
0x63: {  	_ =	shalt  }
0x64: {  	_ =	shalt  }
0x65: {  	_ =	shalt  }
0x66: {  	_ =	shalt  }
0x67: {  	_ =	shalt  }
0x68: {  	_ =	shalt  }
0x69: {  	_ =	shalt  }
0x6a: {  	_ =	shalt  }
0x6b: {  	_ =	shalt  }
0x6c: {  	_ =	shalt  }
0x6d: {  	_ =	shalt  }
0x6e: {  	_ =	shalt  }
0x6f: {  	_ =	shalt  }
0x70: {  	_ =	shalt  }
0x71: {  	_ =	shalt  }
0x72: {  	_ =	shalt  }
0x73: {  	_ =	shalt  }
0x74: {  	_ =	shalt  }
0x75: {  	_ =	shalt  }
0x76: {  	_ =	shalt  }
0x77: {  	_ =	shalt  }
0x78: {  	_ =	shalt  }
0x79: {  	_ =	shalt  }
0x7a: {  	_ =	shalt  }
0x7b: {  	_ =	shalt  }
0x7c: {  	_ =	shalt  }
0x7d: {  	_ =	shalt  }
0x7e: {  	_ =	shalt  }
0x7f: {  	_ =	shalt  }
0x80: {  	_ =	shalt  }
0x81: {  	_ =	shalt  }
0x82: {  	_ =	shalt  }
0x83: {  	_ =	shalt  }
0x84: {  	_ =	shalt  }
0x85: {  	_ =	shalt  }
0x86: {  	_ =	shalt  }
0x87: {  	_ =	shalt  }
.Lfunc_end0:
.L_simem_size_0:
called_computation_lowered:
.L_overlay_start_0:
0x88: {  	s2 =	sld [smem:$0x3FD9]  }
0x89: {  	s3 =	sld [smem:$0x3FFE];
	_ =	sdelay $0x1  }
0x8a: {  	s1 =	srdreg.scid  }
0x8b: {  	s0 =	sand.u32 $0x1, s1  }
0x8c: {  	s17 =	sshll.u32 s0, $0xA;
	s2 =	sadd.s32 s3, s2  }
0x8d: {  	s2 =	sadd.s32 s2, s17  }
0x8e: {  	[smem:$0x3FB7] =	sst s2  }
0x8f: {  	_ = 	snop  }
0x90: {  	s2 =	sld [smem:$0x3FD0];
	(tm) =	ssettm $0x1  }
0x91: {  	s18 =	sld [smem:$0x3FFB];
	_ =	sdelay $0x3  }
0x92: {  	_ =	strace s18  }
0x93: {  	s3 =	sld [smem:$0x3FFC];
	_ =	sdelay $0x3  }
0x94: {  	_ =	strace s3  }
0x95: {  	s3 =	sld [smem:$0x3FFD];
	_ =	sdelay $0x3  }
0x96: {  	_ =	strace s3  }
0x97: {  	_ =	strace $0x8FFFFFFF  }
0x98: {  	s19 =	sld [smem:$0x3FDB];
	_ =	sdelay $0x1  }
0x99: {  	s4 =	simm.s32 $_scs_section_size  }
0x9a: {  	s5 =	simm.s32 $_size__tile_overlayer_lowered;
	s6 =	simm.s32 $_tile_overlayer_lowered  }
0x9b: {  	s22 =	simm.s32 $0x1BFF;
	s21 =	sshll.u32 s6, $0x1;
	s3 =	sadd.s32 s4, s19  }
0x9c: {  	s7 =	simm.s32 $0x0;
	s20 =	sshll.u32 s5, $0x1;
	s5 =	sadd.s32 s21, s3  }
0x9d: {  	[timem:s7], [sflag:s22] =	dma.local [hbm:s5], s20  }
0x9e: {  	_ =	swait.ge [sflag:s22], s20  }
0x9f: {  	s4 =	ssub.s32 $0x0, s20;
	[sflag:s22] =	ssyncset.done $0x0  }
0xa0: {  	[sflag:s22] =	ssyncadd.s32 s4;
	_ =	sdelay $0x1  }
0xa1: {  	s23 =	simm.s32 $0x1B8B  }
0xa2: {  	_ =	swait.ge [sflag:s23], $0x1  }
0xa3: {  	[sflag:s23] =	ssyncset.done $0x0  }
0xa4: {  	s25 =	simm.s32 $0x1B8E;
	s24 =	sld [smem:$0x3FFE];
	[sflag:s23] =	ssyncadd.s32 $0xFFFFFFFF  }
0xa5: {  	s26 =	simm.s32 $execute0_lowered;
	[smem:$0x3FD2] =	sst s25  }
0xa6: {  	s5 =	sshll.u32 s26, $0x1;
	_ =	strace $0x80000046;
	[dreg:$0x1] =	wrdreg $0xFFFFFFFF  }
0xa7: {  	s28 =	simm.s32 $_size_execute0_lowered;
	s3 =	sadd.s32 s3, s5;
	[dreg:$0x0] =	wrdreg $0x0  }
0xa8: {  	s5 =	sshll.u32 s28, $0x1;
	[dreg:$0x2] =	wrdreg s3  }
0xa9: {  	[dreg:$0x3] =	wrdreg s5  }
0xaa: {  	[dreg:$0x4] =	wrdreg $0xC0  }
0xab: {  	_ =	task [dreg:s7], $0x5FFFF  }
0xac: {  	[dreg:$0x1] =	wrdreg $0xFFFFFFFF  }
0xad: {  	[dreg:$0x0] =	wrdreg $0x60  }
0xae: {  	[dreg:$0x2] =	wrdreg s2  }
0xaf: {  	[dreg:$0x3] =	wrdreg s24  }
0xb0: {  	[dreg:$0x4] =	wrdreg $0x9  }
0xb1: {  	_ =	task.clear_ibuf [dreg:s7], $0x5FFFF;
	_ =	strace $0x90000046  }
0xb2: {  	s29 =	simm.s32 $0x9;
	_ =	strace $0x80000048  }
0xb3: {  	_ =	swait.ge [sflag:s29], $0x1  }
0xb4: {  	[sflag:s29] =	ssyncadd.s32 $0xFFFFFFFF  }
0xb5: {  	_ =	strace $0x90000048  }
0xb6: {  	_ =	sfence  }
0xb7: {  	s30 =	sld [smem:$0x0];
	_ =	sdelay $0x2  }
0xb8: {  	s31 =	sshll.u32 s1, $0xD;
	s1 =	sshrl.u32 s1, $0x2  }
0xb9: {  	s3 =	sand.u32 $0x4000, s31;
	s1 =	sadd.s32 s1, s30  }
0xba: {  	s0 =	sor.u32 s3, s0;
	s1 =	sshll.u32 s1, $0x11  }
0xbb: {  	s0 =	sor.u32 s1, s0  }
0xbc: {  	s0 =	sadd.s32 $0x8F2B, s0  }
0xbd: {  	[sflag:s0] =	ssyncadd.remote.s32 $0x1  }
0xbe: {  	_ =	sfence.sel $0xFFFF  }
0xbf: {  	[dreg:$0x0] =	wrdreg $0xFFFFFFFF;
	(pc) =	sbr.abs _section_cstart, $3  }
0xc0: {  	[dreg:$0x1] =	wrdreg $0xFFFFFFFF  }
0xc1: {  	_ =	task.clear_ibuf [dreg:s7], $0x2FFFF;
	_ =	strace $0x9FFFFFFF  }
0xc2: {  	(tm) =	ssettm $0x7FFFFFFF  }
0xc3: {  	_ =	shalt  }
tec
execute0_lowered:
.L_overlay_start_1:
0x0: {  	(tag) =	ssettag $0x1  }
0x1: {  	s1 =	rddreg [dreg:$0x0]  }
0x2: {  	s7 =	rddreg [dreg:$0x1];
	s3 =	simm.s32 $0x0;
	s4 =	srdreg.scid  }
0x3: {  	s0 =	stileid.u32;
	s13 =	simm.s32 $0x100;
	s14 =	simm.s32 $0x50  }
0x4: {  	s15 =	simm.s32 $0x200;
	s16 =	simm.s32 $0x5200;
	s17 =	simm.s32 $0x2  }
0x5: {  	s18 =	simm.s32 $0x4;
	s19 =	simm.s32 $0xCA00;
	s20 =	simm.s32 $0x5  }
0x6: {  	s21 =	simm.s32 $0x6;
	s22 =	simm.s32 $0x1;
	s23 =	simm.s32 $0x3  }
0x7: {  	s24 =	simm.s32 $0xA200;
	s25 =	simm.s32 $0x0;
	[smem:$0x7FF] =	sst s3  }
0x8: {  	s5 =	sand.u32 $0x1, s4;
	s6 =	sshll.u32 s0, $0x1;
	s4 =	sadd.s32 $0x17400, s7  }
.Ltmp0:
0x9: {  	_ =	strace $0x80000047;
	s9 =	sor.u32 s5, s6;
	(pc) =	sbr.rel .LBB2_1-.Ltmp0, $4  }
0xa: {  	s8 =	ssub.s32 $0x2, s5;
	s5 =	sadd.s32 $0x3800, s7;
	s11 =	smul.u32 $0x4E2, s9  }
0xb: {  	s6 =	sadd.s32 $0xD600, s7;
	s7 =	sadd.s32 $0x3E600, s7;
	s10 =	sshrl.u32 s8, $0x1  }
0xc: {  	s12 =	ssub.s32 s8, s10;
	s8 =	smul.u32 $0x7D, s9;
	s9 =	sadd.s32 s5, s11  }
0xd: {  	s10 =	sadd.s32 s6, s11;
	s11 =	smax.u32 s12, $0x1;
	s12 =	simm.s32 $0x7  }
.LBB2_10:
0xe: {  	s25 =	sadd.s32 $0x1, s25  }
0xf: {  	_ =	swait.ge [sflag:s20], $0x2800;
	p0 =	sne.s32 s25, s11  }
.Ltmp1:
0x10: {  	[sflag:s20] =	ssyncset.done $0x0;
	(pc) =	sbr.rel @!p0 .LBB2_11-.Ltmp1, $4  }
0x11: {  	[sflag:s20] =	ssyncadd.s32 $0xFFFFD800  }
0x12: {  	_ =	swait.ge [sflag:s21], $0x2800  }
0x13: {  	[sflag:s21] =	ssyncset.done $0x0  }
0x14: {  	[sflag:s21] =	ssyncadd.s32 $0xFFFFD800  }
.LBB2_1:
0x15: {  	[tilespmem:s3], [sflag:$0x7] =	stream.linear.gather [hbm4b:s9+s3], $0x50, $0x38;
	[tilespmem:$0xF200] =	vst v63  }
0x16: {  	_ =	swait.ge [sflag:s12], $0x50  }
0x17: {  	[sflag:s12] =	ssyncset.done $0x0  }
0x18: {  	[sflag:s12] =	ssyncadd.s32 $0xFFFFFFB0  }
0x19: {  	[tilespmem:s13], [sflag:$0x7] =	stream.linear.gather [hbm4b:s10+s3], $0x50, $0x38;
	[tilespmem:$0xF200] =	vst v63  }
0x1a: {  	_ =	swait.ge [sflag:s12], $0x50  }
.Ltmp2:
0x1b: {  	[sflag:s12] =	ssyncset.done $0x0;
	(pc) =	sbr.rel .LBB2_2-.Ltmp2, $4  }
0x1c: {  	[sflag:s12] =	ssyncadd.s32 $0xFFFFFFB0  }
0x1d: {  	[tilespmem:s15], [sflag:$0x1] =	stream.indirect.gather [hbm4b:s1+s14], $0x80, s3, s14, $0xb8;
	[tilespmem:$0xF200] =	vst v63  }
0x1e: {  	s26 =	simm.s32 $0x0  }
0x1f: {  	[tilespmem:s16], [sflag:$0x3] =	stream.indirect.gather [hbm4b:s4+s14], $0x80, s13, s14, $0xb8;
	[tilespmem:$0xF200] =	vst v63  }
.LBB2_9:
0x20: {  	s26 =	sadd.s32 $0x1, s26  }
0x21: {  	p0 =	sne.s32 s26, $0x7D  }
.Ltmp3:
0x22: {  	_ = 	snop;
	(pc) =	sbr.rel @!p0 .LBB2_10-.Ltmp3, $1  }
0x23: {  	_ =	sdelay $0x3  }
.LBB2_2:
0x24: {  	s28 =	sand.u32 $0x1, s26  }
0x25: {  	p0 =	seq.s32 s28, $0x1  }
.Ltmp4:
0x26: {  	_ = 	snop;
	(pc) =	sbr.rel @p0 .LBB2_6-.Ltmp4, $1  }
0x27: {  	_ =	sdelay $0x3  }
0x28: {  	p0 =	seq.s32 s26, $0x7C  }
0x29: {  	s29 =	sadd.s32 @!p0 s8, s26  }
0x2a: {  	s29 =	smul.u32 @!p0 $0x50, s29;
	_ =	sdelay $0x1  }
0x2b: {  	s29 =	sshrl.u32 @!p0 s29, $0x3  }
0x2c: {  	s29 =	sadd.s32 @!p0 $0xA, s29  }
0x2d: {  	s31 =	simm.s32 @!p0 $0x0;
	s0 =	simm.s32 @!p0 $0x80;
	s30 =	sadd.s32 @!p0 s5, s29  }
0x2e: {  	[tilespmem:s0], [sflag:$0x7] =	stream.linear.gather @!p0 [hbm4b:s30+s31], $0x50, $0x38;
	[tilespmem:$0xF200] =	vst v63  }
0x2f: {  	s30 =	simm.s32 @!p0 $0x7  }
0x30: {  	_ =	swait.ge @!p0 [sflag:s30], $0x50  }
0x31: {  	[sflag:s30] =	ssyncset.done @!p0 $0x0  }
0x32: {  	s2 =	simm.s32 @!p0 $0x180;
	s29 =	sadd.s32 @!p0 s6, s29;
	[sflag:s30] =	ssyncadd.s32 @!p0 $0xFFFFFFB0  }
0x33: {  	[tilespmem:s2], [sflag:$0x7] =	stream.linear.gather @!p0 [hbm4b:s29+s31], $0x50, $0x38;
	[tilespmem:$0xF200] =	vst v63  }
0x34: {  	_ =	swait.ge @!p0 [sflag:s30], $0x50  }
0x35: {  	[sflag:s30] =	ssyncset.done @!p0 $0x0  }
0x36: {  	s29 =	simm.s32 @!p0 $0x50;
	[sflag:s30] =	ssyncadd.s32 @!p0 $0xFFFFFFB0;
	s30 =	simm.s32 @!p0 $0x2A00  }
0x37: {  	[tilespmem:s30], [sflag:$0x2] =	stream.indirect.gather @!p0 [hbm4b:s1+s29], $0x80, s0, s29, $0xb8;
	[tilespmem:$0xF200] =	vst v63  }
0x38: {  	s0 =	simm.s32 @!p0 $0x7A00  }
0x39: {  	[tilespmem:s0], [sflag:$0x4] =	stream.indirect.gather @!p0 [hbm4b:s4+s29], $0x80, s2, s29, $0xb8;
	[tilespmem:$0xF200] =	vst v63  }
0x3a: {  	_ =	swait.ge [sflag:s22], $0x2800  }
0x3b: {  	[sflag:s22] =	ssyncset.done $0x0  }
0x3c: {  	[sflag:s22] =	ssyncadd.s32 $0xFFFFD800  }
0x3d: {  	_ =	swait.ge [sflag:s23], $0x2800  }
0x3e: {  	p0 =	slt.u32 s26, $0x2;
	[sflag:s23] =	ssyncset.done $0x0  }
0x3f: {  	s0 =	simm.s32 @!p0 $0x5;
	[sflag:s23] =	ssyncadd.s32 $0xFFFFD800  }
0x40: {  	_ =	swait.ge @!p0 [sflag:s0], $0x2800  }
0x41: {  	[sflag:s0] =	ssyncset.done @!p0 $0x0  }
0x42: {  	s29 =	simm.s32 $0x0;
	[sflag:s0] =	ssyncadd.s32 @!p0 $0xFFFFD800  }
0x43: {  	v0 =	vld [tilespmem:s29+$0x270]  }
0x44: {  	v1 =	vld [tilespmem:s29+$0x5270]  }
0x45: {  	v2 =	vld [tilespmem:s29+$0x200]  }
0x46: {  	v3 =	vld [tilespmem:s29+$0x5200]  }
0x47: {  	v4 =	vld [tilespmem:s29+$0x210]  }
0x48: {  	v5 =	vld [tilespmem:s29+$0x5210]  }
0x49: {  	v6 =	vld [tilespmem:s29+$0x220]  }
0x4a: {  	v7 =	vld [tilespmem:s29+$0x230]  }
0x4b: {  	v0 =	vadd.f32 v1, v0;
	v1 =	vld [tilespmem:s29+$0x5220]  }
0x4c: {  	v8 =	vld [tilespmem:s29+$0x5230]  }
0x4d: {  	v9 =	vld [tilespmem:s29+$0x5240];
	v2 =	vadd.f32 v3, v2  }
0x4e: {  	[tilespmem:s29+$0xA270] =	vst v0;
	v0 =	vadd.f32 v5, v4;
	v5 =	vld [tilespmem:s29+$0x240]  }
0x4f: {  	v3 =	vld [tilespmem:s29+$0x5250];
	[tilespmem:s29+$0xA200] =	vst v2  }
0x50: {  	v2 =	vld [tilespmem:s29+$0x250];
	[tilespmem:s29+$0xA210] =	vst v0;
	v0 =	vadd.f32 v1, v6  }
0x51: {  	v4 =	vld [tilespmem:s29+$0x5260];
	v6 =	vadd.f32 v8, v7  }
0x52: {  	s30 =	simm.s32 $0x80;
	[tilespmem:s29+$0xA220] =	vst v0;
	v0 =	vld [tilespmem:s29+$0x260]  }
0x53: {  	s31 =	simm.s32 $0x400;
	v5 =	vadd.f32 v9, v5;
	v1 =	vld [tilespmem:s30+$0x270];
	[tilespmem:s29+$0xA230] =	vst v6  }
.LBB2_4:
0x54: {  	p0 =	sne.s32 s31, $0x9E00;
	v6 =	vld [tilespmem:s30+$0x5270]  }
0x55: {  	v7 =	vld [tilespmem:s30+$0x200];
	[tilespmem:s29+$0xA240] =	vst v5;
	v2 =	vadd.f32 v3, v2  }
0x56: {  	v3 =	vld [tilespmem:s30+$0x5200]  }
0x57: {  	v5 =	vld [tilespmem:s30+$0x210];
	[tilespmem:s29+$0xA250] =	vst v2;
	v0 =	vadd.f32 v4, v0  }
0x58: {  	v2 =	vld [tilespmem:s30+$0x5210]  }
0x59: {  	v4 =	vld [tilespmem:s30+$0x220];
	v1 =	vadd.f32 v6, v1;
	[tilespmem:s29+$0xA260] =	vst v0;
	s29 =	smov.u32 s30  }
0x5a: {  	v0 =	vld [tilespmem:s29+$0x5220]  }
0x5b: {  	v3 =	vadd.f32 v3, v7;
	v6 =	vld [tilespmem:s29+$0x230];
	[tilespmem:s29+$0xA270] =	vst v1  }
0x5c: {  	v1 =	vld [tilespmem:s29+$0x5230]  }
0x5d: {  	[tilespmem:s29+$0xA200] =	vst v3;
	v2 =	vadd.f32 v2, v5;
	v5 =	vld [tilespmem:s29+$0x240]  }
0x5e: {  	v7 =	vld [tilespmem:s29+$0x5240]  }
.Ltmp5:
0x5f: {  	[tilespmem:s29+$0xA210] =	vst v2;
	v0 =	vadd.f32 v0, v4;
	v2 =	vld [tilespmem:s29+$0x250];
	(pc) =	sbr.rel @p0 .LBB2_4-.Ltmp5, $4  }
0x60: {  	v3 =	vld [tilespmem:s29+$0x5250]  }
0x61: {  	[tilespmem:s29+$0xA220] =	vst v0;
	v6 =	vadd.f32 v1, v6;
	v0 =	vld [tilespmem:s29+$0x260]  }
0x62: {  	s30 =	sshra.s32 s31, $0x2;
	v4 =	vld [tilespmem:s29+$0x5260]  }
0x63: {  	s31 =	sadd.s32 $0x200, s31;
	v1 =	vld [tilespmem:s30+$0x270];
	[tilespmem:s29+$0xA230] =	vst v6;
	v5 =	vadd.f32 v7, v5  }
0x64: {  	v6 =	vld [tilespmem:s30+$0x5270]  }
0x65: {  	v7 =	vld [tilespmem:s30+$0x200];
	[tilespmem:s29+$0xA240] =	vst v5;
	v2 =	vadd.f32 v3, v2  }
0x66: {  	v51 =	vld [tilespmem:s30+$0x5200]  }
0x67: {  	v5 =	vld [tilespmem:s30+$0x210];
	[tilespmem:s29+$0xA250] =	vst v2;
	v0 =	vadd.f32 v4, v0  }
0x68: {  	v2 =	vld [tilespmem:s30+$0x5210]  }
0x69: {  	v52 =	vld [tilespmem:s30+$0x220];
	[tilespmem:s29+$0xA260] =	vst v0  }
0x6a: {  	v54 =	vld [tilespmem:s30+$0x5220]  }
0x6b: {  	v55 =	vld [tilespmem:s30+$0x230]  }
0x6c: {  	v56 =	vld [tilespmem:s30+$0x5230]  }
0x6d: {  	v57 =	vld [tilespmem:s30+$0x240]  }
0x6e: {  	v58 =	vld [tilespmem:s30+$0x5240]  }
0x6f: {  	v59 =	vld [tilespmem:s30+$0x250]  }
0x70: {  	v53 =	vadd.f32 v6, v1;
	v60 =	vld [tilespmem:s30+$0x5250]  }
0x71: {  	v61 =	vld [tilespmem:s30+$0x260];
	v3 =	vadd.f32 v51, v7  }
0x72: {  	v62 =	vld [tilespmem:s30+$0x5260];
	[tilespmem:s30+$0xA270] =	vst v53;
	v2 =	vadd.f32 v2, v5  }
0x73: {  	[tilespmem:s30+$0xA200] =	vst v3;
	v1 =	vadd.f32 v54, v52  }
0x74: {  	[tilespmem:s30+$0xA210] =	vst v2;
	v0 =	vadd.f32 v56, v55  }
0x75: {  	p0 =	seq.s32 s28, $0x0;
	v3 =	vadd.f32 v58, v57;
	[tilespmem:s30+$0xA220] =	vst v1  }
.Ltmp6:
0x76: {  	s0 =	sadd.s32 s8, s26;
	v63 =	vadd.f32 v60, v59;
	[tilespmem:s30+$0xA230] =	vst v0;
	(pc) =	sbr.rel @p0 .LBB2_9-.Ltmp6, $4  }
0x77: {  	s0 =	smul.u32 $0x500, s0;
	[tilespmem:s30+$0xA240] =	vst v3;
	v1 =	vadd.f32 v62, v61  }
0x78: {  	[tilespmem:s30+$0xA250] =	vst v63  }
0x79: {  	s0 =	sadd.s32 s7, s0;
	[tilespmem:s30+$0xA260] =	vst v1  }
0x7a: {  	[hbm4b:s0+s3] =	stream.linear.scatter [tilespmem:s24], [sflag:$0x5], $0x2800, $0x38;
	[tilespmem:$0xF200] =	vst v63  }
.LBB2_6:
0x7b: {  	p0 =	seq.s32 s26, $0x7C  }
0x7c: {  	s0 =	sadd.s32 @!p0 s8, s26  }
0x7d: {  	s0 =	smul.u32 @!p0 $0x50, s0;
	_ =	sdelay $0x1  }
0x7e: {  	s0 =	sshrl.u32 @!p0 s0, $0x3  }
0x7f: {  	s0 =	sadd.s32 @!p0 $0xA, s0  }
0x80: {  	s28 =	simm.s32 @!p0 $0x0;
	s2 =	sadd.s32 @!p0 s5, s0  }
0x81: {  	[tilespmem:s28], [sflag:$0x7] =	stream.linear.gather @!p0 [hbm4b:s2+s28], $0x50, $0x38;
	[tilespmem:$0xF200] =	vst v63  }
0x82: {  	s2 =	simm.s32 @!p0 $0x7  }
0x83: {  	_ =	swait.ge @!p0 [sflag:s2], $0x50  }
0x84: {  	[sflag:s2] =	ssyncset.done @!p0 $0x0  }
0x85: {  	s29 =	simm.s32 @!p0 $0x100;
	s0 =	sadd.s32 @!p0 s6, s0;
	[sflag:s2] =	ssyncadd.s32 @!p0 $0xFFFFFFB0  }
0x86: {  	[tilespmem:s29], [sflag:$0x7] =	stream.linear.gather @!p0 [hbm4b:s0+s28], $0x50, $0x38;
	[tilespmem:$0xF200] =	vst v63  }
0x87: {  	_ =	swait.ge @!p0 [sflag:s2], $0x50  }
0x88: {  	[sflag:s2] =	ssyncset.done @!p0 $0x0  }
0x89: {  	s0 =	simm.s32 @!p0 $0x50;
	[sflag:s2] =	ssyncadd.s32 @!p0 $0xFFFFFFB0;
	s2 =	simm.s32 @!p0 $0x200  }
0x8a: {  	[tilespmem:s2], [sflag:$0x1] =	stream.indirect.gather @!p0 [hbm4b:s1+s0], $0x80, s28, s0, $0xb8;
	[tilespmem:$0xF200] =	vst v63  }
0x8b: {  	s2 =	simm.s32 @!p0 $0x5200  }
0x8c: {  	[tilespmem:s2], [sflag:$0x3] =	stream.indirect.gather @!p0 [hbm4b:s4+s0], $0x80, s29, s0, $0xb8;
	[tilespmem:$0xF200] =	vst v63  }
0x8d: {  	_ =	swait.ge [sflag:s17], $0x2800  }
0x8e: {  	[sflag:s17] =	ssyncset.done $0x0  }
0x8f: {  	[sflag:s17] =	ssyncadd.s32 $0xFFFFD800  }
0x90: {  	_ =	swait.ge [sflag:s18], $0x2800  }
0x91: {  	p0 =	slt.u32 s26, $0x2;
	[sflag:s18] =	ssyncset.done $0x0  }
0x92: {  	s0 =	simm.s32 @!p0 $0x6;
	[sflag:s18] =	ssyncadd.s32 $0xFFFFD800  }
0x93: {  	_ =	swait.ge @!p0 [sflag:s0], $0x2800  }
0x94: {  	[sflag:s0] =	ssyncset.done @!p0 $0x0  }
0x95: {  	s28 =	simm.s32 $0x0;
	[sflag:s0] =	ssyncadd.s32 @!p0 $0xFFFFD800  }
0x96: {  	v0 =	vld [tilespmem:s28+$0x2A70]  }
0x97: {  	v1 =	vld [tilespmem:s28+$0x7A70]  }
0x98: {  	v2 =	vld [tilespmem:s28+$0x2A00]  }
0x99: {  	v3 =	vld [tilespmem:s28+$0x7A00]  }
0x9a: {  	v4 =	vld [tilespmem:s28+$0x2A10]  }
0x9b: {  	v5 =	vld [tilespmem:s28+$0x7A10]  }
0x9c: {  	v6 =	vld [tilespmem:s28+$0x2A20]  }
0x9d: {  	v7 =	vld [tilespmem:s28+$0x2A30]  }
0x9e: {  	v0 =	vadd.f32 v1, v0;
	v1 =	vld [tilespmem:s28+$0x7A20]  }
0x9f: {  	v8 =	vld [tilespmem:s28+$0x7A30]  }
0xa0: {  	v9 =	vld [tilespmem:s28+$0x7A40];
	v2 =	vadd.f32 v3, v2  }
0xa1: {  	[tilespmem:s28+$0xCA70] =	vst v0;
	v0 =	vadd.f32 v5, v4;
	v5 =	vld [tilespmem:s28+$0x2A40]  }
0xa2: {  	v3 =	vld [tilespmem:s28+$0x7A50];
	[tilespmem:s28+$0xCA00] =	vst v2  }
0xa3: {  	v2 =	vld [tilespmem:s28+$0x2A50];
	[tilespmem:s28+$0xCA10] =	vst v0;
	v0 =	vadd.f32 v1, v6  }
0xa4: {  	v4 =	vld [tilespmem:s28+$0x7A60];
	v6 =	vadd.f32 v8, v7  }
0xa5: {  	s29 =	simm.s32 $0x80;
	[tilespmem:s28+$0xCA20] =	vst v0;
	v0 =	vld [tilespmem:s28+$0x2A60]  }
0xa6: {  	s30 =	simm.s32 $0x400;
	v5 =	vadd.f32 v9, v5;
	v1 =	vld [tilespmem:s29+$0x2A70];
	[tilespmem:s28+$0xCA30] =	vst v6  }
.LBB2_7:
0xa7: {  	p0 =	sne.s32 s30, $0x9E00;
	v6 =	vld [tilespmem:s29+$0x7A70]  }
0xa8: {  	v7 =	vld [tilespmem:s29+$0x2A00];
	[tilespmem:s28+$0xCA40] =	vst v5;
	v2 =	vadd.f32 v3, v2  }
0xa9: {  	v3 =	vld [tilespmem:s29+$0x7A00]  }
0xaa: {  	v5 =	vld [tilespmem:s29+$0x2A10];
	[tilespmem:s28+$0xCA50] =	vst v2;
	v0 =	vadd.f32 v4, v0  }
0xab: {  	v2 =	vld [tilespmem:s29+$0x7A10]  }
0xac: {  	v4 =	vld [tilespmem:s29+$0x2A20];
	v1 =	vadd.f32 v6, v1;
	[tilespmem:s28+$0xCA60] =	vst v0;
	s28 =	smov.u32 s29  }
0xad: {  	v0 =	vld [tilespmem:s28+$0x7A20]  }
0xae: {  	v3 =	vadd.f32 v3, v7;
	v6 =	vld [tilespmem:s28+$0x2A30];
	[tilespmem:s28+$0xCA70] =	vst v1  }
0xaf: {  	v1 =	vld [tilespmem:s28+$0x7A30]  }
0xb0: {  	[tilespmem:s28+$0xCA00] =	vst v3;
	v2 =	vadd.f32 v2, v5;
	v5 =	vld [tilespmem:s28+$0x2A40]  }
0xb1: {  	v7 =	vld [tilespmem:s28+$0x7A40]  }
.Ltmp7:
0xb2: {  	[tilespmem:s28+$0xCA10] =	vst v2;
	v0 =	vadd.f32 v0, v4;
	v2 =	vld [tilespmem:s28+$0x2A50];
	(pc) =	sbr.rel @p0 .LBB2_7-.Ltmp7, $4  }
0xb3: {  	v3 =	vld [tilespmem:s28+$0x7A50]  }
0xb4: {  	[tilespmem:s28+$0xCA20] =	vst v0;
	v6 =	vadd.f32 v1, v6;
	v0 =	vld [tilespmem:s28+$0x2A60]  }
0xb5: {  	s29 =	sshra.s32 s30, $0x2;
	v4 =	vld [tilespmem:s28+$0x7A60]  }
0xb6: {  	s30 =	sadd.s32 $0x200, s30;
	v1 =	vld [tilespmem:s29+$0x2A70];
	[tilespmem:s28+$0xCA30] =	vst v6;
	v5 =	vadd.f32 v7, v5  }
0xb7: {  	v6 =	vld [tilespmem:s29+$0x7A70]  }
0xb8: {  	v7 =	vld [tilespmem:s29+$0x2A00];
	[tilespmem:s28+$0xCA40] =	vst v5;
	v2 =	vadd.f32 v3, v2  }
0xb9: {  	v51 =	vld [tilespmem:s29+$0x7A00]  }
0xba: {  	v5 =	vld [tilespmem:s29+$0x2A10];
	[tilespmem:s28+$0xCA50] =	vst v2;
	v0 =	vadd.f32 v4, v0  }
0xbb: {  	v2 =	vld [tilespmem:s29+$0x7A10]  }
0xbc: {  	v52 =	vld [tilespmem:s29+$0x2A20];
	[tilespmem:s28+$0xCA60] =	vst v0  }
0xbd: {  	v54 =	vld [tilespmem:s29+$0x7A20]  }
0xbe: {  	v55 =	vld [tilespmem:s29+$0x2A30]  }
0xbf: {  	v56 =	vld [tilespmem:s29+$0x7A30]  }
0xc0: {  	v57 =	vld [tilespmem:s29+$0x2A40]  }
0xc1: {  	v58 =	vld [tilespmem:s29+$0x7A40]  }
0xc2: {  	v59 =	vld [tilespmem:s29+$0x2A50]  }
0xc3: {  	v53 =	vadd.f32 v6, v1;
	v60 =	vld [tilespmem:s29+$0x7A50]  }
0xc4: {  	v61 =	vld [tilespmem:s29+$0x2A60];
	v3 =	vadd.f32 v51, v7  }
0xc5: {  	v62 =	vld [tilespmem:s29+$0x7A60];
	[tilespmem:s29+$0xCA70] =	vst v53;
	v2 =	vadd.f32 v2, v5  }
0xc6: {  	[tilespmem:s29+$0xCA00] =	vst v3;
	v1 =	vadd.f32 v54, v52  }
0xc7: {  	[tilespmem:s29+$0xCA10] =	vst v2;
	v0 =	vadd.f32 v56, v55  }
0xc8: {  	v3 =	vadd.f32 v58, v57;
	[tilespmem:s29+$0xCA20] =	vst v1  }
.Ltmp8:
0xc9: {  	s0 =	sadd.s32 s8, s26;
	v63 =	vadd.f32 v60, v59;
	[tilespmem:s29+$0xCA30] =	vst v0;
	(pc) =	sbr.rel .LBB2_9-.Ltmp8, $4  }
0xca: {  	s0 =	smul.u32 $0x500, s0;
	[tilespmem:s29+$0xCA40] =	vst v3;
	v1 =	vadd.f32 v62, v61  }
0xcb: {  	[tilespmem:s29+$0xCA50] =	vst v63  }
0xcc: {  	s0 =	sadd.s32 s7, s0;
	[tilespmem:s29+$0xCA60] =	vst v1  }
0xcd: {  	[hbm4b:s0+s3] =	stream.linear.scatter [tilespmem:s19], [sflag:$0x6], $0x2800, $0x38;
	[tilespmem:$0xF200] =	vst v63  }
.LBB2_11:
0xce: {  	_ =	sfence.sel $0x180000  }
0xcf: {  	[bflag:$0x0] =	sbarrier.arrive $0xFFFF  }
0xd0: {  	_ =	strace $0x90000047  }
0xd1: {  	s0 =	stileid.u32;
	[bflag:$0x2] =	sbarrier.arrive $0xFFFF  }
0xd2: {  	p0 =	sne.s32 s0, $0x0;
	s0 =	rddreg [dreg:$0x2]  }
0xd3: {  	s0 =	sadd.s32 @!p0 $0x100000, s0  }
0xd4: {  	[sflag:s0] =	ssyncadd.tile.s32 @!p0 $0x1;
	_ =	shalt  }
.Lfunc_end2:
_tile_overlayer_lowered:
.L_overlay_start_2:
0xd5: {  	(tag) =	ssettag $0x2  }
0xd6: {  	s0 =	rddreg [dreg:$0x0];
	s2 =	stileid.u32  }
0xd7: {  	s1 =	rddreg [dreg:$0x1];
	p0 =	sne.s32 s2, $0x0  }
0xd8: {  	s3 =	rddreg [dreg:$0x2];
	[bflag:$0x3] =	sbarrier.arrive $0xFFFF;
	s2 =	simm.s32 @!p0 $0x1C08  }
0xd9: {  	[timem:s3], [sflag:s2] =	dma.local @!p0 [hbm:s0], s1  }
0xda: {  	s0 =	simm.s32 @!p0 $0x8  }
0xdb: {  	_ =	swait.ge @!p0 [sflag:s0], s1  }
0xdc: {  	s1 =	ssub.s32 @!p0 $0x0, s1;
	[sflag:s0] =	ssyncset.done @!p0 $0x0  }
0xdd: {  	[sflag:s0] =	ssyncadd.s32 @!p0 s1  }
0xde: {  	[bflag:$0x3] =	sbarrier.arrive $0xFFFF  }
0xdf: {  	_ =	shalt  }

</sc_bundles>
